<compile_context>
chip_gen: v7x
topology: tpu7x:2x2x1
jax: 0.10.2.dev20260603
libtpu: 0.0.44.dev20260713+nightly
codegen_flags: <defaults>
</compile_context>

<pallas_src>
import functools

import jax
import jax.numpy as jnp
from jax import lax
from jax.experimental import pallas as pl
from jax.experimental.pallas import tpu as pltpu
from jax.experimental.pallas import tpu_sc as plsc

F32 = jnp.float32
I32 = jnp.int32

_NC = 2
_NS = 16
_NW = _NC * _NS
_CHUNK = 128
_G = 64


def _dot(a, b):
    return jnp.dot(a, b, preferred_element_type=F32)


def _sc_mesh():
    return plsc.VectorSubcoreMesh(core_axis_name="c", subcore_axis_name="s")


def _make_deg_kernel(nch, n_acc, rpt):

    @functools.partial(
        pl.kernel,
        out_type=jax.ShapeDtypeStruct((_NC * n_acc,), F32),
        mesh=_sc_mesh(),
        scratch_types=[
            pltpu.VMEM((nch, _CHUNK), I32),
            pltpu.VMEM((_CHUNK,), F32),
            pltpu.VMEM_SHARED((n_acc,), F32),
            pltpu.SemaphoreType.DMA,
        ],
    )
    def deg_kernel(dst_hbm, zeros_hbm, ones_hbm, out_hbm, dst_v, ones_v, acc, sem):
        cid = lax.axis_index("c")
        sid = lax.axis_index("s")
        wid = cid * _NS + sid
        zero_cp = pltpu.async_copy(zeros_hbm, acc.at[pl.ds(sid * rpt, rpt)],
                                   sem)
        pltpu.sync_copy(dst_hbm.at[pl.ds(wid * nch, nch)], dst_v)
        pltpu.sync_copy(ones_hbm, ones_v)
        zero_cp.wait()
        plsc.subcore_barrier()

        def body(j, carry):
            pltpu.sync_copy(ones_v, acc.at[dst_v.at[j]], add=True)
            return carry

        lax.fori_loop(0, nch, body, 0)
        plsc.subcore_barrier()
        pltpu.sync_copy(acc.at[pl.ds(sid * rpt, rpt)],
                        out_hbm.at[pl.ds(cid * n_acc + sid * rpt, rpt)])

    return deg_kernel


def _make_agg_kernel(nch, n_acc, rpt, d):

    @functools.partial(
        pl.kernel,
        out_type=jax.ShapeDtypeStruct((_NC, n_acc, d), F32),
        mesh=_sc_mesh(),
        scratch_types=[
            pltpu.VMEM((nch // 2, _CHUNK), I32),
            pltpu.VMEM((nch // 2, _CHUNK), I32),
            pltpu.VMEM((_CHUNK, d), F32),
            pltpu.VMEM((_CHUNK, d), F32),
            pltpu.VMEM_SHARED((n_acc, d), F32),
            pltpu.SemaphoreType.DMA,
            pltpu.SemaphoreType.DMA,
        ],
    )
    def agg_kernel(y_hbm, src_hbm, dst_hbm, zeros_hbm, out_hbm,
                   src_v, dst_v, rows0, rows1, acc, sem0, sem1):
        cid = lax.axis_index("c")
        sid = lax.axis_index("s")
        wid = cid * _NS + sid
        nh = nch // 2
        zero_cp = pltpu.async_copy(zeros_hbm, acc.at[pl.ds(sid * rpt, rpt)],
                                   sem1)

        for half in range(2):
            base = wid * nch + half * nh
            pltpu.sync_copy(src_hbm.at[pl.ds(base, nh)], src_v)
            pltpu.sync_copy(dst_hbm.at[pl.ds(base, nh)], dst_v)
            if half == 0:
                zero_cp.wait()
                plsc.subcore_barrier()
            pltpu.async_copy(y_hbm.at[src_v.at[0]], rows0, sem0)

            def body(jj, carry):
                j0 = 2 * jj
                j1 = j0 + 1
                pltpu.async_copy(y_hbm.at[src_v.at[j1]], rows1, sem1)
                pltpu.make_async_copy(y_hbm.at[src_v.at[j0]], rows0,
                                      sem0).wait()
                pltpu.sync_copy(rows0, acc.at[dst_v.at[j0]], add=True)

                @pl.when(j0 + 2 < nh)
                def _():
                    pltpu.async_copy(y_hbm.at[src_v.at[j0 + 2]], rows0, sem0)

                pltpu.make_async_copy(y_hbm.at[src_v.at[j1]], rows1,
                                      sem1).wait()
                pltpu.sync_copy(rows1, acc.at[dst_v.at[j1]], add=True)
                return carry

            lax.fori_loop(0, nh // 2, body, 0)
        plsc.subcore_barrier()
        pltpu.sync_copy(acc.at[pl.ds(sid * rpt, rpt)],
                        out_hbm.at[cid, pl.ds(sid * rpt, rpt)])

    return agg_kernel


def kernel(x, edge_index, batch, W1, b1, W2, b2, W3, b3, Wl1, bl1, Wl2, bl2):
    n, d = x.shape
    e = edge_index.shape[1]

    rpt = ((-(-(n + 1) // _NS)) + 127) // 128 * 128
    n_acc = rpt * _NS
    epc = _NW * _CHUNK
    nch = (-(-e // epc) + 7) // 8 * 8
    e_pad = nch * epc
    pad = e_pad - e

    src = edge_index[0]
    dst = edge_index[1]
    if pad:
        pad_i = jnp.arange(pad, dtype=I32)
        src = jnp.concatenate([src, pad_i % min(n, 1024)])
        dst = jnp.concatenate([dst, n + pad_i % (n_acc - n)])
    src2 = src.reshape(_NW * nch, _CHUNK)
    dst2 = dst.reshape(_NW * nch, _CHUNK)

    zeros_r = jnp.zeros((rpt,), F32)
    zeros_rd = jnp.zeros((rpt, d), F32)
    ones_c = jnp.ones((_CHUNK,), F32)

    deg_k = _make_deg_kernel(nch, n_acc, rpt)
    agg_k = _make_agg_kernel(nch, n_acc, rpt, d)

    deg = deg_k(dst2, zeros_r, ones_c)
    d0 = deg[:n].reshape(n, 1)
    d1 = deg[n_acc:n_acc + n].reshape(n, 1)

    def t1_body(x_ref, w_ref, d0_ref, d1_ref, y_ref, dinv_ref):
        dinv = lax.rsqrt(1.0 + d0_ref[...] + d1_ref[...])
        xw = _dot(x_ref[...], w_ref[...])
        y_ref[...] = dinv * xw
        dinv_ref[...] = dinv

    y, dinv = pl.pallas_call(
        t1_body,
        out_shape=(jax.ShapeDtypeStruct((n, d), F32),
                   jax.ShapeDtypeStruct((n, 1), F32)),
    )(x, W1, d0, d1)

    def t2_body(z_ref, y_ref, dinv_ref, b_ref, w_ref, yn_ref):
        dinv = dinv_ref[...]
        agg = z_ref[0, 0:n, :] + z_ref[1, 0:n, :] + y_ref[...]
        h = jnp.maximum(dinv * agg + b_ref[...], 0.0)
        yn_ref[...] = dinv * _dot(h, w_ref[...])

    t2 = pl.pallas_call(t2_body, out_shape=jax.ShapeDtypeStruct((n, d), F32))

    z = agg_k(y, src2, dst2, zeros_rd)
    y = t2(z, y, dinv, b1.reshape(1, d), W2)
    z = agg_k(y, src2, dst2, zeros_rd)
    y = t2(z, y, dinv, b2.reshape(1, d), W3)
    z = agg_k(y, src2, dst2, zeros_rd)

    def t3_body(z_ref, y_ref, dinv_ref, b_ref, batch_ref,
                wl1_ref, bl1_ref, wl2_ref, bl2_ref, out_ref):
        dinv = dinv_ref[...]
        h3 = dinv * (z_ref[0, 0:n, :] + z_ref[1, 0:n, :] + y_ref[...]) + b_ref[...]
        gids = lax.broadcasted_iota(I32, (_G, n), 0)
        oh = (batch_ref[...] == gids).astype(F32)
        h3h = h3.astype(jnp.bfloat16).astype(F32)
        sums = _dot(oh, h3h) + _dot(oh, h3 - h3h)
        cnts = jnp.sum(oh, axis=1, keepdims=True)
        pooled = sums / jnp.maximum(cnts, 1.0)
        h2 = jnp.maximum(
            _dot(pooled, wl1_ref[...]) + bl1_ref[...], 0.0)
        out_ref[...] = _dot(h2, wl2_ref[...]) + bl2_ref[...]

    out = pl.pallas_call(
        t3_body, out_shape=jax.ShapeDtypeStruct((_G, 1), F32),
    )(z, y, dinv, b3.reshape(1, d), batch.reshape(1, n),
      Wl1, bl1.reshape(1, -1), Wl2, bl2.reshape(1, 1))
    return out

# --- scband reference (transcript-rebuilt; emitter-appended) ---
"""Pipeline reference for scband-gcn-9216999817919 (READ-ONLY COPY).

The authoritative reference and input builder live on the scoring server;
editing this copy changes nothing except your own understanding.
"""

import jax, jax.numpy as jnp
import numpy as np

N = 10000
E = 320000
D = 128
NUM_GRAPHS = 64


def _glorot(k, shape):
    lim = float(np.sqrt(6.0 / (shape[0] + shape[1])))
    return jax.random.uniform(k, shape, jnp.float32, -lim, lim)


def setup_inputs(seed: int = 0) -> dict:
    key = jax.random.key(seed)
    ks = jax.random.split(key, 10)
    inp = {}
    inp["x"] = jax.random.normal(ks[0], (N, D), dtype=jnp.float32)
    inp["edge_index"] = jax.random.randint(ks[1], (2, E), 0, N, dtype=jnp.int32)
    inp["batch"] = jnp.sort(jax.random.randint(ks[2], (N,), 0, NUM_GRAPHS, dtype=jnp.int32))
    inp["W1"] = _glorot(ks[3], (D, D)); inp["b1"] = jnp.zeros((D,), jnp.float32)
    inp["W2"] = _glorot(ks[4], (D, D)); inp["b2"] = jnp.zeros((D,), jnp.float32)
    inp["W3"] = _glorot(ks[5], (D, D)); inp["b3"] = jnp.zeros((D,), jnp.float32)
    inp["Wl1"] = _glorot(ks[6], (D, 64)); inp["bl1"] = jnp.zeros((64,), jnp.float32)
    inp["Wl2"] = _glorot(ks[7], (64, 1)); inp["bl2"] = jnp.zeros((1,), jnp.float32)
    return inp


def _gcn_conv(x, src, dst, W, b):
    # GCNConv with self-loops already appended to (src, dst):
    # out = D^{-1/2} (A+I) D^{-1/2} X W + b
    xw = x @ W
    deg = jnp.zeros((N,), jnp.float32).at[dst].add(1.0)
    dinv = jnp.where(deg > 0, jax.lax.rsqrt(jnp.maximum(deg, 1e-12)), 0.0)
    norm = dinv[src] * dinv[dst]
    msg = xw[src] * norm[:, None]
    out = jax.ops.segment_sum(msg, dst, num_segments=N)
    return out + b


def reference(x, edge_index, batch, W1, b1, W2, b2, W3, b3, Wl1, bl1, Wl2, bl2):
    loop = jnp.arange(N, dtype=edge_index.dtype)
    src = jnp.concatenate([edge_index[0], loop])
    dst = jnp.concatenate([edge_index[1], loop])
    # conv stack: conv_len=3 -> 2 convs with relu, final conv without activation
    h = jax.nn.relu(_gcn_conv(x, src, dst, W1, b1))
    h = jax.nn.relu(_gcn_conv(h, src, dst, W2, b2))
    h = _gcn_conv(h, src, dst, W3, b3)
    # global_mean_pool over graph ids
    sums = jax.ops.segment_sum(h, batch, num_segments=NUM_GRAPHS)
    cnts = jax.ops.segment_sum(jnp.ones((N,), jnp.float32), batch, num_segments=NUM_GRAPHS)
    pooled = sums / jnp.maximum(cnts, 1.0)[:, None]
    # dropout p=0.0 / eval mode -> identity
    h2 = jax.nn.relu(pooled @ Wl1 + bl1)
    out = h2 @ Wl2 + bl2
    return out

if __name__ == "__main__":
    import jax
    _d = setup_inputs()
    print(jax.jit(kernel)(*tuple(_d.values())))

</pallas_src>

<mosaic_0001>
#map = affine_map<(d0, d1) -> (0, 0)>
#map1 = affine_map<(d0, d1) -> (0, 0, 0)>
module attributes {stable_mosaic.version = 14 : i64} {
  func.func @agg_kernel(%arg0: i32, %arg1: i32, %arg2: memref<10000x128xf32, #tpu.memory_space<hbm>>, %arg3: memref<2560x128xi32, #tpu.memory_space<hbm>>, %arg4: memref<2560x128xi32, #tpu.memory_space<hbm>>, %arg5: memref<640x128xf32, #tpu.memory_space<hbm>>, %arg6: memref<2x10240x128xf32, #tpu.memory_space<hbm>>, %arg7: memref<40x128xi32, #tpu.memory_space<vmem>>, %arg8: memref<40x128xi32, #tpu.memory_space<vmem>>, %arg9: memref<128x128xf32, #tpu.memory_space<vmem>>, %arg10: memref<128x128xf32, #tpu.memory_space<vmem>>, %arg11: memref<10240x128xf32, #tpu.memory_space<vmem_shared>>, %arg12: memref<!tpu.dma_semaphore, #tpu.memory_space<semaphore_mem>>, %arg13: memref<!tpu.dma_semaphore, #tpu.memory_space<semaphore_mem>>) attributes {dimension_semantics = [#tpu.dimension_semantics<core_parallel>, #tpu.dimension_semantics<subcore_parallel>], iteration_bounds = array<i64: 2, 16>, scalar_prefetch = 0 : i64, scratch_operands = 7 : i64, tpu.core_type = #tpu.core_type<sc_vector_subcore>, window_params = [{transform_indices = #map}, {transform_indices = #map}, {transform_indices = #map}, {transform_indices = #map}, {transform_indices = #map1}]} {
    %mul3A = arith.constant 16 : i32
    %mul3A_0 = arith.muli %arg0, %mul3A : i32
    %add3A = arith.addi %mul3A_0, %arg1 : i32
    %mul3A_1 = arith.constant 640 : i32
    %mul3A_2 = arith.muli %arg1, %mul3A_1 : i32
    %dma_start3A = arith.constant 0 : i32
    %dma_start3A_3 = tpu.memref_slice %arg11[%mul3A_2, %dma_start3A] : memref<10240x128xf32, #tpu.memory_space<vmem_shared>> -> memref<640x128xf32, #tpu.memory_space<vmem_shared>>
    tpu.enqueue_dma source(%arg5 : memref<640x128xf32, #tpu.memory_space<hbm>>) target(%dma_start3A_3 : memref<640x128xf32, #tpu.memory_space<vmem_shared>>) target_semaphore(%arg13 : memref<!tpu.dma_semaphore, #tpu.memory_space<semaphore_mem>>)
    %mul3A_4 = arith.constant 80 : i32
    %mul3A_5 = arith.muli %add3A, %mul3A_4 : i32
    %add3A_6 = arith.constant 0 : i32
    %add3A_7 = arith.addi %mul3A_5, %add3A_6 : i32
    "tpu.region"() ({
      %run_scoped3A = tpu.sem_alloc : memref<!tpu.dma_semaphore, #tpu.memory_space<semaphore_mem>>
      %dma_start3A_43 = arith.constant 0 : i32
      %dma_start3A_44 = tpu.memref_slice %arg3[%add3A_7, %dma_start3A_43] : memref<2560x128xi32, #tpu.memory_space<hbm>> -> memref<40x128xi32, #tpu.memory_space<hbm>>
      %dma_start3A_45 = arith.constant 0 : i32
      %dma_start3A_46 = tpu.memref_slice %arg3[%add3A_7, %dma_start3A_45] : memref<2560x128xi32, #tpu.memory_space<hbm>> -> memref<40x128xi32, #tpu.memory_space<hbm>>
      tpu.enqueue_dma source(%dma_start3A_46 : memref<40x128xi32, #tpu.memory_space<hbm>>) target(%arg7 : memref<40x128xi32, #tpu.memory_space<vmem>>) target_semaphore(%run_scoped3A : memref<!tpu.dma_semaphore, #tpu.memory_space<semaphore_mem>>)
      %dma_wait3A_47 = arith.constant 0 : i32
      %dma_wait3A_48 = tpu.memref_slice %arg3[%add3A_7, %dma_wait3A_47] : memref<2560x128xi32, #tpu.memory_space<hbm>> -> memref<40x128xi32, #tpu.memory_space<hbm>>
      %dma_wait3A_49 = arith.constant 0 : i32
      %dma_wait3A_50 = tpu.memref_slice %arg3[%add3A_7, %dma_wait3A_49] : memref<2560x128xi32, #tpu.memory_space<hbm>> -> memref<40x128xi32, #tpu.memory_space<hbm>>
      tpu.wait_dma2 semaphore(%run_scoped3A : memref<!tpu.dma_semaphore, #tpu.memory_space<semaphore_mem>>) src(%dma_wait3A_50 : memref<40x128xi32, #tpu.memory_space<hbm>>) dst(%arg7 : memref<40x128xi32, #tpu.memory_space<vmem>>)
      tpu.yield
    }) : () -> ()
    "tpu.region"() ({
      %run_scoped3A = tpu.sem_alloc : memref<!tpu.dma_semaphore, #tpu.memory_space<semaphore_mem>>
      %dma_start3A_43 = arith.constant 0 : i32
      %dma_start3A_44 = tpu.memref_slice %arg4[%add3A_7, %dma_start3A_43] : memref<2560x128xi32, #tpu.memory_space<hbm>> -> memref<40x128xi32, #tpu.memory_space<hbm>>
      %dma_start3A_45 = arith.constant 0 : i32
      %dma_start3A_46 = tpu.memref_slice %arg4[%add3A_7, %dma_start3A_45] : memref<2560x128xi32, #tpu.memory_space<hbm>> -> memref<40x128xi32, #tpu.memory_space<hbm>>
      tpu.enqueue_dma source(%dma_start3A_46 : memref<40x128xi32, #tpu.memory_space<hbm>>) target(%arg8 : memref<40x128xi32, #tpu.memory_space<vmem>>) target_semaphore(%run_scoped3A : memref<!tpu.dma_semaphore, #tpu.memory_space<semaphore_mem>>)
      %dma_wait3A_47 = arith.constant 0 : i32
      %dma_wait3A_48 = tpu.memref_slice %arg4[%add3A_7, %dma_wait3A_47] : memref<2560x128xi32, #tpu.memory_space<hbm>> -> memref<40x128xi32, #tpu.memory_space<hbm>>
      %dma_wait3A_49 = arith.constant 0 : i32
      %dma_wait3A_50 = tpu.memref_slice %arg4[%add3A_7, %dma_wait3A_49] : memref<2560x128xi32, #tpu.memory_space<hbm>> -> memref<40x128xi32, #tpu.memory_space<hbm>>
      tpu.wait_dma2 semaphore(%run_scoped3A : memref<!tpu.dma_semaphore, #tpu.memory_space<semaphore_mem>>) src(%dma_wait3A_50 : memref<40x128xi32, #tpu.memory_space<hbm>>) dst(%arg8 : memref<40x128xi32, #tpu.memory_space<vmem>>)
      tpu.yield
    }) : () -> ()
    %dma_wait3A = arith.constant 0 : i32
    %dma_wait3A_8 = tpu.memref_slice %arg11[%mul3A_2, %dma_wait3A] : memref<10240x128xf32, #tpu.memory_space<vmem_shared>> -> memref<640x128xf32, #tpu.memory_space<vmem_shared>>
    tpu.wait_dma2 semaphore(%arg13 : memref<!tpu.dma_semaphore, #tpu.memory_space<semaphore_mem>>) src(%arg5 : memref<640x128xf32, #tpu.memory_space<hbm>>) dst(%dma_wait3A_8 : memref<640x128xf32, #tpu.memory_space<vmem_shared>>)
    %barrier3A = arith.constant 0 : index
    tpu.barrier barrier_id(%barrier3A)
    %dma_start3A_9 = arith.constant 0 : i32
    %dma_start3A_10 = arith.constant 0 : i32
    %dma_start3A_11 = tpu.memref_slice %arg7[%dma_start3A_9, %dma_start3A_10] : memref<40x128xi32, #tpu.memory_space<vmem>> -> memref<1x128xi32, #tpu.memory_space<vmem>>
    %dma_start3A_12 = tpu.memref_squeeze %dma_start3A_11 : memref<1x128xi32, #tpu.memory_space<vmem>> -> memref<128xi32, #tpu.memory_space<vmem>>
    %dma_start3A_13 = arith.constant 0 : i32
    %dma_start3A_14 = arith.constant 0 : i32
    %dma_start3A_15 = tpu.memref_slice %arg2[%dma_start3A_13, %dma_start3A_14] : memref<10000x128xf32, #tpu.memory_space<hbm>> -> memref<10000x128xf32, #tpu.memory_space<hbm>>
    tpu.enqueue_indirect_dma source(%dma_start3A_15 : memref<10000x128xf32, #tpu.memory_space<hbm>>) target(%arg9 : memref<128x128xf32, #tpu.memory_space<vmem>>) offsets(%dma_start3A_12 : memref<128xi32, #tpu.memory_space<vmem>>) semaphore(%arg12 : memref<!tpu.dma_semaphore, #tpu.memory_space<semaphore_mem>>)
    %scan3A = arith.constant 0 : i32
    %scan3A_16 = arith.constant 0 : i32
    %scan3A_17 = arith.constant 20 : i32
    %scan3A_18 = arith.addi %scan3A_16, %scan3A_17 : i32
    %scan3A_19 = arith.constant 1 : i32
    scf.for %scan3A_43 = %scan3A_16 to %scan3A_18 step %scan3A_19  : i32 {
      %mul3A_44 = arith.constant 2 : i32
      %mul3A_45 = arith.muli %mul3A_44, %scan3A_43 : i32
      %add3A_46 = arith.constant 1 : i32
      %add3A_47 = arith.addi %mul3A_45, %add3A_46 : i32
      %dma_start3A_48 = arith.constant 0 : i32
      %dma_start3A_49 = tpu.memref_slice %arg7[%add3A_47, %dma_start3A_48] : memref<40x128xi32, #tpu.memory_space<vmem>> -> memref<1x128xi32, #tpu.memory_space<vmem>>
      %dma_start3A_50 = tpu.memref_squeeze %dma_start3A_49 : memref<1x128xi32, #tpu.memory_space<vmem>> -> memref<128xi32, #tpu.memory_space<vmem>>
      %dma_start3A_51 = arith.constant 0 : i32
      %dma_start3A_52 = arith.constant 0 : i32
      %dma_start3A_53 = tpu.memref_slice %arg2[%dma_start3A_51, %dma_start3A_52] : memref<10000x128xf32, #tpu.memory_space<hbm>> -> memref<10000x128xf32, #tpu.memory_space<hbm>>
      tpu.enqueue_indirect_dma source(%dma_start3A_53 : memref<10000x128xf32, #tpu.memory_space<hbm>>) target(%arg10 : memref<128x128xf32, #tpu.memory_space<vmem>>) offsets(%dma_start3A_50 : memref<128xi32, #tpu.memory_space<vmem>>) semaphore(%arg13 : memref<!tpu.dma_semaphore, #tpu.memory_space<semaphore_mem>>)
      %dma_wait3A_54 = arith.constant 0 : i32
      %dma_wait3A_55 = tpu.memref_slice %arg7[%mul3A_45, %dma_wait3A_54] : memref<40x128xi32, #tpu.memory_space<vmem>> -> memref<1x128xi32, #tpu.memory_space<vmem>>
      %dma_wait3A_56 = tpu.memref_squeeze %dma_wait3A_55 : memref<1x128xi32, #tpu.memory_space<vmem>> -> memref<128xi32, #tpu.memory_space<vmem>>
      %dma_wait3A_57 = arith.constant 0 : i32
      %dma_wait3A_58 = arith.constant 0 : i32
      %dma_wait3A_59 = tpu.memref_slice %arg2[%dma_wait3A_57, %dma_wait3A_58] : memref<10000x128xf32, #tpu.memory_space<hbm>> -> memref<10000x128xf32, #tpu.memory_space<hbm>>
      tpu.wait_indirect_dma semaphore(%arg12 : memref<!tpu.dma_semaphore, #tpu.memory_space<semaphore_mem>>) src(%dma_wait3A_59 : memref<10000x128xf32, #tpu.memory_space<hbm>>) dst(%arg9 : memref<128x128xf32, #tpu.memory_space<vmem>>)
      "tpu.region"() ({
        %run_scoped3A = tpu.sem_alloc : memref<!tpu.dma_semaphore, #tpu.memory_space<semaphore_mem>>
        %dma_start3A_70 = arith.constant 0 : i32
        %dma_start3A_71 = tpu.memref_slice %arg8[%mul3A_45, %dma_start3A_70] : memref<40x128xi32, #tpu.memory_space<vmem>> -> memref<1x128xi32, #tpu.memory_space<vmem>>
        %dma_start3A_72 = tpu.memref_squeeze %dma_start3A_71 : memref<1x128xi32, #tpu.memory_space<vmem>> -> memref<128xi32, #tpu.memory_space<vmem>>
        %dma_start3A_73 = arith.constant 0 : i32
        %dma_start3A_74 = arith.constant 0 : i32
        %dma_start3A_75 = tpu.memref_slice %arg11[%dma_start3A_73, %dma_start3A_74] : memref<10240x128xf32, #tpu.memory_space<vmem_shared>> -> memref<10240x128xf32, #tpu.memory_space<vmem_shared>>
        tpu.enqueue_indirect_dma source(%arg9 : memref<128x128xf32, #tpu.memory_space<vmem>>) target(%dma_start3A_75 : memref<10240x128xf32, #tpu.memory_space<vmem_shared>>) offsets(%dma_start3A_72 : memref<128xi32, #tpu.memory_space<vmem>>) semaphore(%run_scoped3A : memref<!tpu.dma_semaphore, #tpu.memory_space<semaphore_mem>>) {add = true}
        %dma_wait3A_76 = arith.constant 0 : i32
        %dma_wait3A_77 = tpu.memref_slice %arg8[%mul3A_45, %dma_wait3A_76] : memref<40x128xi32, #tpu.memory_space<vmem>> -> memref<1x128xi32, #tpu.memory_space<vmem>>
        %dma_wait3A_78 = tpu.memref_squeeze %dma_wait3A_77 : memref<1x128xi32, #tpu.memory_space<vmem>> -> memref<128xi32, #tpu.memory_space<vmem>>
        %dma_wait3A_79 = arith.constant 0 : i32
        %dma_wait3A_80 = arith.constant 0 : i32
        %dma_wait3A_81 = tpu.memref_slice %arg11[%dma_wait3A_79, %dma_wait3A_80] : memref<10240x128xf32, #tpu.memory_space<vmem_shared>> -> memref<10240x128xf32, #tpu.memory_space<vmem_shared>>
        tpu.wait_indirect_dma semaphore(%run_scoped3A : memref<!tpu.dma_semaphore, #tpu.memory_space<semaphore_mem>>) src(%arg9 : memref<128x128xf32, #tpu.memory_space<vmem>>) dst(%dma_wait3A_81 : memref<10240x128xf32, #tpu.memory_space<vmem_shared>>)
        tpu.yield
      }) : () -> ()
      %add3A_60 = arith.constant 2 : i32
      %add3A_61 = arith.addi %mul3A_45, %add3A_60 : i32
      %lt3A = arith.constant 40 : i32
      %lt3A_62 = arith.cmpi slt, %add3A_61, %lt3A : i32
      %convert_element_type3A = arith.extui %lt3A_62 : i1 to i32
      %cond3A = arith.constant 0 : i32
      %cond3A_63 = arith.cmpi ne, %convert_element_type3A, %cond3A : i32
      scf.if %cond3A_63 {
        %add3A_70 = arith.constant 2 : i32
        %add3A_71 = arith.addi %mul3A_45, %add3A_70 : i32
        %dma_start3A_72 = arith.constant 0 : i32
        %dma_start3A_73 = tpu.memref_slice %arg7[%add3A_71, %dma_start3A_72] : memref<40x128xi32, #tpu.memory_space<vmem>> -> memref<1x128xi32, #tpu.memory_space<vmem>>
        %dma_start3A_74 = tpu.memref_squeeze %dma_start3A_73 : memref<1x128xi32, #tpu.memory_space<vmem>> -> memref<128xi32, #tpu.memory_space<vmem>>
        %dma_start3A_75 = arith.constant 0 : i32
        %dma_start3A_76 = arith.constant 0 : i32
        %dma_start3A_77 = tpu.memref_slice %arg2[%dma_start3A_75, %dma_start3A_76] : memref<10000x128xf32, #tpu.memory_space<hbm>> -> memref<10000x128xf32, #tpu.memory_space<hbm>>
        tpu.enqueue_indirect_dma source(%dma_start3A_77 : memref<10000x128xf32, #tpu.memory_space<hbm>>) target(%arg9 : memref<128x128xf32, #tpu.memory_space<vmem>>) offsets(%dma_start3A_74 : memref<128xi32, #tpu.memory_space<vmem>>) semaphore(%arg12 : memref<!tpu.dma_semaphore, #tpu.memory_space<semaphore_mem>>)
      } else {
      }
      %dma_wait3A_64 = arith.constant 0 : i32
      %dma_wait3A_65 = tpu.memref_slice %arg7[%add3A_47, %dma_wait3A_64] : memref<40x128xi32, #tpu.memory_space<vmem>> -> memref<1x128xi32, #tpu.memory_space<vmem>>
      %dma_wait3A_66 = tpu.memref_squeeze %dma_wait3A_65 : memref<1x128xi32, #tpu.memory_space<vmem>> -> memref<128xi32, #tpu.memory_space<vmem>>
      %dma_wait3A_67 = arith.constant 0 : i32
      %dma_wait3A_68 = arith.constant 0 : i32
      %dma_wait3A_69 = tpu.memref_slice %arg2[%dma_wait3A_67, %dma_wait3A_68] : memref<10000x128xf32, #tpu.memory_space<hbm>> -> memref<10000x128xf32, #tpu.memory_space<hbm>>
      tpu.wait_indirect_dma semaphore(%arg13 : memref<!tpu.dma_semaphore, #tpu.memory_space<semaphore_mem>>) src(%dma_wait3A_69 : memref<10000x128xf32, #tpu.memory_space<hbm>>) dst(%arg10 : memref<128x128xf32, #tpu.memory_space<vmem>>)
      "tpu.region"() ({
        %run_scoped3A = tpu.sem_alloc : memref<!tpu.dma_semaphore, #tpu.memory_space<semaphore_mem>>
        %dma_start3A_70 = arith.constant 0 : i32
        %dma_start3A_71 = tpu.memref_slice %arg8[%add3A_47, %dma_start3A_70] : memref<40x128xi32, #tpu.memory_space<vmem>> -> memref<1x128xi32, #tpu.memory_space<vmem>>
        %dma_start3A_72 = tpu.memref_squeeze %dma_start3A_71 : memref<1x128xi32, #tpu.memory_space<vmem>> -> memref<128xi32, #tpu.memory_space<vmem>>
        %dma_start3A_73 = arith.constant 0 : i32
        %dma_start3A_74 = arith.constant 0 : i32
        %dma_start3A_75 = tpu.memref_slice %arg11[%dma_start3A_73, %dma_start3A_74] : memref<10240x128xf32, #tpu.memory_space<vmem_shared>> -> memref<10240x128xf32, #tpu.memory_space<vmem_shared>>
        tpu.enqueue_indirect_dma source(%arg10 : memref<128x128xf32, #tpu.memory_space<vmem>>) target(%dma_start3A_75 : memref<10240x128xf32, #tpu.memory_space<vmem_shared>>) offsets(%dma_start3A_72 : memref<128xi32, #tpu.memory_space<vmem>>) semaphore(%run_scoped3A : memref<!tpu.dma_semaphore, #tpu.memory_space<semaphore_mem>>) {add = true}
        %dma_wait3A_76 = arith.constant 0 : i32
        %dma_wait3A_77 = tpu.memref_slice %arg8[%add3A_47, %dma_wait3A_76] : memref<40x128xi32, #tpu.memory_space<vmem>> -> memref<1x128xi32, #tpu.memory_space<vmem>>
        %dma_wait3A_78 = tpu.memref_squeeze %dma_wait3A_77 : memref<1x128xi32, #tpu.memory_space<vmem>> -> memref<128xi32, #tpu.memory_space<vmem>>
        %dma_wait3A_79 = arith.constant 0 : i32
        %dma_wait3A_80 = arith.constant 0 : i32
        %dma_wait3A_81 = tpu.memref_slice %arg11[%dma_wait3A_79, %dma_wait3A_80] : memref<10240x128xf32, #tpu.memory_space<vmem_shared>> -> memref<10240x128xf32, #tpu.memory_space<vmem_shared>>
        tpu.wait_indirect_dma semaphore(%run_scoped3A : memref<!tpu.dma_semaphore, #tpu.memory_space<semaphore_mem>>) src(%arg10 : memref<128x128xf32, #tpu.memory_space<vmem>>) dst(%dma_wait3A_81 : memref<10240x128xf32, #tpu.memory_space<vmem_shared>>)
        tpu.yield
      }) : () -> ()
    }
    %scan3A_20 = arith.constant 20 : i32
    %mul3A_21 = arith.constant 80 : i32
    %mul3A_22 = arith.muli %add3A, %mul3A_21 : i32
    %add3A_23 = arith.constant 40 : i32
    %add3A_24 = arith.addi %mul3A_22, %add3A_23 : i32
    "tpu.region"() ({
      %run_scoped3A = tpu.sem_alloc : memref<!tpu.dma_semaphore, #tpu.memory_space<semaphore_mem>>
      %dma_start3A_43 = arith.constant 0 : i32
      %dma_start3A_44 = tpu.memref_slice %arg3[%add3A_24, %dma_start3A_43] : memref<2560x128xi32, #tpu.memory_space<hbm>> -> memref<40x128xi32, #tpu.memory_space<hbm>>
      %dma_start3A_45 = arith.constant 0 : i32
      %dma_start3A_46 = tpu.memref_slice %arg3[%add3A_24, %dma_start3A_45] : memref<2560x128xi32, #tpu.memory_space<hbm>> -> memref<40x128xi32, #tpu.memory_space<hbm>>
      tpu.enqueue_dma source(%dma_start3A_46 : memref<40x128xi32, #tpu.memory_space<hbm>>) target(%arg7 : memref<40x128xi32, #tpu.memory_space<vmem>>) target_semaphore(%run_scoped3A : memref<!tpu.dma_semaphore, #tpu.memory_space<semaphore_mem>>)
      %dma_wait3A_47 = arith.constant 0 : i32
      %dma_wait3A_48 = tpu.memref_slice %arg3[%add3A_24, %dma_wait3A_47] : memref<2560x128xi32, #tpu.memory_space<hbm>> -> memref<40x128xi32, #tpu.memory_space<hbm>>
      %dma_wait3A_49 = arith.constant 0 : i32
      %dma_wait3A_50 = tpu.memref_slice %arg3[%add3A_24, %dma_wait3A_49] : memref<2560x128xi32, #tpu.memory_space<hbm>> -> memref<40x128xi32, #tpu.memory_space<hbm>>
      tpu.wait_dma2 semaphore(%run_scoped3A : memref<!tpu.dma_semaphore, #tpu.memory_space<semaphore_mem>>) src(%dma_wait3A_50 : memref<40x128xi32, #tpu.memory_space<hbm>>) dst(%arg7 : memref<40x128xi32, #tpu.memory_space<vmem>>)
      tpu.yield
    }) : () -> ()
    "tpu.region"() ({
      %run_scoped3A = tpu.sem_alloc : memref<!tpu.dma_semaphore, #tpu.memory_space<semaphore_mem>>
      %dma_start3A_43 = arith.constant 0 : i32
      %dma_start3A_44 = tpu.memref_slice %arg4[%add3A_24, %dma_start3A_43] : memref<2560x128xi32, #tpu.memory_space<hbm>> -> memref<40x128xi32, #tpu.memory_space<hbm>>
      %dma_start3A_45 = arith.constant 0 : i32
      %dma_start3A_46 = tpu.memref_slice %arg4[%add3A_24, %dma_start3A_45] : memref<2560x128xi32, #tpu.memory_space<hbm>> -> memref<40x128xi32, #tpu.memory_space<hbm>>
      tpu.enqueue_dma source(%dma_start3A_46 : memref<40x128xi32, #tpu.memory_space<hbm>>) target(%arg8 : memref<40x128xi32, #tpu.memory_space<vmem>>) target_semaphore(%run_scoped3A : memref<!tpu.dma_semaphore, #tpu.memory_space<semaphore_mem>>)
      %dma_wait3A_47 = arith.constant 0 : i32
      %dma_wait3A_48 = tpu.memref_slice %arg4[%add3A_24, %dma_wait3A_47] : memref<2560x128xi32, #tpu.memory_space<hbm>> -> memref<40x128xi32, #tpu.memory_space<hbm>>
      %dma_wait3A_49 = arith.constant 0 : i32
      %dma_wait3A_50 = tpu.memref_slice %arg4[%add3A_24, %dma_wait3A_49] : memref<2560x128xi32, #tpu.memory_space<hbm>> -> memref<40x128xi32, #tpu.memory_space<hbm>>
      tpu.wait_dma2 semaphore(%run_scoped3A : memref<!tpu.dma_semaphore, #tpu.memory_space<semaphore_mem>>) src(%dma_wait3A_50 : memref<40x128xi32, #tpu.memory_space<hbm>>) dst(%arg8 : memref<40x128xi32, #tpu.memory_space<vmem>>)
      tpu.yield
    }) : () -> ()
    %dma_start3A_25 = arith.constant 0 : i32
    %dma_start3A_26 = arith.constant 0 : i32
    %dma_start3A_27 = tpu.memref_slice %arg7[%dma_start3A_25, %dma_start3A_26] : memref<40x128xi32, #tpu.memory_space<vmem>> -> memref<1x128xi32, #tpu.memory_space<vmem>>
    %dma_start3A_28 = tpu.memref_squeeze %dma_start3A_27 : memref<1x128xi32, #tpu.memory_space<vmem>> -> memref<128xi32, #tpu.memory_space<vmem>>
    %dma_start3A_29 = arith.constant 0 : i32
    %dma_start3A_30 = arith.constant 0 : i32
    %dma_start3A_31 = tpu.memref_slice %arg2[%dma_start3A_29, %dma_start3A_30] : memref<10000x128xf32, #tpu.memory_space<hbm>> -> memref<10000x128xf32, #tpu.memory_space<hbm>>
    tpu.enqueue_indirect_dma source(%dma_start3A_31 : memref<10000x128xf32, #tpu.memory_space<hbm>>) target(%arg9 : memref<128x128xf32, #tpu.memory_space<vmem>>) offsets(%dma_start3A_28 : memref<128xi32, #tpu.memory_space<vmem>>) semaphore(%arg12 : memref<!tpu.dma_semaphore, #tpu.memory_space<semaphore_mem>>)
    %scan3A_32 = arith.constant 0 : i32
    %scan3A_33 = arith.constant 0 : i32
    %scan3A_34 = arith.constant 20 : i32
    %scan3A_35 = arith.addi %scan3A_33, %scan3A_34 : i32
    %scan3A_36 = arith.constant 1 : i32
    scf.for %scan3A_43 = %scan3A_33 to %scan3A_35 step %scan3A_36  : i32 {
      %mul3A_44 = arith.constant 2 : i32
      %mul3A_45 = arith.muli %mul3A_44, %scan3A_43 : i32
      %add3A_46 = arith.constant 1 : i32
      %add3A_47 = arith.addi %mul3A_45, %add3A_46 : i32
      %dma_start3A_48 = arith.constant 0 : i32
      %dma_start3A_49 = tpu.memref_slice %arg7[%add3A_47, %dma_start3A_48] : memref<40x128xi32, #tpu.memory_space<vmem>> -> memref<1x128xi32, #tpu.memory_space<vmem>>
      %dma_start3A_50 = tpu.memref_squeeze %dma_start3A_49 : memref<1x128xi32, #tpu.memory_space<vmem>> -> memref<128xi32, #tpu.memory_space<vmem>>
      %dma_start3A_51 = arith.constant 0 : i32
      %dma_start3A_52 = arith.constant 0 : i32
      %dma_start3A_53 = tpu.memref_slice %arg2[%dma_start3A_51, %dma_start3A_52] : memref<10000x128xf32, #tpu.memory_space<hbm>> -> memref<10000x128xf32, #tpu.memory_space<hbm>>
      tpu.enqueue_indirect_dma source(%dma_start3A_53 : memref<10000x128xf32, #tpu.memory_space<hbm>>) target(%arg10 : memref<128x128xf32, #tpu.memory_space<vmem>>) offsets(%dma_start3A_50 : memref<128xi32, #tpu.memory_space<vmem>>) semaphore(%arg13 : memref<!tpu.dma_semaphore, #tpu.memory_space<semaphore_mem>>)
      %dma_wait3A_54 = arith.constant 0 : i32
      %dma_wait3A_55 = tpu.memref_slice %arg7[%mul3A_45, %dma_wait3A_54] : memref<40x128xi32, #tpu.memory_space<vmem>> -> memref<1x128xi32, #tpu.memory_space<vmem>>
      %dma_wait3A_56 = tpu.memref_squeeze %dma_wait3A_55 : memref<1x128xi32, #tpu.memory_space<vmem>> -> memref<128xi32, #tpu.memory_space<vmem>>
      %dma_wait3A_57 = arith.constant 0 : i32
      %dma_wait3A_58 = arith.constant 0 : i32
      %dma_wait3A_59 = tpu.memref_slice %arg2[%dma_wait3A_57, %dma_wait3A_58] : memref<10000x128xf32, #tpu.memory_space<hbm>> -> memref<10000x128xf32, #tpu.memory_space<hbm>>
      tpu.wait_indirect_dma semaphore(%arg12 : memref<!tpu.dma_semaphore, #tpu.memory_space<semaphore_mem>>) src(%dma_wait3A_59 : memref<10000x128xf32, #tpu.memory_space<hbm>>) dst(%arg9 : memref<128x128xf32, #tpu.memory_space<vmem>>)
      "tpu.region"() ({
        %run_scoped3A = tpu.sem_alloc : memref<!tpu.dma_semaphore, #tpu.memory_space<semaphore_mem>>
        %dma_start3A_70 = arith.constant 0 : i32
        %dma_start3A_71 = tpu.memref_slice %arg8[%mul3A_45, %dma_start3A_70] : memref<40x128xi32, #tpu.memory_space<vmem>> -> memref<1x128xi32, #tpu.memory_space<vmem>>
        %dma_start3A_72 = tpu.memref_squeeze %dma_start3A_71 : memref<1x128xi32, #tpu.memory_space<vmem>> -> memref<128xi32, #tpu.memory_space<vmem>>
        %dma_start3A_73 = arith.constant 0 : i32
        %dma_start3A_74 = arith.constant 0 : i32
        %dma_start3A_75 = tpu.memref_slice %arg11[%dma_start3A_73, %dma_start3A_74] : memref<10240x128xf32, #tpu.memory_space<vmem_shared>> -> memref<10240x128xf32, #tpu.memory_space<vmem_shared>>
        tpu.enqueue_indirect_dma source(%arg9 : memref<128x128xf32, #tpu.memory_space<vmem>>) target(%dma_start3A_75 : memref<10240x128xf32, #tpu.memory_space<vmem_shared>>) offsets(%dma_start3A_72 : memref<128xi32, #tpu.memory_space<vmem>>) semaphore(%run_scoped3A : memref<!tpu.dma_semaphore, #tpu.memory_space<semaphore_mem>>) {add = true}
        %dma_wait3A_76 = arith.constant 0 : i32
        %dma_wait3A_77 = tpu.memref_slice %arg8[%mul3A_45, %dma_wait3A_76] : memref<40x128xi32, #tpu.memory_space<vmem>> -> memref<1x128xi32, #tpu.memory_space<vmem>>
        %dma_wait3A_78 = tpu.memref_squeeze %dma_wait3A_77 : memref<1x128xi32, #tpu.memory_space<vmem>> -> memref<128xi32, #tpu.memory_space<vmem>>
        %dma_wait3A_79 = arith.constant 0 : i32
        %dma_wait3A_80 = arith.constant 0 : i32
        %dma_wait3A_81 = tpu.memref_slice %arg11[%dma_wait3A_79, %dma_wait3A_80] : memref<10240x128xf32, #tpu.memory_space<vmem_shared>> -> memref<10240x128xf32, #tpu.memory_space<vmem_shared>>
        tpu.wait_indirect_dma semaphore(%run_scoped3A : memref<!tpu.dma_semaphore, #tpu.memory_space<semaphore_mem>>) src(%arg9 : memref<128x128xf32, #tpu.memory_space<vmem>>) dst(%dma_wait3A_81 : memref<10240x128xf32, #tpu.memory_space<vmem_shared>>)
        tpu.yield
      }) : () -> ()
      %add3A_60 = arith.constant 2 : i32
      %add3A_61 = arith.addi %mul3A_45, %add3A_60 : i32
      %lt3A = arith.constant 40 : i32
      %lt3A_62 = arith.cmpi slt, %add3A_61, %lt3A : i32
      %convert_element_type3A = arith.extui %lt3A_62 : i1 to i32
      %cond3A = arith.constant 0 : i32
      %cond3A_63 = arith.cmpi ne, %convert_element_type3A, %cond3A : i32
      scf.if %cond3A_63 {
        %add3A_70 = arith.constant 2 : i32
        %add3A_71 = arith.addi %mul3A_45, %add3A_70 : i32
        %dma_start3A_72 = arith.constant 0 : i32
        %dma_start3A_73 = tpu.memref_slice %arg7[%add3A_71, %dma_start3A_72] : memref<40x128xi32, #tpu.memory_space<vmem>> -> memref<1x128xi32, #tpu.memory_space<vmem>>
        %dma_start3A_74 = tpu.memref_squeeze %dma_start3A_73 : memref<1x128xi32, #tpu.memory_space<vmem>> -> memref<128xi32, #tpu.memory_space<vmem>>
        %dma_start3A_75 = arith.constant 0 : i32
        %dma_start3A_76 = arith.constant 0 : i32
        %dma_start3A_77 = tpu.memref_slice %arg2[%dma_start3A_75, %dma_start3A_76] : memref<10000x128xf32, #tpu.memory_space<hbm>> -> memref<10000x128xf32, #tpu.memory_space<hbm>>
        tpu.enqueue_indirect_dma source(%dma_start3A_77 : memref<10000x128xf32, #tpu.memory_space<hbm>>) target(%arg9 : memref<128x128xf32, #tpu.memory_space<vmem>>) offsets(%dma_start3A_74 : memref<128xi32, #tpu.memory_space<vmem>>) semaphore(%arg12 : memref<!tpu.dma_semaphore, #tpu.memory_space<semaphore_mem>>)
      } else {
      }
      %dma_wait3A_64 = arith.constant 0 : i32
      %dma_wait3A_65 = tpu.memref_slice %arg7[%add3A_47, %dma_wait3A_64] : memref<40x128xi32, #tpu.memory_space<vmem>> -> memref<1x128xi32, #tpu.memory_space<vmem>>
      %dma_wait3A_66 = tpu.memref_squeeze %dma_wait3A_65 : memref<1x128xi32, #tpu.memory_space<vmem>> -> memref<128xi32, #tpu.memory_space<vmem>>
      %dma_wait3A_67 = arith.constant 0 : i32
      %dma_wait3A_68 = arith.constant 0 : i32
      %dma_wait3A_69 = tpu.memref_slice %arg2[%dma_wait3A_67, %dma_wait3A_68] : memref<10000x128xf32, #tpu.memory_space<hbm>> -> memref<10000x128xf32, #tpu.memory_space<hbm>>
      tpu.wait_indirect_dma semaphore(%arg13 : memref<!tpu.dma_semaphore, #tpu.memory_space<semaphore_mem>>) src(%dma_wait3A_69 : memref<10000x128xf32, #tpu.memory_space<hbm>>) dst(%arg10 : memref<128x128xf32, #tpu.memory_space<vmem>>)
      "tpu.region"() ({
        %run_scoped3A = tpu.sem_alloc : memref<!tpu.dma_semaphore, #tpu.memory_space<semaphore_mem>>
        %dma_start3A_70 = arith.constant 0 : i32
        %dma_start3A_71 = tpu.memref_slice %arg8[%add3A_47, %dma_start3A_70] : memref<40x128xi32, #tpu.memory_space<vmem>> -> memref<1x128xi32, #tpu.memory_space<vmem>>
        %dma_start3A_72 = tpu.memref_squeeze %dma_start3A_71 : memref<1x128xi32, #tpu.memory_space<vmem>> -> memref<128xi32, #tpu.memory_space<vmem>>
        %dma_start3A_73 = arith.constant 0 : i32
        %dma_start3A_74 = arith.constant 0 : i32
        %dma_start3A_75 = tpu.memref_slice %arg11[%dma_start3A_73, %dma_start3A_74] : memref<10240x128xf32, #tpu.memory_space<vmem_shared>> -> memref<10240x128xf32, #tpu.memory_space<vmem_shared>>
        tpu.enqueue_indirect_dma source(%arg10 : memref<128x128xf32, #tpu.memory_space<vmem>>) target(%dma_start3A_75 : memref<10240x128xf32, #tpu.memory_space<vmem_shared>>) offsets(%dma_start3A_72 : memref<128xi32, #tpu.memory_space<vmem>>) semaphore(%run_scoped3A : memref<!tpu.dma_semaphore, #tpu.memory_space<semaphore_mem>>) {add = true}
        %dma_wait3A_76 = arith.constant 0 : i32
        %dma_wait3A_77 = tpu.memref_slice %arg8[%add3A_47, %dma_wait3A_76] : memref<40x128xi32, #tpu.memory_space<vmem>> -> memref<1x128xi32, #tpu.memory_space<vmem>>
        %dma_wait3A_78 = tpu.memref_squeeze %dma_wait3A_77 : memref<1x128xi32, #tpu.memory_space<vmem>> -> memref<128xi32, #tpu.memory_space<vmem>>
        %dma_wait3A_79 = arith.constant 0 : i32
        %dma_wait3A_80 = arith.constant 0 : i32
        %dma_wait3A_81 = tpu.memref_slice %arg11[%dma_wait3A_79, %dma_wait3A_80] : memref<10240x128xf32, #tpu.memory_space<vmem_shared>> -> memref<10240x128xf32, #tpu.memory_space<vmem_shared>>
        tpu.wait_indirect_dma semaphore(%run_scoped3A : memref<!tpu.dma_semaphore, #tpu.memory_space<semaphore_mem>>) src(%arg10 : memref<128x128xf32, #tpu.memory_space<vmem>>) dst(%dma_wait3A_81 : memref<10240x128xf32, #tpu.memory_space<vmem_shared>>)
        tpu.yield
      }) : () -> ()
    }
    %scan3A_37 = arith.constant 20 : i32
    %barrier3A_38 = arith.constant 0 : index
    tpu.barrier barrier_id(%barrier3A_38)
    %mul3A_39 = arith.constant 640 : i32
    %mul3A_40 = arith.muli %arg1, %mul3A_39 : i32
    %mul3A_41 = arith.constant 640 : i32
    %mul3A_42 = arith.muli %arg1, %mul3A_41 : i32
    "tpu.region"() ({
      %run_scoped3A = tpu.sem_alloc : memref<!tpu.dma_semaphore, #tpu.memory_space<semaphore_mem>>
      %dma_start3A_43 = arith.constant 0 : i32
      %dma_start3A_44 = tpu.memref_slice %arg6[%arg0, %mul3A_42, %dma_start3A_43] : memref<2x10240x128xf32, #tpu.memory_space<hbm>> -> memref<1x640x128xf32, #tpu.memory_space<hbm>>
      %dma_start3A_45 = tpu.memref_squeeze %dma_start3A_44 : memref<1x640x128xf32, #tpu.memory_space<hbm>> -> memref<640x128xf32, #tpu.memory_space<hbm>>
      %dma_start3A_46 = arith.constant 0 : i32
      %dma_start3A_47 = tpu.memref_slice %arg11[%mul3A_40, %dma_start3A_46] : memref<10240x128xf32, #tpu.memory_space<vmem_shared>> -> memref<640x128xf32, #tpu.memory_space<vmem_shared>>
      tpu.enqueue_dma source(%dma_start3A_47 : memref<640x128xf32, #tpu.memory_space<vmem_shared>>) target(%dma_start3A_45 : memref<640x128xf32, #tpu.memory_space<hbm>>) target_semaphore(%run_scoped3A : memref<!tpu.dma_semaphore, #tpu.memory_space<semaphore_mem>>)
      %dma_wait3A_48 = arith.constant 0 : i32
      %dma_wait3A_49 = tpu.memref_slice %arg6[%arg0, %mul3A_42, %dma_wait3A_48] : memref<2x10240x128xf32, #tpu.memory_space<hbm>> -> memref<1x640x128xf32, #tpu.memory_space<hbm>>
      %dma_wait3A_50 = tpu.memref_squeeze %dma_wait3A_49 : memref<1x640x128xf32, #tpu.memory_space<hbm>> -> memref<640x128xf32, #tpu.memory_space<hbm>>
      %dma_wait3A_51 = arith.constant 0 : i32
      %dma_wait3A_52 = tpu.memref_slice %arg11[%mul3A_40, %dma_wait3A_51] : memref<10240x128xf32, #tpu.memory_space<vmem_shared>> -> memref<640x128xf32, #tpu.memory_space<vmem_shared>>
      tpu.wait_dma2 semaphore(%run_scoped3A : memref<!tpu.dma_semaphore, #tpu.memory_space<semaphore_mem>>) src(%dma_wait3A_52 : memref<640x128xf32, #tpu.memory_space<vmem_shared>>) dst(%dma_wait3A_50 : memref<640x128xf32, #tpu.memory_space<hbm>>)
      tpu.yield
    }) : () -> ()
    return
  }
}

#map = affine_map<(d0, d1) -> (0, 0)>
#map1 = affine_map<(d0, d1) -> (0, 0, 0)>
module attributes {stable_mosaic.version = 14 : i64} {
  func.func @agg_kernel(%arg0: i32, %arg1: i32, %arg2: memref<10000x128xf32, #tpu.memory_space<hbm>>, %arg3: memref<2560x128xi32, #tpu.memory_space<hbm>>, %arg4: memref<2560x128xi32, #tpu.memory_space<hbm>>, %arg5: memref<640x128xf32, #tpu.memory_space<hbm>>, %arg6: memref<2x10240x128xf32, #tpu.memory_space<hbm>>, %arg7: memref<40x128xi32, #tpu.memory_space<vmem>>, %arg8: memref<40x128xi32, #tpu.memory_space<vmem>>, %arg9: memref<128x128xf32, #tpu.memory_space<vmem>>, %arg10: memref<128x128xf32, #tpu.memory_space<vmem>>, %arg11: memref<10240x128xf32, #tpu.memory_space<vmem_shared>>, %arg12: memref<!tpu.dma_semaphore, #tpu.memory_space<semaphore_mem>>, %arg13: memref<!tpu.dma_semaphore, #tpu.memory_space<semaphore_mem>>) attributes {dimension_semantics = [#tpu.dimension_semantics<core_parallel>, #tpu.dimension_semantics<subcore_parallel>], iteration_bounds = array<i64: 2, 16>, scalar_prefetch = 0 : i64, scratch_operands = 7 : i64, tpu.core_type = #tpu.core_type<sc_vector_subcore>, window_params = [{transform_indices = #map}, {transform_indices = #map}, {transform_indices = #map}, {transform_indices = #map}, {transform_indices = #map1}]} {
    %mul3A = arith.constant 16 : i32
    %mul3A_0 = arith.muli %arg0, %mul3A : i32
    %add3A = arith.addi %mul3A_0, %arg1 : i32
    %mul3A_1 = arith.constant 640 : i32
    %mul3A_2 = arith.muli %arg1, %mul3A_1 : i32
    %dma_start3A = arith.constant 0 : i32
    %dma_start3A_3 = tpu.memref_slice %arg11[%mul3A_2, %dma_start3A] : memref<10240x128xf32, #tpu.memory_space<vmem_shared>> -> memref<640x128xf32, #tpu.memory_space<vmem_shared>>
    tpu.enqueue_dma source(%arg5 : memref<640x128xf32, #tpu.memory_space<hbm>>) target(%dma_start3A_3 : memref<640x128xf32, #tpu.memory_space<vmem_shared>>) target_semaphore(%arg13 : memref<!tpu.dma_semaphore, #tpu.memory_space<semaphore_mem>>)
    %mul3A_4 = arith.constant 80 : i32
    %mul3A_5 = arith.muli %add3A, %mul3A_4 : i32
    %add3A_6 = arith.constant 0 : i32
    %add3A_7 = arith.addi %mul3A_5, %add3A_6 : i32
    "tpu.region"() ({
      %run_scoped3A = tpu.sem_alloc : memref<!tpu.dma_semaphore, #tpu.memory_space<semaphore_mem>>
      %dma_start3A_43 = arith.constant 0 : i32
      %dma_start3A_44 = tpu.memref_slice %arg3[%add3A_7, %dma_start3A_43] : memref<2560x128xi32, #tpu.memory_space<hbm>> -> memref<40x128xi32, #tpu.memory_space<hbm>>
      %dma_start3A_45 = arith.constant 0 : i32
      %dma_start3A_46 = tpu.memref_slice %arg3[%add3A_7, %dma_start3A_45] : memref<2560x128xi32, #tpu.memory_space<hbm>> -> memref<40x128xi32, #tpu.memory_space<hbm>>
      tpu.enqueue_dma source(%dma_start3A_46 : memref<40x128xi32, #tpu.memory_space<hbm>>) target(%arg7 : memref<40x128xi32, #tpu.memory_space<vmem>>) target_semaphore(%run_scoped3A : memref<!tpu.dma_semaphore, #tpu.memory_space<semaphore_mem>>)
      %dma_wait3A_47 = arith.constant 0 : i32
      %dma_wait3A_48 = tpu.memref_slice %arg3[%add3A_7, %dma_wait3A_47] : memref<2560x128xi32, #tpu.memory_space<hbm>> -> memref<40x128xi32, #tpu.memory_space<hbm>>
      %dma_wait3A_49 = arith.constant 0 : i32
      %dma_wait3A_50 = tpu.memref_slice %arg3[%add3A_7, %dma_wait3A_49] : memref<2560x128xi32, #tpu.memory_space<hbm>> -> memref<40x128xi32, #tpu.memory_space<hbm>>
      tpu.wait_dma2 semaphore(%run_scoped3A : memref<!tpu.dma_semaphore, #tpu.memory_space<semaphore_mem>>) src(%dma_wait3A_50 : memref<40x128xi32, #tpu.memory_space<hbm>>) dst(%arg7 : memref<40x128xi32, #tpu.memory_space<vmem>>)
      tpu.yield
    }) : () -> ()
    "tpu.region"() ({
      %run_scoped3A = tpu.sem_alloc : memref<!tpu.dma_semaphore, #tpu.memory_space<semaphore_mem>>
      %dma_start3A_43 = arith.constant 0 : i32
      %dma_start3A_44 = tpu.memref_slice %arg4[%add3A_7, %dma_start3A_43] : memref<2560x128xi32, #tpu.memory_space<hbm>> -> memref<40x128xi32, #tpu.memory_space<hbm>>
      %dma_start3A_45 = arith.constant 0 : i32
      %dma_start3A_46 = tpu.memref_slice %arg4[%add3A_7, %dma_start3A_45] : memref<2560x128xi32, #tpu.memory_space<hbm>> -> memref<40x128xi32, #tpu.memory_space<hbm>>
      tpu.enqueue_dma source(%dma_start3A_46 : memref<40x128xi32, #tpu.memory_space<hbm>>) target(%arg8 : memref<40x128xi32, #tpu.memory_space<vmem>>) target_semaphore(%run_scoped3A : memref<!tpu.dma_semaphore, #tpu.memory_space<semaphore_mem>>)
      %dma_wait3A_47 = arith.constant 0 : i32
      %dma_wait3A_48 = tpu.memref_slice %arg4[%add3A_7, %dma_wait3A_47] : memref<2560x128xi32, #tpu.memory_space<hbm>> -> memref<40x128xi32, #tpu.memory_space<hbm>>
      %dma_wait3A_49 = arith.constant 0 : i32
      %dma_wait3A_50 = tpu.memref_slice %arg4[%add3A_7, %dma_wait3A_49] : memref<2560x128xi32, #tpu.memory_space<hbm>> -> memref<40x128xi32, #tpu.memory_space<hbm>>
      tpu.wait_dma2 semaphore(%run_scoped3A : memref<!tpu.dma_semaphore, #tpu.memory_space<semaphore_mem>>) src(%dma_wait3A_50 : memref<40x128xi32, #tpu.memory_space<hbm>>) dst(%arg8 : memref<40x128xi32, #tpu.memory_space<vmem>>)
      tpu.yield
    }) : () -> ()
    %dma_wait3A = arith.constant 0 : i32
    %dma_wait3A_8 = tpu.memref_slice %arg11[%mul3A_2, %dma_wait3A] : memref<10240x128xf32, #tpu.memory_space<vmem_shared>> -> memref<640x128xf32, #tpu.memory_space<vmem_shared>>
    tpu.wait_dma2 semaphore(%arg13 : memref<!tpu.dma_semaphore, #tpu.memory_space<semaphore_mem>>) src(%arg5 : memref<640x128xf32, #tpu.memory_space<hbm>>) dst(%dma_wait3A_8 : memref<640x128xf32, #tpu.memory_space<vmem_shared>>)
    %barrier3A = arith.constant 0 : index
    tpu.barrier barrier_id(%barrier3A)
    %dma_start3A_9 = arith.constant 0 : i32
    %dma_start3A_10 = arith.constant 0 : i32
    %dma_start3A_11 = tpu.memref_slice %arg7[%dma_start3A_9, %dma_start3A_10] : memref<40x128xi32, #tpu.memory_space<vmem>> -> memref<1x128xi32, #tpu.memory_space<vmem>>
    %dma_start3A_12 = tpu.memref_squeeze %dma_start3A_11 : memref<1x128xi32, #tpu.memory_space<vmem>> -> memref<128xi32, #tpu.memory_space<vmem>>
    %dma_start3A_13 = arith.constant 0 : i32
    %dma_start3A_14 = arith.constant 0 : i32
    %dma_start3A_15 = tpu.memref_slice %arg2[%dma_start3A_13, %dma_start3A_14] : memref<10000x128xf32, #tpu.memory_space<hbm>> -> memref<10000x128xf32, #tpu.memory_space<hbm>>
    tpu.enqueue_indirect_dma source(%dma_start3A_15 : memref<10000x128xf32, #tpu.memory_space<hbm>>) target(%arg9 : memref<128x128xf32, #tpu.memory_space<vmem>>) offsets(%dma_start3A_12 : memref<128xi32, #tpu.memory_space<vmem>>) semaphore(%arg12 : memref<!tpu.dma_semaphore, #tpu.memory_space<semaphore_mem>>)
    %scan3A = arith.constant 0 : i32
    %scan3A_16 = arith.constant 0 : i32
    %scan3A_17 = arith.constant 20 : i32
    %scan3A_18 = arith.addi %scan3A_16, %scan3A_17 : i32
    %scan3A_19 = arith.constant 1 : i32
    scf.for %scan3A_43 = %scan3A_16 to %scan3A_18 step %scan3A_19  : i32 {
      %mul3A_44 = arith.constant 2 : i32
      %mul3A_45 = arith.muli %mul3A_44, %scan3A_43 : i32
      %add3A_46 = arith.constant 1 : i32
      %add3A_47 = arith.addi %mul3A_45, %add3A_46 : i32
      %dma_start3A_48 = arith.constant 0 : i32
      %dma_start3A_49 = tpu.memref_slice %arg7[%add3A_47, %dma_start3A_48] : memref<40x128xi32, #tpu.memory_space<vmem>> -> memref<1x128xi32, #tpu.memory_space<vmem>>
      %dma_start3A_50 = tpu.memref_squeeze %dma_start3A_49 : memref<1x128xi32, #tpu.memory_space<vmem>> -> memref<128xi32, #tpu.memory_space<vmem>>
      %dma_start3A_51 = arith.constant 0 : i32
      %dma_start3A_52 = arith.constant 0 : i32
      %dma_start3A_53 = tpu.memref_slice %arg2[%dma_start3A_51, %dma_start3A_52] : memref<10000x128xf32, #tpu.memory_space<hbm>> -> memref<10000x128xf32, #tpu.memory_space<hbm>>
      tpu.enqueue_indirect_dma source(%dma_start3A_53 : memref<10000x128xf32, #tpu.memory_space<hbm>>) target(%arg10 : memref<128x128xf32, #tpu.memory_space<vmem>>) offsets(%dma_start3A_50 : memref<128xi32, #tpu.memory_space<vmem>>) semaphore(%arg13 : memref<!tpu.dma_semaphore, #tpu.memory_space<semaphore_mem>>)
      %dma_wait3A_54 = arith.constant 0 : i32
      %dma_wait3A_55 = tpu.memref_slice %arg7[%mul3A_45, %dma_wait3A_54] : memref<40x128xi32, #tpu.memory_space<vmem>> -> memref<1x128xi32, #tpu.memory_space<vmem>>
      %dma_wait3A_56 = tpu.memref_squeeze %dma_wait3A_55 : memref<1x128xi32, #tpu.memory_space<vmem>> -> memref<128xi32, #tpu.memory_space<vmem>>
      %dma_wait3A_57 = arith.constant 0 : i32
      %dma_wait3A_58 = arith.constant 0 : i32
      %dma_wait3A_59 = tpu.memref_slice %arg2[%dma_wait3A_57, %dma_wait3A_58] : memref<10000x128xf32, #tpu.memory_space<hbm>> -> memref<10000x128xf32, #tpu.memory_space<hbm>>
      tpu.wait_indirect_dma semaphore(%arg12 : memref<!tpu.dma_semaphore, #tpu.memory_space<semaphore_mem>>) src(%dma_wait3A_59 : memref<10000x128xf32, #tpu.memory_space<hbm>>) dst(%arg9 : memref<128x128xf32, #tpu.memory_space<vmem>>)
      "tpu.region"() ({
        %run_scoped3A = tpu.sem_alloc : memref<!tpu.dma_semaphore, #tpu.memory_space<semaphore_mem>>
        %dma_start3A_70 = arith.constant 0 : i32
        %dma_start3A_71 = tpu.memref_slice %arg8[%mul3A_45, %dma_start3A_70] : memref<40x128xi32, #tpu.memory_space<vmem>> -> memref<1x128xi32, #tpu.memory_space<vmem>>
        %dma_start3A_72 = tpu.memref_squeeze %dma_start3A_71 : memref<1x128xi32, #tpu.memory_space<vmem>> -> memref<128xi32, #tpu.memory_space<vmem>>
        %dma_start3A_73 = arith.constant 0 : i32
        %dma_start3A_74 = arith.constant 0 : i32
        %dma_start3A_75 = tpu.memref_slice %arg11[%dma_start3A_73, %dma_start3A_74] : memref<10240x128xf32, #tpu.memory_space<vmem_shared>> -> memref<10240x128xf32, #tpu.memory_space<vmem_shared>>
        tpu.enqueue_indirect_dma source(%arg9 : memref<128x128xf32, #tpu.memory_space<vmem>>) target(%dma_start3A_75 : memref<10240x128xf32, #tpu.memory_space<vmem_shared>>) offsets(%dma_start3A_72 : memref<128xi32, #tpu.memory_space<vmem>>) semaphore(%run_scoped3A : memref<!tpu.dma_semaphore, #tpu.memory_space<semaphore_mem>>) {add = true}
        %dma_wait3A_76 = arith.constant 0 : i32
        %dma_wait3A_77 = tpu.memref_slice %arg8[%mul3A_45, %dma_wait3A_76] : memref<40x128xi32, #tpu.memory_space<vmem>> -> memref<1x128xi32, #tpu.memory_space<vmem>>
        %dma_wait3A_78 = tpu.memref_squeeze %dma_wait3A_77 : memref<1x128xi32, #tpu.memory_space<vmem>> -> memref<128xi32, #tpu.memory_space<vmem>>
        %dma_wait3A_79 = arith.constant 0 : i32
        %dma_wait3A_80 = arith.constant 0 : i32
        %dma_wait3A_81 = tpu.memref_slice %arg11[%dma_wait3A_79, %dma_wait3A_80] : memref<10240x128xf32, #tpu.memory_space<vmem_shared>> -> memref<10240x128xf32, #tpu.memory_space<vmem_shared>>
        tpu.wait_indirect_dma semaphore(%run_scoped3A : memref<!tpu.dma_semaphore, #tpu.memory_space<semaphore_mem>>) src(%arg9 : memref<128x128xf32, #tpu.memory_space<vmem>>) dst(%dma_wait3A_81 : memref<10240x128xf32, #tpu.memory_space<vmem_shared>>)
        tpu.yield
      }) : () -> ()
      %add3A_60 = arith.constant 2 : i32
      %add3A_61 = arith.addi %mul3A_45, %add3A_60 : i32
      %lt3A = arith.constant 40 : i32
      %lt3A_62 = arith.cmpi slt, %add3A_61, %lt3A : i32
      %convert_element_type3A = arith.extui %lt3A_62 : i1 to i32
      %cond3A = arith.constant 0 : i32
      %cond3A_63 = arith.cmpi ne, %convert_element_type3A, %cond3A : i32
      scf.if %cond3A_63 {
        %add3A_70 = arith.constant 2 : i32
        %add3A_71 = arith.addi %mul3A_45, %add3A_70 : i32
        %dma_start3A_72 = arith.constant 0 : i32
        %dma_start3A_73 = tpu.memref_slice %arg7[%add3A_71, %dma_start3A_72] : memref<40x128xi32, #tpu.memory_space<vmem>> -> memref<1x128xi32, #tpu.memory_space<vmem>>
        %dma_start3A_74 = tpu.memref_squeeze %dma_start3A_73 : memref<1x128xi32, #tpu.memory_space<vmem>> -> memref<128xi32, #tpu.memory_space<vmem>>
        %dma_start3A_75 = arith.constant 0 : i32
        %dma_start3A_76 = arith.constant 0 : i32
        %dma_start3A_77 = tpu.memref_slice %arg2[%dma_start3A_75, %dma_start3A_76] : memref<10000x128xf32, #tpu.memory_space<hbm>> -> memref<10000x128xf32, #tpu.memory_space<hbm>>
        tpu.enqueue_indirect_dma source(%dma_start3A_77 : memref<10000x128xf32, #tpu.memory_space<hbm>>) target(%arg9 : memref<128x128xf32, #tpu.memory_space<vmem>>) offsets(%dma_start3A_74 : memref<128xi32, #tpu.memory_space<vmem>>) semaphore(%arg12 : memref<!tpu.dma_semaphore, #tpu.memory_space<semaphore_mem>>)
      } else {
      }
      %dma_wait3A_64 = arith.constant 0 : i32
      %dma_wait3A_65 = tpu.memref_slice %arg7[%add3A_47, %dma_wait3A_64] : memref<40x128xi32, #tpu.memory_space<vmem>> -> memref<1x128xi32, #tpu.memory_space<vmem>>
      %dma_wait3A_66 = tpu.memref_squeeze %dma_wait3A_65 : memref<1x128xi32, #tpu.memory_space<vmem>> -> memref<128xi32, #tpu.memory_space<vmem>>
      %dma_wait3A_67 = arith.constant 0 : i32
      %dma_wait3A_68 = arith.constant 0 : i32
      %dma_wait3A_69 = tpu.memref_slice %arg2[%dma_wait3A_67, %dma_wait3A_68] : memref<10000x128xf32, #tpu.memory_space<hbm>> -> memref<10000x128xf32, #tpu.memory_space<hbm>>
      tpu.wait_indirect_dma semaphore(%arg13 : memref<!tpu.dma_semaphore, #tpu.memory_space<semaphore_mem>>) src(%dma_wait3A_69 : memref<10000x128xf32, #tpu.memory_space<hbm>>) dst(%arg10 : memref<128x128xf32, #tpu.memory_space<vmem>>)
      "tpu.region"() ({
        %run_scoped3A = tpu.sem_alloc : memref<!tpu.dma_semaphore, #tpu.memory_space<semaphore_mem>>
        %dma_start3A_70 = arith.constant 0 : i32
        %dma_start3A_71 = tpu.memref_slice %arg8[%add3A_47, %dma_start3A_70] : memref<40x128xi32, #tpu.memory_space<vmem>> -> memref<1x128xi32, #tpu.memory_space<vmem>>
        %dma_start3A_72 = tpu.memref_squeeze %dma_start3A_71 : memref<1x128xi32, #tpu.memory_space<vmem>> -> memref<128xi32, #tpu.memory_space<vmem>>
        %dma_start3A_73 = arith.constant 0 : i32
        %dma_start3A_74 = arith.constant 0 : i32
        %dma_start3A_75 = tpu.memref_slice %arg11[%dma_start3A_73, %dma_start3A_74] : memref<10240x128xf32, #tpu.memory_space<vmem_shared>> -> memref<10240x128xf32, #tpu.memory_space<vmem_shared>>
        tpu.enqueue_indirect_dma source(%arg10 : memref<128x128xf32, #tpu.memory_space<vmem>>) target(%dma_start3A_75 : memref<10240x128xf32, #tpu.memory_space<vmem_shared>>) offsets(%dma_start3A_72 : memref<128xi32, #tpu.memory_space<vmem>>) semaphore(%run_scoped3A : memref<!tpu.dma_semaphore, #tpu.memory_space<semaphore_mem>>) {add = true}
        %dma_wait3A_76 = arith.constant 0 : i32
        %dma_wait3A_77 = tpu.memref_slice %arg8[%add3A_47, %dma_wait3A_76] : memref<40x128xi32, #tpu.memory_space<vmem>> -> memref<1x128xi32, #tpu.memory_space<vmem>>
        %dma_wait3A_78 = tpu.memref_squeeze %dma_wait3A_77 : memref<1x128xi32, #tpu.memory_space<vmem>> -> memref<128xi32, #tpu.memory_space<vmem>>
        %dma_wait3A_79 = arith.constant 0 : i32
        %dma_wait3A_80 = arith.constant 0 : i32
        %dma_wait3A_81 = tpu.memref_slice %arg11[%dma_wait3A_79, %dma_wait3A_80] : memref<10240x128xf32, #tpu.memory_space<vmem_shared>> -> memref<10240x128xf32, #tpu.memory_space<vmem_shared>>
        tpu.wait_indirect_dma semaphore(%run_scoped3A : memref<!tpu.dma_semaphore, #tpu.memory_space<semaphore_mem>>) src(%arg10 : memref<128x128xf32, #tpu.memory_space<vmem>>) dst(%dma_wait3A_81 : memref<10240x128xf32, #tpu.memory_space<vmem_shared>>)
        tpu.yield
      }) : () -> ()
    }
    %scan3A_20 = arith.constant 20 : i32
    %mul3A_21 = arith.constant 80 : i32
    %mul3A_22 = arith.muli %add3A, %mul3A_21 : i32
    %add3A_23 = arith.constant 40 : i32
    %add3A_24 = arith.addi %mul3A_22, %add3A_23 : i32
    "tpu.region"() ({
      %run_scoped3A = tpu.sem_alloc : memref<!tpu.dma_semaphore, #tpu.memory_space<semaphore_mem>>
      %dma_start3A_43 = arith.constant 0 : i32
      %dma_start3A_44 = tpu.memref_slice %arg3[%add3A_24, %dma_start3A_43] : memref<2560x128xi32, #tpu.memory_space<hbm>> -> memref<40x128xi32, #tpu.memory_space<hbm>>
      %dma_start3A_45 = arith.constant 0 : i32
      %dma_start3A_46 = tpu.memref_slice %arg3[%add3A_24, %dma_start3A_45] : memref<2560x128xi32, #tpu.memory_space<hbm>> -> memref<40x128xi32, #tpu.memory_space<hbm>>
      tpu.enqueue_dma source(%dma_start3A_46 : memref<40x128xi32, #tpu.memory_space<hbm>>) target(%arg7 : memref<40x128xi32, #tpu.memory_space<vmem>>) target_semaphore(%run_scoped3A : memref<!tpu.dma_semaphore, #tpu.memory_space<semaphore_mem>>)
      %dma_wait3A_47 = arith.constant 0 : i32
      %dma_wait3A_48 = tpu.memref_slice %arg3[%add3A_24, %dma_wait3A_47] : memref<2560x128xi32, #tpu.memory_space<hbm>> -> memref<40x128xi32, #tpu.memory_space<hbm>>
      %dma_wait3A_49 = arith.constant 0 : i32
      %dma_wait3A_50 = tpu.memref_slice %arg3[%add3A_24, %dma_wait3A_49] : memref<2560x128xi32, #tpu.memory_space<hbm>> -> memref<40x128xi32, #tpu.memory_space<hbm>>
      tpu.wait_dma2 semaphore(%run_scoped3A : memref<!tpu.dma_semaphore, #tpu.memory_space<semaphore_mem>>) src(%dma_wait3A_50 : memref<40x128xi32, #tpu.memory_space<hbm>>) dst(%arg7 : memref<40x128xi32, #tpu.memory_space<vmem>>)
      tpu.yield
    }) : () -> ()
    "tpu.region"() ({
      %run_scoped3A = tpu.sem_alloc : memref<!tpu.dma_semaphore, #tpu.memory_space<semaphore_mem>>
      %dma_start3A_43 = arith.constant 0 : i32
      %dma_start3A_44 = tpu.memref_slice %arg4[%add3A_24, %dma_start3A_43] : memref<2560x128xi32, #tpu.memory_space<hbm>> -> memref<40x128xi32, #tpu.memory_space<hbm>>
      %dma_start3A_45 = arith.constant 0 : i32
      %dma_start3A_46 = tpu.memref_slice %arg4[%add3A_24, %dma_start3A_45] : memref<2560x128xi32, #tpu.memory_space<hbm>> -> memref<40x128xi32, #tpu.memory_space<hbm>>
      tpu.enqueue_dma source(%dma_start3A_46 : memref<40x128xi32, #tpu.memory_space<hbm>>) target(%arg8 : memref<40x128xi32, #tpu.memory_space<vmem>>) target_semaphore(%run_scoped3A : memref<!tpu.dma_semaphore, #tpu.memory_space<semaphore_mem>>)
      %dma_wait3A_47 = arith.constant 0 : i32
      %dma_wait3A_48 = tpu.memref_slice %arg4[%add3A_24, %dma_wait3A_47] : memref<2560x128xi32, #tpu.memory_space<hbm>> -> memref<40x128xi32, #tpu.memory_space<hbm>>
      %dma_wait3A_49 = arith.constant 0 : i32
      %dma_wait3A_50 = tpu.memref_slice %arg4[%add3A_24, %dma_wait3A_49] : memref<2560x128xi32, #tpu.memory_space<hbm>> -> memref<40x128xi32, #tpu.memory_space<hbm>>
      tpu.wait_dma2 semaphore(%run_scoped3A : memref<!tpu.dma_semaphore, #tpu.memory_space<semaphore_mem>>) src(%dma_wait3A_50 : memref<40x128xi32, #tpu.memory_space<hbm>>) dst(%arg8 : memref<40x128xi32, #tpu.memory_space<vmem>>)
      tpu.yield
    }) : () -> ()
    %dma_start3A_25 = arith.constant 0 : i32
    %dma_start3A_26 = arith.constant 0 : i32
    %dma_start3A_27 = tpu.memref_slice %arg7[%dma_start3A_25, %dma_start3A_26] : memref<40x128xi32, #tpu.memory_space<vmem>> -> memref<1x128xi32, #tpu.memory_space<vmem>>
    %dma_start3A_28 = tpu.memref_squeeze %dma_start3A_27 : memref<1x128xi32, #tpu.memory_space<vmem>> -> memref<128xi32, #tpu.memory_space<vmem>>
    %dma_start3A_29 = arith.constant 0 : i32
    %dma_start3A_30 = arith.constant 0 : i32
    %dma_start3A_31 = tpu.memref_slice %arg2[%dma_start3A_29, %dma_start3A_30] : memref<10000x128xf32, #tpu.memory_space<hbm>> -> memref<10000x128xf32, #tpu.memory_space<hbm>>
    tpu.enqueue_indirect_dma source(%dma_start3A_31 : memref<10000x128xf32, #tpu.memory_space<hbm>>) target(%arg9 : memref<128x128xf32, #tpu.memory_space<vmem>>) offsets(%dma_start3A_28 : memref<128xi32, #tpu.memory_space<vmem>>) semaphore(%arg12 : memref<!tpu.dma_semaphore, #tpu.memory_space<semaphore_mem>>)
    %scan3A_32 = arith.constant 0 : i32
    %scan3A_33 = arith.constant 0 : i32
    %scan3A_34 = arith.constant 20 : i32
    %scan3A_35 = arith.addi %scan3A_33, %scan3A_34 : i32
    %scan3A_36 = arith.constant 1 : i32
    scf.for %scan3A_43 = %scan3A_33 to %scan3A_35 step %scan3A_36  : i32 {
      %mul3A_44 = arith.constant 2 : i32
      %mul3A_45 = arith.muli %mul3A_44, %scan3A_43 : i32
      %add3A_46 = arith.constant 1 : i32
      %add3A_47 = arith.addi %mul3A_45, %add3A_46 : i32
      %dma_start3A_48 = arith.constant 0 : i32
      %dma_start3A_49 = tpu.memref_slice %arg7[%add3A_47, %dma_start3A_48] : memref<40x128xi32, #tpu.memory_space<vmem>> -> memref<1x128xi32, #tpu.memory_space<vmem>>
      %dma_start3A_50 = tpu.memref_squeeze %dma_start3A_49 : memref<1x128xi32, #tpu.memory_space<vmem>> -> memref<128xi32, #tpu.memory_space<vmem>>
      %dma_start3A_51 = arith.constant 0 : i32
      %dma_start3A_52 = arith.constant 0 : i32
      %dma_start3A_53 = tpu.memref_slice %arg2[%dma_start3A_51, %dma_start3A_52] : memref<10000x128xf32, #tpu.memory_space<hbm>> -> memref<10000x128xf32, #tpu.memory_space<hbm>>
      tpu.enqueue_indirect_dma source(%dma_start3A_53 : memref<10000x128xf32, #tpu.memory_space<hbm>>) target(%arg10 : memref<128x128xf32, #tpu.memory_space<vmem>>) offsets(%dma_start3A_50 : memref<128xi32, #tpu.memory_space<vmem>>) semaphore(%arg13 : memref<!tpu.dma_semaphore, #tpu.memory_space<semaphore_mem>>)
      %dma_wait3A_54 = arith.constant 0 : i32
      %dma_wait3A_55 = tpu.memref_slice %arg7[%mul3A_45, %dma_wait3A_54] : memref<40x128xi32, #tpu.memory_space<vmem>> -> memref<1x128xi32, #tpu.memory_space<vmem>>
      %dma_wait3A_56 = tpu.memref_squeeze %dma_wait3A_55 : memref<1x128xi32, #tpu.memory_space<vmem>> -> memref<128xi32, #tpu.memory_space<vmem>>
      %dma_wait3A_57 = arith.constant 0 : i32
      %dma_wait3A_58 = arith.constant 0 : i32
      %dma_wait3A_59 = tpu.memref_slice %arg2[%dma_wait3A_57, %dma_wait3A_58] : memref<10000x128xf32, #tpu.memory_space<hbm>> -> memref<10000x128xf32, #tpu.memory_space<hbm>>
      tpu.wait_indirect_dma semaphore(%arg12 : memref<!tpu.dma_semaphore, #tpu.memory_space<semaphore_mem>>) src(%dma_wait3A_59 : memref<10000x128xf32, #tpu.memory_space<hbm>>) dst(%arg9 : memref<128x128xf32, #tpu.memory_space<vmem>>)
      "tpu.region"() ({
        %run_scoped3A = tpu.sem_alloc : memref<!tpu.dma_semaphore, #tpu.memory_space<semaphore_mem>>
        %dma_start3A_70 = arith.constant 0 : i32
        %dma_start3A_71 = tpu.memref_slice %arg8[%mul3A_45, %dma_start3A_70] : memref<40x128xi32, #tpu.memory_space<vmem>> -> memref<1x128xi32, #tpu.memory_space<vmem>>
        %dma_start3A_72 = tpu.memref_squeeze %dma_start3A_71 : memref<1x128xi32, #tpu.memory_space<vmem>> -> memref<128xi32, #tpu.memory_space<vmem>>
        %dma_start3A_73 = arith.constant 0 : i32
        %dma_start3A_74 = arith.constant 0 : i32
        %dma_start3A_75 = tpu.memref_slice %arg11[%dma_start3A_73, %dma_start3A_74] : memref<10240x128xf32, #tpu.memory_space<vmem_shared>> -> memref<10240x128xf32, #tpu.memory_space<vmem_shared>>
        tpu.enqueue_indirect_dma source(%arg9 : memref<128x128xf32, #tpu.memory_space<vmem>>) target(%dma_start3A_75 : memref<10240x128xf32, #tpu.memory_space<vmem_shared>>) offsets(%dma_start3A_72 : memref<128xi32, #tpu.memory_space<vmem>>) semaphore(%run_scoped3A : memref<!tpu.dma_semaphore, #tpu.memory_space<semaphore_mem>>) {add = true}
        %dma_wait3A_76 = arith.constant 0 : i32
        %dma_wait3A_77 = tpu.memref_slice %arg8[%mul3A_45, %dma_wait3A_76] : memref<40x128xi32, #tpu.memory_space<vmem>> -> memref<1x128xi32, #tpu.memory_space<vmem>>
        %dma_wait3A_78 = tpu.memref_squeeze %dma_wait3A_77 : memref<1x128xi32, #tpu.memory_space<vmem>> -> memref<128xi32, #tpu.memory_space<vmem>>
        %dma_wait3A_79 = arith.constant 0 : i32
        %dma_wait3A_80 = arith.constant 0 : i32
        %dma_wait3A_81 = tpu.memref_slice %arg11[%dma_wait3A_79, %dma_wait3A_80] : memref<10240x128xf32, #tpu.memory_space<vmem_shared>> -> memref<10240x128xf32, #tpu.memory_space<vmem_shared>>
        tpu.wait_indirect_dma semaphore(%run_scoped3A : memref<!tpu.dma_semaphore, #tpu.memory_space<semaphore_mem>>) src(%arg9 : memref<128x128xf32, #tpu.memory_space<vmem>>) dst(%dma_wait3A_81 : memref<10240x128xf32, #tpu.memory_space<vmem_shared>>)
        tpu.yield
      }) : () -> ()
      %add3A_60 = arith.constant 2 : i32
      %add3A_61 = arith.addi %mul3A_45, %add3A_60 : i32
      %lt3A = arith.constant 40 : i32
      %lt3A_62 = arith.cmpi slt, %add3A_61, %lt3A : i32
      %convert_element_type3A = arith.extui %lt3A_62 : i1 to i32
      %cond3A = arith.constant 0 : i32
      %cond3A_63 = arith.cmpi ne, %convert_element_type3A, %cond3A : i32
      scf.if %cond3A_63 {
        %add3A_70 = arith.constant 2 : i32
        %add3A_71 = arith.addi %mul3A_45, %add3A_70 : i32
        %dma_start3A_72 = arith.constant 0 : i32
        %dma_start3A_73 = tpu.memref_slice %arg7[%add3A_71, %dma_start3A_72] : memref<40x128xi32, #tpu.memory_space<vmem>> -> memref<1x128xi32, #tpu.memory_space<vmem>>
        %dma_start3A_74 = tpu.memref_squeeze %dma_start3A_73 : memref<1x128xi32, #tpu.memory_space<vmem>> -> memref<128xi32, #tpu.memory_space<vmem>>
        %dma_start3A_75 = arith.constant 0 : i32
        %dma_start3A_76 = arith.constant 0 : i32
        %dma_start3A_77 = tpu.memref_slice %arg2[%dma_start3A_75, %dma_start3A_76] : memref<10000x128xf32, #tpu.memory_space<hbm>> -> memref<10000x128xf32, #tpu.memory_space<hbm>>
        tpu.enqueue_indirect_dma source(%dma_start3A_77 : memref<10000x128xf32, #tpu.memory_space<hbm>>) target(%arg9 : memref<128x128xf32, #tpu.memory_space<vmem>>) offsets(%dma_start3A_74 : memref<128xi32, #tpu.memory_space<vmem>>) semaphore(%arg12 : memref<!tpu.dma_semaphore, #tpu.memory_space<semaphore_mem>>)
      } else {
      }
      %dma_wait3A_64 = arith.constant 0 : i32
      %dma_wait3A_65 = tpu.memref_slice %arg7[%add3A_47, %dma_wait3A_64] : memref<40x128xi32, #tpu.memory_space<vmem>> -> memref<1x128xi32, #tpu.memory_space<vmem>>
      %dma_wait3A_66 = tpu.memref_squeeze %dma_wait3A_65 : memref<1x128xi32, #tpu.memory_space<vmem>> -> memref<128xi32, #tpu.memory_space<vmem>>
      %dma_wait3A_67 = arith.constant 0 : i32
      %dma_wait3A_68 = arith.constant 0 : i32
      %dma_wait3A_69 = tpu.memref_slice %arg2[%dma_wait3A_67, %dma_wait3A_68] : memref<10000x128xf32, #tpu.memory_space<hbm>> -> memref<10000x128xf32, #tpu.memory_space<hbm>>
      tpu.wait_indirect_dma semaphore(%arg13 : memref<!tpu.dma_semaphore, #tpu.memory_space<semaphore_mem>>) src(%dma_wait3A_69 : memref<10000x128xf32, #tpu.memory_space<hbm>>) dst(%arg10 : memref<128x128xf32, #tpu.memory_space<vmem>>)
      "tpu.region"() ({
        %run_scoped3A = tpu.sem_alloc : memref<!tpu.dma_semaphore, #tpu.memory_space<semaphore_mem>>
        %dma_start3A_70 = arith.constant 0 : i32
        %dma_start3A_71 = tpu.memref_slice %arg8[%add3A_47, %dma_start3A_70] : memref<40x128xi32, #tpu.memory_space<vmem>> -> memref<1x128xi32, #tpu.memory_space<vmem>>
        %dma_start3A_72 = tpu.memref_squeeze %dma_start3A_71 : memref<1x128xi32, #tpu.memory_space<vmem>> -> memref<128xi32, #tpu.memory_space<vmem>>
        %dma_start3A_73 = arith.constant 0 : i32
        %dma_start3A_74 = arith.constant 0 : i32
        %dma_start3A_75 = tpu.memref_slice %arg11[%dma_start3A_73, %dma_start3A_74] : memref<10240x128xf32, #tpu.memory_space<vmem_shared>> -> memref<10240x128xf32, #tpu.memory_space<vmem_shared>>
        tpu.enqueue_indirect_dma source(%arg10 : memref<128x128xf32, #tpu.memory_space<vmem>>) target(%dma_start3A_75 : memref<10240x128xf32, #tpu.memory_space<vmem_shared>>) offsets(%dma_start3A_72 : memref<128xi32, #tpu.memory_space<vmem>>) semaphore(%run_scoped3A : memref<!tpu.dma_semaphore, #tpu.memory_space<semaphore_mem>>) {add = true}
        %dma_wait3A_76 = arith.constant 0 : i32
        %dma_wait3A_77 = tpu.memref_slice %arg8[%add3A_47, %dma_wait3A_76] : memref<40x128xi32, #tpu.memory_space<vmem>> -> memref<1x128xi32, #tpu.memory_space<vmem>>
        %dma_wait3A_78 = tpu.memref_squeeze %dma_wait3A_77 : memref<1x128xi32, #tpu.memory_space<vmem>> -> memref<128xi32, #tpu.memory_space<vmem>>
        %dma_wait3A_79 = arith.constant 0 : i32
        %dma_wait3A_80 = arith.constant 0 : i32
        %dma_wait3A_81 = tpu.memref_slice %arg11[%dma_wait3A_79, %dma_wait3A_80] : memref<10240x128xf32, #tpu.memory_space<vmem_shared>> -> memref<10240x128xf32, #tpu.memory_space<vmem_shared>>
        tpu.wait_indirect_dma semaphore(%run_scoped3A : memref<!tpu.dma_semaphore, #tpu.memory_space<semaphore_mem>>) src(%arg10 : memref<128x128xf32, #tpu.memory_space<vmem>>) dst(%dma_wait3A_81 : memref<10240x128xf32, #tpu.memory_space<vmem_shared>>)
        tpu.yield
      }) : () -> ()
    }
    %scan3A_37 = arith.constant 20 : i32
    %barrier3A_38 = arith.constant 0 : index
    tpu.barrier barrier_id(%barrier3A_38)
    %mul3A_39 = arith.constant 640 : i32
    %mul3A_40 = arith.muli %arg1, %mul3A_39 : i32
    %mul3A_41 = arith.constant 640 : i32
    %mul3A_42 = arith.muli %arg1, %mul3A_41 : i32
    "tpu.region"() ({
      %run_scoped3A = tpu.sem_alloc : memref<!tpu.dma_semaphore, #tpu.memory_space<semaphore_mem>>
      %dma_start3A_43 = arith.constant 0 : i32
      %dma_start3A_44 = tpu.memref_slice %arg6[%arg0, %mul3A_42, %dma_start3A_43] : memref<2x10240x128xf32, #tpu.memory_space<hbm>> -> memref<1x640x128xf32, #tpu.memory_space<hbm>>
      %dma_start3A_45 = tpu.memref_squeeze %dma_start3A_44 : memref<1x640x128xf32, #tpu.memory_space<hbm>> -> memref<640x128xf32, #tpu.memory_space<hbm>>
      %dma_start3A_46 = arith.constant 0 : i32
      %dma_start3A_47 = tpu.memref_slice %arg11[%mul3A_40, %dma_start3A_46] : memref<10240x128xf32, #tpu.memory_space<vmem_shared>> -> memref<640x128xf32, #tpu.memory_space<vmem_shared>>
      tpu.enqueue_dma source(%dma_start3A_47 : memref<640x128xf32, #tpu.memory_space<vmem_shared>>) target(%dma_start3A_45 : memref<640x128xf32, #tpu.memory_space<hbm>>) target_semaphore(%run_scoped3A : memref<!tpu.dma_semaphore, #tpu.memory_space<semaphore_mem>>)
      %dma_wait3A_48 = arith.constant 0 : i32
      %dma_wait3A_49 = tpu.memref_slice %arg6[%arg0, %mul3A_42, %dma_wait3A_48] : memref<2x10240x128xf32, #tpu.memory_space<hbm>> -> memref<1x640x128xf32, #tpu.memory_space<hbm>>
      %dma_wait3A_50 = tpu.memref_squeeze %dma_wait3A_49 : memref<1x640x128xf32, #tpu.memory_space<hbm>> -> memref<640x128xf32, #tpu.memory_space<hbm>>
      %dma_wait3A_51 = arith.constant 0 : i32
      %dma_wait3A_52 = tpu.memref_slice %arg11[%mul3A_40, %dma_wait3A_51] : memref<10240x128xf32, #tpu.memory_space<vmem_shared>> -> memref<640x128xf32, #tpu.memory_space<vmem_shared>>
      tpu.wait_dma2 semaphore(%run_scoped3A : memref<!tpu.dma_semaphore, #tpu.memory_space<semaphore_mem>>) src(%dma_wait3A_52 : memref<640x128xf32, #tpu.memory_space<vmem_shared>>) dst(%dma_wait3A_50 : memref<640x128xf32, #tpu.memory_space<hbm>>)
      tpu.yield
    }) : () -> ()
    return
  }
}

#map = affine_map<(d0, d1) -> (0, 0)>
#map1 = affine_map<(d0, d1) -> (0)>
module attributes {stable_mosaic.version = 14 : i64} {
  func.func @deg_kernel(%arg0: i32, %arg1: i32, %arg2: memref<2560x128xi32, #tpu.memory_space<hbm>>, %arg3: memref<640xf32, #tpu.memory_space<hbm>>, %arg4: memref<128xf32, #tpu.memory_space<hbm>>, %arg5: memref<20480xf32, #tpu.memory_space<hbm>>, %arg6: memref<80x128xi32, #tpu.memory_space<vmem>>, %arg7: memref<128xf32, #tpu.memory_space<vmem>>, %arg8: memref<10240xf32, #tpu.memory_space<vmem_shared>>, %arg9: memref<!tpu.dma_semaphore, #tpu.memory_space<semaphore_mem>>) attributes {dimension_semantics = [#tpu.dimension_semantics<core_parallel>, #tpu.dimension_semantics<subcore_parallel>], iteration_bounds = array<i64: 2, 16>, scalar_prefetch = 0 : i64, scratch_operands = 4 : i64, tpu.core_type = #tpu.core_type<sc_vector_subcore>, window_params = [{transform_indices = #map}, {transform_indices = #map1}, {transform_indices = #map1}, {transform_indices = #map1}]} {
    %mul3A = arith.constant 16 : i32
    %mul3A_0 = arith.muli %arg0, %mul3A : i32
    %add3A = arith.addi %mul3A_0, %arg1 : i32
    %mul3A_1 = arith.constant 640 : i32
    %mul3A_2 = arith.muli %arg1, %mul3A_1 : i32
    %dma_start3A = tpu.memref_slice %arg8[%mul3A_2] : memref<10240xf32, #tpu.memory_space<vmem_shared>> -> memref<640xf32, #tpu.memory_space<vmem_shared>>
    tpu.enqueue_dma source(%arg3 : memref<640xf32, #tpu.memory_space<hbm>>) target(%dma_start3A : memref<640xf32, #tpu.memory_space<vmem_shared>>) target_semaphore(%arg9 : memref<!tpu.dma_semaphore, #tpu.memory_space<semaphore_mem>>)
    %mul3A_3 = arith.constant 80 : i32
    %mul3A_4 = arith.muli %add3A, %mul3A_3 : i32
    "tpu.region"() ({
      %run_scoped3A = tpu.sem_alloc : memref<!tpu.dma_semaphore, #tpu.memory_space<semaphore_mem>>
      %dma_start3A_18 = arith.constant 0 : i32
      %dma_start3A_19 = tpu.memref_slice %arg2[%mul3A_4, %dma_start3A_18] : memref<2560x128xi32, #tpu.memory_space<hbm>> -> memref<80x128xi32, #tpu.memory_space<hbm>>
      %dma_start3A_20 = arith.constant 0 : i32
      %dma_start3A_21 = tpu.memref_slice %arg2[%mul3A_4, %dma_start3A_20] : memref<2560x128xi32, #tpu.memory_space<hbm>> -> memref<80x128xi32, #tpu.memory_space<hbm>>
      tpu.enqueue_dma source(%dma_start3A_21 : memref<80x128xi32, #tpu.memory_space<hbm>>) target(%arg6 : memref<80x128xi32, #tpu.memory_space<vmem>>) target_semaphore(%run_scoped3A : memref<!tpu.dma_semaphore, #tpu.memory_space<semaphore_mem>>)
      %dma_wait3A_22 = arith.constant 0 : i32
      %dma_wait3A_23 = tpu.memref_slice %arg2[%mul3A_4, %dma_wait3A_22] : memref<2560x128xi32, #tpu.memory_space<hbm>> -> memref<80x128xi32, #tpu.memory_space<hbm>>
      %dma_wait3A_24 = arith.constant 0 : i32
      %dma_wait3A_25 = tpu.memref_slice %arg2[%mul3A_4, %dma_wait3A_24] : memref<2560x128xi32, #tpu.memory_space<hbm>> -> memref<80x128xi32, #tpu.memory_space<hbm>>
      tpu.wait_dma2 semaphore(%run_scoped3A : memref<!tpu.dma_semaphore, #tpu.memory_space<semaphore_mem>>) src(%dma_wait3A_25 : memref<80x128xi32, #tpu.memory_space<hbm>>) dst(%arg6 : memref<80x128xi32, #tpu.memory_space<vmem>>)
      tpu.yield
    }) : () -> ()
    "tpu.region"() ({
      %run_scoped3A = tpu.sem_alloc : memref<!tpu.dma_semaphore, #tpu.memory_space<semaphore_mem>>
      tpu.enqueue_dma source(%arg4 : memref<128xf32, #tpu.memory_space<hbm>>) target(%arg7 : memref<128xf32, #tpu.memory_space<vmem>>) target_semaphore(%run_scoped3A : memref<!tpu.dma_semaphore, #tpu.memory_space<semaphore_mem>>)
      tpu.wait_dma2 semaphore(%run_scoped3A : memref<!tpu.dma_semaphore, #tpu.memory_space<semaphore_mem>>) src(%arg4 : memref<128xf32, #tpu.memory_space<hbm>>) dst(%arg7 : memref<128xf32, #tpu.memory_space<vmem>>)
      tpu.yield
    }) : () -> ()
    %dma_wait3A = tpu.memref_slice %arg8[%mul3A_2] : memref<10240xf32, #tpu.memory_space<vmem_shared>> -> memref<640xf32, #tpu.memory_space<vmem_shared>>
    tpu.wait_dma2 semaphore(%arg9 : memref<!tpu.dma_semaphore, #tpu.memory_space<semaphore_mem>>) src(%arg3 : memref<640xf32, #tpu.memory_space<hbm>>) dst(%dma_wait3A : memref<640xf32, #tpu.memory_space<vmem_shared>>)
    %barrier3A = arith.constant 0 : index
    tpu.barrier barrier_id(%barrier3A)
    %scan3A = arith.constant 0 : i32
    %scan3A_5 = arith.constant 0 : i32
    %scan3A_6 = arith.constant 80 : i32
    %scan3A_7 = arith.addi %scan3A_5, %scan3A_6 : i32
    %scan3A_8 = arith.constant 1 : i32
    scf.for %scan3A_18 = %scan3A_5 to %scan3A_7 step %scan3A_8  : i32 {
      "tpu.region"() ({
        %run_scoped3A = tpu.sem_alloc : memref<!tpu.dma_semaphore, #tpu.memory_space<semaphore_mem>>
        %dma_start3A_19 = arith.constant 0 : i32
        %dma_start3A_20 = tpu.memref_slice %arg6[%scan3A_18, %dma_start3A_19] : memref<80x128xi32, #tpu.memory_space<vmem>> -> memref<1x128xi32, #tpu.memory_space<vmem>>
        %dma_start3A_21 = tpu.memref_squeeze %dma_start3A_20 : memref<1x128xi32, #tpu.memory_space<vmem>> -> memref<128xi32, #tpu.memory_space<vmem>>
        %dma_start3A_22 = arith.constant 0 : i32
        %dma_start3A_23 = tpu.memref_slice %arg8[%dma_start3A_22] : memref<10240xf32, #tpu.memory_space<vmem_shared>> -> memref<10240xf32, #tpu.memory_space<vmem_shared>>
        tpu.enqueue_indirect_dma source(%arg7 : memref<128xf32, #tpu.memory_space<vmem>>) target(%dma_start3A_23 : memref<10240xf32, #tpu.memory_space<vmem_shared>>) offsets(%dma_start3A_21 : memref<128xi32, #tpu.memory_space<vmem>>) semaphore(%run_scoped3A : memref<!tpu.dma_semaphore, #tpu.memory_space<semaphore_mem>>) {add = true}
        %dma_wait3A_24 = arith.constant 0 : i32
        %dma_wait3A_25 = tpu.memref_slice %arg6[%scan3A_18, %dma_wait3A_24] : memref<80x128xi32, #tpu.memory_space<vmem>> -> memref<1x128xi32, #tpu.memory_space<vmem>>
        %dma_wait3A_26 = tpu.memref_squeeze %dma_wait3A_25 : memref<1x128xi32, #tpu.memory_space<vmem>> -> memref<128xi32, #tpu.memory_space<vmem>>
        %dma_wait3A_27 = arith.constant 0 : i32
        %dma_wait3A_28 = tpu.memref_slice %arg8[%dma_wait3A_27] : memref<10240xf32, #tpu.memory_space<vmem_shared>> -> memref<10240xf32, #tpu.memory_space<vmem_shared>>
        tpu.wait_indirect_dma semaphore(%run_scoped3A : memref<!tpu.dma_semaphore, #tpu.memory_space<semaphore_mem>>) src(%arg7 : memref<128xf32, #tpu.memory_space<vmem>>) dst(%dma_wait3A_28 : memref<10240xf32, #tpu.memory_space<vmem_shared>>)
        tpu.yield
      }) : () -> ()
    }
    %scan3A_9 = arith.constant 80 : i32
    %barrier3A_10 = arith.constant 0 : index
    tpu.barrier barrier_id(%barrier3A_10)
    %mul3A_11 = arith.constant 640 : i32
    %mul3A_12 = arith.muli %arg1, %mul3A_11 : i32
    %mul3A_13 = arith.constant 10240 : i32
    %mul3A_14 = arith.muli %arg0, %mul3A_13 : i32
    %mul3A_15 = arith.constant 640 : i32
    %mul3A_16 = arith.muli %arg1, %mul3A_15 : i32
    %add3A_17 = arith.addi %mul3A_14, %mul3A_16 : i32
    "tpu.region"() ({
      %run_scoped3A = tpu.sem_alloc : memref<!tpu.dma_semaphore, #tpu.memory_space<semaphore_mem>>
      %dma_start3A_18 = tpu.memref_slice %arg5[%add3A_17] : memref<20480xf32, #tpu.memory_space<hbm>> -> memref<640xf32, #tpu.memory_space<hbm>>
      %dma_start3A_19 = tpu.memref_slice %arg8[%mul3A_12] : memref<10240xf32, #tpu.memory_space<vmem_shared>> -> memref<640xf32, #tpu.memory_space<vmem_shared>>
      tpu.enqueue_dma source(%dma_start3A_19 : memref<640xf32, #tpu.memory_space<vmem_shared>>) target(%dma_start3A_18 : memref<640xf32, #tpu.memory_space<hbm>>) target_semaphore(%run_scoped3A : memref<!tpu.dma_semaphore, #tpu.memory_space<semaphore_mem>>)
      %dma_wait3A_20 = tpu.memref_slice %arg5[%add3A_17] : memref<20480xf32, #tpu.memory_space<hbm>> -> memref<640xf32, #tpu.memory_space<hbm>>
      %dma_wait3A_21 = tpu.memref_slice %arg8[%mul3A_12] : memref<10240xf32, #tpu.memory_space<vmem_shared>> -> memref<640xf32, #tpu.memory_space<vmem_shared>>
      tpu.wait_dma2 semaphore(%run_scoped3A : memref<!tpu.dma_semaphore, #tpu.memory_space<semaphore_mem>>) src(%dma_wait3A_21 : memref<640xf32, #tpu.memory_space<vmem_shared>>) dst(%dma_wait3A_20 : memref<640xf32, #tpu.memory_space<hbm>>)
      tpu.yield
    }) : () -> ()
    return
  }
}

#map = affine_map<(d0, d1) -> (0, 0)>
#map1 = affine_map<(d0, d1) -> (0, 0, 0)>
module attributes {stable_mosaic.version = 14 : i64} {
  func.func @agg_kernel(%arg0: i32, %arg1: i32, %arg2: memref<10000x128xf32, #tpu.memory_space<hbm>>, %arg3: memref<2560x128xi32, #tpu.memory_space<hbm>>, %arg4: memref<2560x128xi32, #tpu.memory_space<hbm>>, %arg5: memref<640x128xf32, #tpu.memory_space<hbm>>, %arg6: memref<2x10240x128xf32, #tpu.memory_space<hbm>>, %arg7: memref<40x128xi32, #tpu.memory_space<vmem>>, %arg8: memref<40x128xi32, #tpu.memory_space<vmem>>, %arg9: memref<128x128xf32, #tpu.memory_space<vmem>>, %arg10: memref<128x128xf32, #tpu.memory_space<vmem>>, %arg11: memref<10240x128xf32, #tpu.memory_space<vmem_shared>>, %arg12: memref<!tpu.dma_semaphore, #tpu.memory_space<semaphore_mem>>, %arg13: memref<!tpu.dma_semaphore, #tpu.memory_space<semaphore_mem>>) attributes {dimension_semantics = [#tpu.dimension_semantics<core_parallel>, #tpu.dimension_semantics<subcore_parallel>], iteration_bounds = array<i64: 2, 16>, scalar_prefetch = 0 : i64, scratch_operands = 7 : i64, tpu.core_type = #tpu.core_type<sc_vector_subcore>, window_params = [{transform_indices = #map}, {transform_indices = #map}, {transform_indices = #map}, {transform_indices = #map}, {transform_indices = #map1}]} {
    %mul3A = arith.constant 16 : i32
    %mul3A_0 = arith.muli %arg0, %mul3A : i32
    %add3A = arith.addi %mul3A_0, %arg1 : i32
    %mul3A_1 = arith.constant 640 : i32
    %mul3A_2 = arith.muli %arg1, %mul3A_1 : i32
    %dma_start3A = arith.constant 0 : i32
    %dma_start3A_3 = tpu.memref_slice %arg11[%mul3A_2, %dma_start3A] : memref<10240x128xf32, #tpu.memory_space<vmem_shared>> -> memref<640x128xf32, #tpu.memory_space<vmem_shared>>
    tpu.enqueue_dma source(%arg5 : memref<640x128xf32, #tpu.memory_space<hbm>>) target(%dma_start3A_3 : memref<640x128xf32, #tpu.memory_space<vmem_shared>>) target_semaphore(%arg13 : memref<!tpu.dma_semaphore, #tpu.memory_space<semaphore_mem>>)
    %mul3A_4 = arith.constant 80 : i32
    %mul3A_5 = arith.muli %add3A, %mul3A_4 : i32
    %add3A_6 = arith.constant 0 : i32
    %add3A_7 = arith.addi %mul3A_5, %add3A_6 : i32
    "tpu.region"() ({
      %run_scoped3A = tpu.sem_alloc : memref<!tpu.dma_semaphore, #tpu.memory_space<semaphore_mem>>
      %dma_start3A_43 = arith.constant 0 : i32
      %dma_start3A_44 = tpu.memref_slice %arg3[%add3A_7, %dma_start3A_43] : memref<2560x128xi32, #tpu.memory_space<hbm>> -> memref<40x128xi32, #tpu.memory_space<hbm>>
      %dma_start3A_45 = arith.constant 0 : i32
      %dma_start3A_46 = tpu.memref_slice %arg3[%add3A_7, %dma_start3A_45] : memref<2560x128xi32, #tpu.memory_space<hbm>> -> memref<40x128xi32, #tpu.memory_space<hbm>>
      tpu.enqueue_dma source(%dma_start3A_46 : memref<40x128xi32, #tpu.memory_space<hbm>>) target(%arg7 : memref<40x128xi32, #tpu.memory_space<vmem>>) target_semaphore(%run_scoped3A : memref<!tpu.dma_semaphore, #tpu.memory_space<semaphore_mem>>)
      %dma_wait3A_47 = arith.constant 0 : i32
      %dma_wait3A_48 = tpu.memref_slice %arg3[%add3A_7, %dma_wait3A_47] : memref<2560x128xi32, #tpu.memory_space<hbm>> -> memref<40x128xi32, #tpu.memory_space<hbm>>
      %dma_wait3A_49 = arith.constant 0 : i32
      %dma_wait3A_50 = tpu.memref_slice %arg3[%add3A_7, %dma_wait3A_49] : memref<2560x128xi32, #tpu.memory_space<hbm>> -> memref<40x128xi32, #tpu.memory_space<hbm>>
      tpu.wait_dma2 semaphore(%run_scoped3A : memref<!tpu.dma_semaphore, #tpu.memory_space<semaphore_mem>>) src(%dma_wait3A_50 : memref<40x128xi32, #tpu.memory_space<hbm>>) dst(%arg7 : memref<40x128xi32, #tpu.memory_space<vmem>>)
      tpu.yield
    }) : () -> ()
    "tpu.region"() ({
      %run_scoped3A = tpu.sem_alloc : memref<!tpu.dma_semaphore, #tpu.memory_space<semaphore_mem>>
      %dma_start3A_43 = arith.constant 0 : i32
      %dma_start3A_44 = tpu.memref_slice %arg4[%add3A_7, %dma_start3A_43] : memref<2560x128xi32, #tpu.memory_space<hbm>> -> memref<40x128xi32, #tpu.memory_space<hbm>>
      %dma_start3A_45 = arith.constant 0 : i32
      %dma_start3A_46 = tpu.memref_slice %arg4[%add3A_7, %dma_start3A_45] : memref<2560x128xi32, #tpu.memory_space<hbm>> -> memref<40x128xi32, #tpu.memory_space<hbm>>
      tpu.enqueue_dma source(%dma_start3A_46 : memref<40x128xi32, #tpu.memory_space<hbm>>) target(%arg8 : memref<40x128xi32, #tpu.memory_space<vmem>>) target_semaphore(%run_scoped3A : memref<!tpu.dma_semaphore, #tpu.memory_space<semaphore_mem>>)
      %dma_wait3A_47 = arith.constant 0 : i32
      %dma_wait3A_48 = tpu.memref_slice %arg4[%add3A_7, %dma_wait3A_47] : memref<2560x128xi32, #tpu.memory_space<hbm>> -> memref<40x128xi32, #tpu.memory_space<hbm>>
      %dma_wait3A_49 = arith.constant 0 : i32
      %dma_wait3A_50 = tpu.memref_slice %arg4[%add3A_7, %dma_wait3A_49] : memref<2560x128xi32, #tpu.memory_space<hbm>> -> memref<40x128xi32, #tpu.memory_space<hbm>>
      tpu.wait_dma2 semaphore(%run_scoped3A : memref<!tpu.dma_semaphore, #tpu.memory_space<semaphore_mem>>) src(%dma_wait3A_50 : memref<40x128xi32, #tpu.memory_space<hbm>>) dst(%arg8 : memref<40x128xi32, #tpu.memory_space<vmem>>)
      tpu.yield
    }) : () -> ()
    %dma_wait3A = arith.constant 0 : i32
    %dma_wait3A_8 = tpu.memref_slice %arg11[%mul3A_2, %dma_wait3A] : memref<10240x128xf32, #tpu.memory_space<vmem_shared>> -> memref<640x128xf32, #tpu.memory_space<vmem_shared>>
    tpu.wait_dma2 semaphore(%arg13 : memref<!tpu.dma_semaphore, #tpu.memory_space<semaphore_mem>>) src(%arg5 : memref<640x128xf32, #tpu.memory_space<hbm>>) dst(%dma_wait3A_8 : memref<640x128xf32, #tpu.memory_space<vmem_shared>>)
    %barrier3A = arith.constant 0 : index
    tpu.barrier barrier_id(%barrier3A)
    %dma_start3A_9 = arith.constant 0 : i32
    %dma_start3A_10 = arith.constant 0 : i32
    %dma_start3A_11 = tpu.memref_slice %arg7[%dma_start3A_9, %dma_start3A_10] : memref<40x128xi32, #tpu.memory_space<vmem>> -> memref<1x128xi32, #tpu.memory_space<vmem>>
    %dma_start3A_12 = tpu.memref_squeeze %dma_start3A_11 : memref<1x128xi32, #tpu.memory_space<vmem>> -> memref<128xi32, #tpu.memory_space<vmem>>
    %dma_start3A_13 = arith.constant 0 : i32
    %dma_start3A_14 = arith.constant 0 : i32
    %dma_start3A_15 = tpu.memref_slice %arg2[%dma_start3A_13, %dma_start3A_14] : memref<10000x128xf32, #tpu.memory_space<hbm>> -> memref<10000x128xf32, #tpu.memory_space<hbm>>
    tpu.enqueue_indirect_dma source(%dma_start3A_15 : memref<10000x128xf32, #tpu.memory_space<hbm>>) target(%arg9 : memref<128x128xf32, #tpu.memory_space<vmem>>) offsets(%dma_start3A_12 : memref<128xi32, #tpu.memory_space<vmem>>) semaphore(%arg12 : memref<!tpu.dma_semaphore, #tpu.memory_space<semaphore_mem>>)
    %scan3A = arith.constant 0 : i32
    %scan3A_16 = arith.constant 0 : i32
    %scan3A_17 = arith.constant 20 : i32
    %scan3A_18 = arith.addi %scan3A_16, %scan3A_17 : i32
    %scan3A_19 = arith.constant 1 : i32
    scf.for %scan3A_43 = %scan3A_16 to %scan3A_18 step %scan3A_19  : i32 {
      %mul3A_44 = arith.constant 2 : i32
      %mul3A_45 = arith.muli %mul3A_44, %scan3A_43 : i32
      %add3A_46 = arith.constant 1 : i32
      %add3A_47 = arith.addi %mul3A_45, %add3A_46 : i32
      %dma_start3A_48 = arith.constant 0 : i32
      %dma_start3A_49 = tpu.memref_slice %arg7[%add3A_47, %dma_start3A_48] : memref<40x128xi32, #tpu.memory_space<vmem>> -> memref<1x128xi32, #tpu.memory_space<vmem>>
      %dma_start3A_50 = tpu.memref_squeeze %dma_start3A_49 : memref<1x128xi32, #tpu.memory_space<vmem>> -> memref<128xi32, #tpu.memory_space<vmem>>
      %dma_start3A_51 = arith.constant 0 : i32
      %dma_start3A_52 = arith.constant 0 : i32
      %dma_start3A_53 = tpu.memref_slice %arg2[%dma_start3A_51, %dma_start3A_52] : memref<10000x128xf32, #tpu.memory_space<hbm>> -> memref<10000x128xf32, #tpu.memory_space<hbm>>
      tpu.enqueue_indirect_dma source(%dma_start3A_53 : memref<10000x128xf32, #tpu.memory_space<hbm>>) target(%arg10 : memref<128x128xf32, #tpu.memory_space<vmem>>) offsets(%dma_start3A_50 : memref<128xi32, #tpu.memory_space<vmem>>) semaphore(%arg13 : memref<!tpu.dma_semaphore, #tpu.memory_space<semaphore_mem>>)
      %dma_wait3A_54 = arith.constant 0 : i32
      %dma_wait3A_55 = tpu.memref_slice %arg7[%mul3A_45, %dma_wait3A_54] : memref<40x128xi32, #tpu.memory_space<vmem>> -> memref<1x128xi32, #tpu.memory_space<vmem>>
      %dma_wait3A_56 = tpu.memref_squeeze %dma_wait3A_55 : memref<1x128xi32, #tpu.memory_space<vmem>> -> memref<128xi32, #tpu.memory_space<vmem>>
      %dma_wait3A_57 = arith.constant 0 : i32
      %dma_wait3A_58 = arith.constant 0 : i32
      %dma_wait3A_59 = tpu.memref_slice %arg2[%dma_wait3A_57, %dma_wait3A_58] : memref<10000x128xf32, #tpu.memory_space<hbm>> -> memref<10000x128xf32, #tpu.memory_space<hbm>>
      tpu.wait_indirect_dma semaphore(%arg12 : memref<!tpu.dma_semaphore, #tpu.memory_space<semaphore_mem>>) src(%dma_wait3A_59 : memref<10000x128xf32, #tpu.memory_space<hbm>>) dst(%arg9 : memref<128x128xf32, #tpu.memory_space<vmem>>)
      "tpu.region"() ({
        %run_scoped3A = tpu.sem_alloc : memref<!tpu.dma_semaphore, #tpu.memory_space<semaphore_mem>>
        %dma_start3A_70 = arith.constant 0 : i32
        %dma_start3A_71 = tpu.memref_slice %arg8[%mul3A_45, %dma_start3A_70] : memref<40x128xi32, #tpu.memory_space<vmem>> -> memref<1x128xi32, #tpu.memory_space<vmem>>
        %dma_start3A_72 = tpu.memref_squeeze %dma_start3A_71 : memref<1x128xi32, #tpu.memory_space<vmem>> -> memref<128xi32, #tpu.memory_space<vmem>>
        %dma_start3A_73 = arith.constant 0 : i32
        %dma_start3A_74 = arith.constant 0 : i32
        %dma_start3A_75 = tpu.memref_slice %arg11[%dma_start3A_73, %dma_start3A_74] : memref<10240x128xf32, #tpu.memory_space<vmem_shared>> -> memref<10240x128xf32, #tpu.memory_space<vmem_shared>>
        tpu.enqueue_indirect_dma source(%arg9 : memref<128x128xf32, #tpu.memory_space<vmem>>) target(%dma_start3A_75 : memref<10240x128xf32, #tpu.memory_space<vmem_shared>>) offsets(%dma_start3A_72 : memref<128xi32, #tpu.memory_space<vmem>>) semaphore(%run_scoped3A : memref<!tpu.dma_semaphore, #tpu.memory_space<semaphore_mem>>) {add = true}
        %dma_wait3A_76 = arith.constant 0 : i32
        %dma_wait3A_77 = tpu.memref_slice %arg8[%mul3A_45, %dma_wait3A_76] : memref<40x128xi32, #tpu.memory_space<vmem>> -> memref<1x128xi32, #tpu.memory_space<vmem>>
        %dma_wait3A_78 = tpu.memref_squeeze %dma_wait3A_77 : memref<1x128xi32, #tpu.memory_space<vmem>> -> memref<128xi32, #tpu.memory_space<vmem>>
        %dma_wait3A_79 = arith.constant 0 : i32
        %dma_wait3A_80 = arith.constant 0 : i32
        %dma_wait3A_81 = tpu.memref_slice %arg11[%dma_wait3A_79, %dma_wait3A_80] : memref<10240x128xf32, #tpu.memory_space<vmem_shared>> -> memref<10240x128xf32, #tpu.memory_space<vmem_shared>>
        tpu.wait_indirect_dma semaphore(%run_scoped3A : memref<!tpu.dma_semaphore, #tpu.memory_space<semaphore_mem>>) src(%arg9 : memref<128x128xf32, #tpu.memory_space<vmem>>) dst(%dma_wait3A_81 : memref<10240x128xf32, #tpu.memory_space<vmem_shared>>)
        tpu.yield
      }) : () -> ()
      %add3A_60 = arith.constant 2 : i32
      %add3A_61 = arith.addi %mul3A_45, %add3A_60 : i32
      %lt3A = arith.constant 40 : i32
      %lt3A_62 = arith.cmpi slt, %add3A_61, %lt3A : i32
      %convert_element_type3A = arith.extui %lt3A_62 : i1 to i32
      %cond3A = arith.constant 0 : i32
      %cond3A_63 = arith.cmpi ne, %convert_element_type3A, %cond3A : i32
      scf.if %cond3A_63 {
        %add3A_70 = arith.constant 2 : i32
        %add3A_71 = arith.addi %mul3A_45, %add3A_70 : i32
        %dma_start3A_72 = arith.constant 0 : i32
        %dma_start3A_73 = tpu.memref_slice %arg7[%add3A_71, %dma_start3A_72] : memref<40x128xi32, #tpu.memory_space<vmem>> -> memref<1x128xi32, #tpu.memory_space<vmem>>
        %dma_start3A_74 = tpu.memref_squeeze %dma_start3A_73 : memref<1x128xi32, #tpu.memory_space<vmem>> -> memref<128xi32, #tpu.memory_space<vmem>>
        %dma_start3A_75 = arith.constant 0 : i32
        %dma_start3A_76 = arith.constant 0 : i32
        %dma_start3A_77 = tpu.memref_slice %arg2[%dma_start3A_75, %dma_start3A_76] : memref<10000x128xf32, #tpu.memory_space<hbm>> -> memref<10000x128xf32, #tpu.memory_space<hbm>>
        tpu.enqueue_indirect_dma source(%dma_start3A_77 : memref<10000x128xf32, #tpu.memory_space<hbm>>) target(%arg9 : memref<128x128xf32, #tpu.memory_space<vmem>>) offsets(%dma_start3A_74 : memref<128xi32, #tpu.memory_space<vmem>>) semaphore(%arg12 : memref<!tpu.dma_semaphore, #tpu.memory_space<semaphore_mem>>)
      } else {
      }
      %dma_wait3A_64 = arith.constant 0 : i32
      %dma_wait3A_65 = tpu.memref_slice %arg7[%add3A_47, %dma_wait3A_64] : memref<40x128xi32, #tpu.memory_space<vmem>> -> memref<1x128xi32, #tpu.memory_space<vmem>>
      %dma_wait3A_66 = tpu.memref_squeeze %dma_wait3A_65 : memref<1x128xi32, #tpu.memory_space<vmem>> -> memref<128xi32, #tpu.memory_space<vmem>>
      %dma_wait3A_67 = arith.constant 0 : i32
      %dma_wait3A_68 = arith.constant 0 : i32
      %dma_wait3A_69 = tpu.memref_slice %arg2[%dma_wait3A_67, %dma_wait3A_68] : memref<10000x128xf32, #tpu.memory_space<hbm>> -> memref<10000x128xf32, #tpu.memory_space<hbm>>
      tpu.wait_indirect_dma semaphore(%arg13 : memref<!tpu.dma_semaphore, #tpu.memory_space<semaphore_mem>>) src(%dma_wait3A_69 : memref<10000x128xf32, #tpu.memory_space<hbm>>) dst(%arg10 : memref<128x128xf32, #tpu.memory_space<vmem>>)
      "tpu.region"() ({
        %run_scoped3A = tpu.sem_alloc : memref<!tpu.dma_semaphore, #tpu.memory_space<semaphore_mem>>
        %dma_start3A_70 = arith.constant 0 : i32
        %dma_start3A_71 = tpu.memref_slice %arg8[%add3A_47, %dma_start3A_70] : memref<40x128xi32, #tpu.memory_space<vmem>> -> memref<1x128xi32, #tpu.memory_space<vmem>>
        %dma_start3A_72 = tpu.memref_squeeze %dma_start3A_71 : memref<1x128xi32, #tpu.memory_space<vmem>> -> memref<128xi32, #tpu.memory_space<vmem>>
        %dma_start3A_73 = arith.constant 0 : i32
        %dma_start3A_74 = arith.constant 0 : i32
        %dma_start3A_75 = tpu.memref_slice %arg11[%dma_start3A_73, %dma_start3A_74] : memref<10240x128xf32, #tpu.memory_space<vmem_shared>> -> memref<10240x128xf32, #tpu.memory_space<vmem_shared>>
        tpu.enqueue_indirect_dma source(%arg10 : memref<128x128xf32, #tpu.memory_space<vmem>>) target(%dma_start3A_75 : memref<10240x128xf32, #tpu.memory_space<vmem_shared>>) offsets(%dma_start3A_72 : memref<128xi32, #tpu.memory_space<vmem>>) semaphore(%run_scoped3A : memref<!tpu.dma_semaphore, #tpu.memory_space<semaphore_mem>>) {add = true}
        %dma_wait3A_76 = arith.constant 0 : i32
        %dma_wait3A_77 = tpu.memref_slice %arg8[%add3A_47, %dma_wait3A_76] : memref<40x128xi32, #tpu.memory_space<vmem>> -> memref<1x128xi32, #tpu.memory_space<vmem>>
        %dma_wait3A_78 = tpu.memref_squeeze %dma_wait3A_77 : memref<1x128xi32, #tpu.memory_space<vmem>> -> memref<128xi32, #tpu.memory_space<vmem>>
        %dma_wait3A_79 = arith.constant 0 : i32
        %dma_wait3A_80 = arith.constant 0 : i32
        %dma_wait3A_81 = tpu.memref_slice %arg11[%dma_wait3A_79, %dma_wait3A_80] : memref<10240x128xf32, #tpu.memory_space<vmem_shared>> -> memref<10240x128xf32, #tpu.memory_space<vmem_shared>>
        tpu.wait_indirect_dma semaphore(%run_scoped3A : memref<!tpu.dma_semaphore, #tpu.memory_space<semaphore_mem>>) src(%arg10 : memref<128x128xf32, #tpu.memory_space<vmem>>) dst(%dma_wait3A_81 : memref<10240x128xf32, #tpu.memory_space<vmem_shared>>)
        tpu.yield
      }) : () -> ()
    }
    %scan3A_20 = arith.constant 20 : i32
    %mul3A_21 = arith.constant 80 : i32
    %mul3A_22 = arith.muli %add3A, %mul3A_21 : i32
    %add3A_23 = arith.constant 40 : i32
    %add3A_24 = arith.addi %mul3A_22, %add3A_23 : i32
    "tpu.region"() ({
      %run_scoped3A = tpu.sem_alloc : memref<!tpu.dma_semaphore, #tpu.memory_space<semaphore_mem>>
      %dma_start3A_43 = arith.constant 0 : i32
      %dma_start3A_44 = tpu.memref_slice %arg3[%add3A_24, %dma_start3A_43] : memref<2560x128xi32, #tpu.memory_space<hbm>> -> memref<40x128xi32, #tpu.memory_space<hbm>>
      %dma_start3A_45 = arith.constant 0 : i32
      %dma_start3A_46 = tpu.memref_slice %arg3[%add3A_24, %dma_start3A_45] : memref<2560x128xi32, #tpu.memory_space<hbm>> -> memref<40x128xi32, #tpu.memory_space<hbm>>
      tpu.enqueue_dma source(%dma_start3A_46 : memref<40x128xi32, #tpu.memory_space<hbm>>) target(%arg7 : memref<40x128xi32, #tpu.memory_space<vmem>>) target_semaphore(%run_scoped3A : memref<!tpu.dma_semaphore, #tpu.memory_space<semaphore_mem>>)
      %dma_wait3A_47 = arith.constant 0 : i32
      %dma_wait3A_48 = tpu.memref_slice %arg3[%add3A_24, %dma_wait3A_47] : memref<2560x128xi32, #tpu.memory_space<hbm>> -> memref<40x128xi32, #tpu.memory_space<hbm>>
      %dma_wait3A_49 = arith.constant 0 : i32
      %dma_wait3A_50 = tpu.memref_slice %arg3[%add3A_24, %dma_wait3A_49] : memref<2560x128xi32, #tpu.memory_space<hbm>> -> memref<40x128xi32, #tpu.memory_space<hbm>>
      tpu.wait_dma2 semaphore(%run_scoped3A : memref<!tpu.dma_semaphore, #tpu.memory_space<semaphore_mem>>) src(%dma_wait3A_50 : memref<40x128xi32, #tpu.memory_space<hbm>>) dst(%arg7 : memref<40x128xi32, #tpu.memory_space<vmem>>)
      tpu.yield
    }) : () -> ()
    "tpu.region"() ({
      %run_scoped3A = tpu.sem_alloc : memref<!tpu.dma_semaphore, #tpu.memory_space<semaphore_mem>>
      %dma_start3A_43 = arith.constant 0 : i32
      %dma_start3A_44 = tpu.memref_slice %arg4[%add3A_24, %dma_start3A_43] : memref<2560x128xi32, #tpu.memory_space<hbm>> -> memref<40x128xi32, #tpu.memory_space<hbm>>
      %dma_start3A_45 = arith.constant 0 : i32
      %dma_start3A_46 = tpu.memref_slice %arg4[%add3A_24, %dma_start3A_45] : memref<2560x128xi32, #tpu.memory_space<hbm>> -> memref<40x128xi32, #tpu.memory_space<hbm>>
      tpu.enqueue_dma source(%dma_start3A_46 : memref<40x128xi32, #tpu.memory_space<hbm>>) target(%arg8 : memref<40x128xi32, #tpu.memory_space<vmem>>) target_semaphore(%run_scoped3A : memref<!tpu.dma_semaphore, #tpu.memory_space<semaphore_mem>>)
      %dma_wait3A_47 = arith.constant 0 : i32
      %dma_wait3A_48 = tpu.memref_slice %arg4[%add3A_24, %dma_wait3A_47] : memref<2560x128xi32, #tpu.memory_space<hbm>> -> memref<40x128xi32, #tpu.memory_space<hbm>>
      %dma_wait3A_49 = arith.constant 0 : i32
      %dma_wait3A_50 = tpu.memref_slice %arg4[%add3A_24, %dma_wait3A_49] : memref<2560x128xi32, #tpu.memory_space<hbm>> -> memref<40x128xi32, #tpu.memory_space<hbm>>
      tpu.wait_dma2 semaphore(%run_scoped3A : memref<!tpu.dma_semaphore, #tpu.memory_space<semaphore_mem>>) src(%dma_wait3A_50 : memref<40x128xi32, #tpu.memory_space<hbm>>) dst(%arg8 : memref<40x128xi32, #tpu.memory_space<vmem>>)
      tpu.yield
    }) : () -> ()
    %dma_start3A_25 = arith.constant 0 : i32
    %dma_start3A_26 = arith.constant 0 : i32
    %dma_start3A_27 = tpu.memref_slice %arg7[%dma_start3A_25, %dma_start3A_26] : memref<40x128xi32, #tpu.memory_space<vmem>> -> memref<1x128xi32, #tpu.memory_space<vmem>>
    %dma_start3A_28 = tpu.memref_squeeze %dma_start3A_27 : memref<1x128xi32, #tpu.memory_space<vmem>> -> memref<128xi32, #tpu.memory_space<vmem>>
    %dma_start3A_29 = arith.constant 0 : i32
    %dma_start3A_30 = arith.constant 0 : i32
    %dma_start3A_31 = tpu.memref_slice %arg2[%dma_start3A_29, %dma_start3A_30] : memref<10000x128xf32, #tpu.memory_space<hbm>> -> memref<10000x128xf32, #tpu.memory_space<hbm>>
    tpu.enqueue_indirect_dma source(%dma_start3A_31 : memref<10000x128xf32, #tpu.memory_space<hbm>>) target(%arg9 : memref<128x128xf32, #tpu.memory_space<vmem>>) offsets(%dma_start3A_28 : memref<128xi32, #tpu.memory_space<vmem>>) semaphore(%arg12 : memref<!tpu.dma_semaphore, #tpu.memory_space<semaphore_mem>>)
    %scan3A_32 = arith.constant 0 : i32
    %scan3A_33 = arith.constant 0 : i32
    %scan3A_34 = arith.constant 20 : i32
    %scan3A_35 = arith.addi %scan3A_33, %scan3A_34 : i32
    %scan3A_36 = arith.constant 1 : i32
    scf.for %scan3A_43 = %scan3A_33 to %scan3A_35 step %scan3A_36  : i32 {
      %mul3A_44 = arith.constant 2 : i32
      %mul3A_45 = arith.muli %mul3A_44, %scan3A_43 : i32
      %add3A_46 = arith.constant 1 : i32
      %add3A_47 = arith.addi %mul3A_45, %add3A_46 : i32
      %dma_start3A_48 = arith.constant 0 : i32
      %dma_start3A_49 = tpu.memref_slice %arg7[%add3A_47, %dma_start3A_48] : memref<40x128xi32, #tpu.memory_space<vmem>> -> memref<1x128xi32, #tpu.memory_space<vmem>>
      %dma_start3A_50 = tpu.memref_squeeze %dma_start3A_49 : memref<1x128xi32, #tpu.memory_space<vmem>> -> memref<128xi32, #tpu.memory_space<vmem>>
      %dma_start3A_51 = arith.constant 0 : i32
      %dma_start3A_52 = arith.constant 0 : i32
      %dma_start3A_53 = tpu.memref_slice %arg2[%dma_start3A_51, %dma_start3A_52] : memref<10000x128xf32, #tpu.memory_space<hbm>> -> memref<10000x128xf32, #tpu.memory_space<hbm>>
      tpu.enqueue_indirect_dma source(%dma_start3A_53 : memref<10000x128xf32, #tpu.memory_space<hbm>>) target(%arg10 : memref<128x128xf32, #tpu.memory_space<vmem>>) offsets(%dma_start3A_50 : memref<128xi32, #tpu.memory_space<vmem>>) semaphore(%arg13 : memref<!tpu.dma_semaphore, #tpu.memory_space<semaphore_mem>>)
      %dma_wait3A_54 = arith.constant 0 : i32
      %dma_wait3A_55 = tpu.memref_slice %arg7[%mul3A_45, %dma_wait3A_54] : memref<40x128xi32, #tpu.memory_space<vmem>> -> memref<1x128xi32, #tpu.memory_space<vmem>>
      %dma_wait3A_56 = tpu.memref_squeeze %dma_wait3A_55 : memref<1x128xi32, #tpu.memory_space<vmem>> -> memref<128xi32, #tpu.memory_space<vmem>>
      %dma_wait3A_57 = arith.constant 0 : i32
      %dma_wait3A_58 = arith.constant 0 : i32
      %dma_wait3A_59 = tpu.memref_slice %arg2[%dma_wait3A_57, %dma_wait3A_58] : memref<10000x128xf32, #tpu.memory_space<hbm>> -> memref<10000x128xf32, #tpu.memory_space<hbm>>
      tpu.wait_indirect_dma semaphore(%arg12 : memref<!tpu.dma_semaphore, #tpu.memory_space<semaphore_mem>>) src(%dma_wait3A_59 : memref<10000x128xf32, #tpu.memory_space<hbm>>) dst(%arg9 : memref<128x128xf32, #tpu.memory_space<vmem>>)
      "tpu.region"() ({
        %run_scoped3A = tpu.sem_alloc : memref<!tpu.dma_semaphore, #tpu.memory_space<semaphore_mem>>
        %dma_start3A_70 = arith.constant 0 : i32
        %dma_start3A_71 = tpu.memref_slice %arg8[%mul3A_45, %dma_start3A_70] : memref<40x128xi32, #tpu.memory_space<vmem>> -> memref<1x128xi32, #tpu.memory_space<vmem>>
        %dma_start3A_72 = tpu.memref_squeeze %dma_start3A_71 : memref<1x128xi32, #tpu.memory_space<vmem>> -> memref<128xi32, #tpu.memory_space<vmem>>
        %dma_start3A_73 = arith.constant 0 : i32
        %dma_start3A_74 = arith.constant 0 : i32
        %dma_start3A_75 = tpu.memref_slice %arg11[%dma_start3A_73, %dma_start3A_74] : memref<10240x128xf32, #tpu.memory_space<vmem_shared>> -> memref<10240x128xf32, #tpu.memory_space<vmem_shared>>
        tpu.enqueue_indirect_dma source(%arg9 : memref<128x128xf32, #tpu.memory_space<vmem>>) target(%dma_start3A_75 : memref<10240x128xf32, #tpu.memory_space<vmem_shared>>) offsets(%dma_start3A_72 : memref<128xi32, #tpu.memory_space<vmem>>) semaphore(%run_scoped3A : memref<!tpu.dma_semaphore, #tpu.memory_space<semaphore_mem>>) {add = true}
        %dma_wait3A_76 = arith.constant 0 : i32
        %dma_wait3A_77 = tpu.memref_slice %arg8[%mul3A_45, %dma_wait3A_76] : memref<40x128xi32, #tpu.memory_space<vmem>> -> memref<1x128xi32, #tpu.memory_space<vmem>>
        %dma_wait3A_78 = tpu.memref_squeeze %dma_wait3A_77 : memref<1x128xi32, #tpu.memory_space<vmem>> -> memref<128xi32, #tpu.memory_space<vmem>>
        %dma_wait3A_79 = arith.constant 0 : i32
        %dma_wait3A_80 = arith.constant 0 : i32
        %dma_wait3A_81 = tpu.memref_slice %arg11[%dma_wait3A_79, %dma_wait3A_80] : memref<10240x128xf32, #tpu.memory_space<vmem_shared>> -> memref<10240x128xf32, #tpu.memory_space<vmem_shared>>
        tpu.wait_indirect_dma semaphore(%run_scoped3A : memref<!tpu.dma_semaphore, #tpu.memory_space<semaphore_mem>>) src(%arg9 : memref<128x128xf32, #tpu.memory_space<vmem>>) dst(%dma_wait3A_81 : memref<10240x128xf32, #tpu.memory_space<vmem_shared>>)
        tpu.yield
      }) : () -> ()
      %add3A_60 = arith.constant 2 : i32
      %add3A_61 = arith.addi %mul3A_45, %add3A_60 : i32
      %lt3A = arith.constant 40 : i32
      %lt3A_62 = arith.cmpi slt, %add3A_61, %lt3A : i32
      %convert_element_type3A = arith.extui %lt3A_62 : i1 to i32
      %cond3A = arith.constant 0 : i32
      %cond3A_63 = arith.cmpi ne, %convert_element_type3A, %cond3A : i32
      scf.if %cond3A_63 {
        %add3A_70 = arith.constant 2 : i32
        %add3A_71 = arith.addi %mul3A_45, %add3A_70 : i32
        %dma_start3A_72 = arith.constant 0 : i32
        %dma_start3A_73 = tpu.memref_slice %arg7[%add3A_71, %dma_start3A_72] : memref<40x128xi32, #tpu.memory_space<vmem>> -> memref<1x128xi32, #tpu.memory_space<vmem>>
        %dma_start3A_74 = tpu.memref_squeeze %dma_start3A_73 : memref<1x128xi32, #tpu.memory_space<vmem>> -> memref<128xi32, #tpu.memory_space<vmem>>
        %dma_start3A_75 = arith.constant 0 : i32
        %dma_start3A_76 = arith.constant 0 : i32
        %dma_start3A_77 = tpu.memref_slice %arg2[%dma_start3A_75, %dma_start3A_76] : memref<10000x128xf32, #tpu.memory_space<hbm>> -> memref<10000x128xf32, #tpu.memory_space<hbm>>
        tpu.enqueue_indirect_dma source(%dma_start3A_77 : memref<10000x128xf32, #tpu.memory_space<hbm>>) target(%arg9 : memref<128x128xf32, #tpu.memory_space<vmem>>) offsets(%dma_start3A_74 : memref<128xi32, #tpu.memory_space<vmem>>) semaphore(%arg12 : memref<!tpu.dma_semaphore, #tpu.memory_space<semaphore_mem>>)
      } else {
      }
      %dma_wait3A_64 = arith.constant 0 : i32
      %dma_wait3A_65 = tpu.memref_slice %arg7[%add3A_47, %dma_wait3A_64] : memref<40x128xi32, #tpu.memory_space<vmem>> -> memref<1x128xi32, #tpu.memory_space<vmem>>
      %dma_wait3A_66 = tpu.memref_squeeze %dma_wait3A_65 : memref<1x128xi32, #tpu.memory_space<vmem>> -> memref<128xi32, #tpu.memory_space<vmem>>
      %dma_wait3A_67 = arith.constant 0 : i32
      %dma_wait3A_68 = arith.constant 0 : i32
      %dma_wait3A_69 = tpu.memref_slice %arg2[%dma_wait3A_67, %dma_wait3A_68] : memref<10000x128xf32, #tpu.memory_space<hbm>> -> memref<10000x128xf32, #tpu.memory_space<hbm>>
      tpu.wait_indirect_dma semaphore(%arg13 : memref<!tpu.dma_semaphore, #tpu.memory_space<semaphore_mem>>) src(%dma_wait3A_69 : memref<10000x128xf32, #tpu.memory_space<hbm>>) dst(%arg10 : memref<128x128xf32, #tpu.memory_space<vmem>>)
      "tpu.region"() ({
        %run_scoped3A = tpu.sem_alloc : memref<!tpu.dma_semaphore, #tpu.memory_space<semaphore_mem>>
        %dma_start3A_70 = arith.constant 0 : i32
        %dma_start3A_71 = tpu.memref_slice %arg8[%add3A_47, %dma_start3A_70] : memref<40x128xi32, #tpu.memory_space<vmem>> -> memref<1x128xi32, #tpu.memory_space<vmem>>
        %dma_start3A_72 = tpu.memref_squeeze %dma_start3A_71 : memref<1x128xi32, #tpu.memory_space<vmem>> -> memref<128xi32, #tpu.memory_space<vmem>>
        %dma_start3A_73 = arith.constant 0 : i32
        %dma_start3A_74 = arith.constant 0 : i32
        %dma_start3A_75 = tpu.memref_slice %arg11[%dma_start3A_73, %dma_start3A_74] : memref<10240x128xf32, #tpu.memory_space<vmem_shared>> -> memref<10240x128xf32, #tpu.memory_space<vmem_shared>>
        tpu.enqueue_indirect_dma source(%arg10 : memref<128x128xf32, #tpu.memory_space<vmem>>) target(%dma_start3A_75 : memref<10240x128xf32, #tpu.memory_space<vmem_shared>>) offsets(%dma_start3A_72 : memref<128xi32, #tpu.memory_space<vmem>>) semaphore(%run_scoped3A : memref<!tpu.dma_semaphore, #tpu.memory_space<semaphore_mem>>) {add = true}
        %dma_wait3A_76 = arith.constant 0 : i32
        %dma_wait3A_77 = tpu.memref_slice %arg8[%add3A_47, %dma_wait3A_76] : memref<40x128xi32, #tpu.memory_space<vmem>> -> memref<1x128xi32, #tpu.memory_space<vmem>>
        %dma_wait3A_78 = tpu.memref_squeeze %dma_wait3A_77 : memref<1x128xi32, #tpu.memory_space<vmem>> -> memref<128xi32, #tpu.memory_space<vmem>>
        %dma_wait3A_79 = arith.constant 0 : i32
        %dma_wait3A_80 = arith.constant 0 : i32
        %dma_wait3A_81 = tpu.memref_slice %arg11[%dma_wait3A_79, %dma_wait3A_80] : memref<10240x128xf32, #tpu.memory_space<vmem_shared>> -> memref<10240x128xf32, #tpu.memory_space<vmem_shared>>
        tpu.wait_indirect_dma semaphore(%run_scoped3A : memref<!tpu.dma_semaphore, #tpu.memory_space<semaphore_mem>>) src(%arg10 : memref<128x128xf32, #tpu.memory_space<vmem>>) dst(%dma_wait3A_81 : memref<10240x128xf32, #tpu.memory_space<vmem_shared>>)
        tpu.yield
      }) : () -> ()
    }
    %scan3A_37 = arith.constant 20 : i32
    %barrier3A_38 = arith.constant 0 : index
    tpu.barrier barrier_id(%barrier3A_38)
    %mul3A_39 = arith.constant 640 : i32
    %mul3A_40 = arith.muli %arg1, %mul3A_39 : i32
    %mul3A_41 = arith.constant 640 : i32
    %mul3A_42 = arith.muli %arg1, %mul3A_41 : i32
    "tpu.region"() ({
      %run_scoped3A = tpu.sem_alloc : memref<!tpu.dma_semaphore, #tpu.memory_space<semaphore_mem>>
      %dma_start3A_43 = arith.constant 0 : i32
      %dma_start3A_44 = tpu.memref_slice %arg6[%arg0, %mul3A_42, %dma_start3A_43] : memref<2x10240x128xf32, #tpu.memory_space<hbm>> -> memref<1x640x128xf32, #tpu.memory_space<hbm>>
      %dma_start3A_45 = tpu.memref_squeeze %dma_start3A_44 : memref<1x640x128xf32, #tpu.memory_space<hbm>> -> memref<640x128xf32, #tpu.memory_space<hbm>>
      %dma_start3A_46 = arith.constant 0 : i32
      %dma_start3A_47 = tpu.memref_slice %arg11[%mul3A_40, %dma_start3A_46] : memref<10240x128xf32, #tpu.memory_space<vmem_shared>> -> memref<640x128xf32, #tpu.memory_space<vmem_shared>>
      tpu.enqueue_dma source(%dma_start3A_47 : memref<640x128xf32, #tpu.memory_space<vmem_shared>>) target(%dma_start3A_45 : memref<640x128xf32, #tpu.memory_space<hbm>>) target_semaphore(%run_scoped3A : memref<!tpu.dma_semaphore, #tpu.memory_space<semaphore_mem>>)
      %dma_wait3A_48 = arith.constant 0 : i32
      %dma_wait3A_49 = tpu.memref_slice %arg6[%arg0, %mul3A_42, %dma_wait3A_48] : memref<2x10240x128xf32, #tpu.memory_space<hbm>> -> memref<1x640x128xf32, #tpu.memory_space<hbm>>
      %dma_wait3A_50 = tpu.memref_squeeze %dma_wait3A_49 : memref<1x640x128xf32, #tpu.memory_space<hbm>> -> memref<640x128xf32, #tpu.memory_space<hbm>>
      %dma_wait3A_51 = arith.constant 0 : i32
      %dma_wait3A_52 = tpu.memref_slice %arg11[%mul3A_40, %dma_wait3A_51] : memref<10240x128xf32, #tpu.memory_space<vmem_shared>> -> memref<640x128xf32, #tpu.memory_space<vmem_shared>>
      tpu.wait_dma2 semaphore(%run_scoped3A : memref<!tpu.dma_semaphore, #tpu.memory_space<semaphore_mem>>) src(%dma_wait3A_52 : memref<640x128xf32, #tpu.memory_space<vmem_shared>>) dst(%dma_wait3A_50 : memref<640x128xf32, #tpu.memory_space<hbm>>)
      tpu.yield
    }) : () -> ()
    return
  }
}

module attributes {stable_mosaic.version = 14 : i64} {
  func.func @t1_body(%arg0: memref<10000x128xf32, #tpu.memory_space<vmem>>, %arg1: memref<128x128xf32, #tpu.memory_space<vmem>>, %arg2: memref<10000x1xf32, #tpu.memory_space<vmem>>, %arg3: memref<10000x1xf32, #tpu.memory_space<vmem>>, %arg4: memref<10000x128xf32, #tpu.memory_space<vmem>>, %arg5: memref<10000x1xf32, #tpu.memory_space<vmem>>) attributes {dimension_semantics = [], scalar_prefetch = 0 : i64, scratch_operands = 0 : i64, tpu.core_type = #tpu.core_type<tc>} {
    %get3A = arith.constant 0 : index
    %get3A_0 = arith.constant 0 : index
    %get3A_1 = vector.load %arg2[%get3A, %get3A_0] : memref<10000x1xf32, #tpu.memory_space<vmem>>, vector<10000x1xf32>
    %add3A = arith.constant 1.000000e+00 : f32
    %add3A_2 = vector.broadcast %add3A : f32 to vector<10000x1xf32>
    %add3A_3 = arith.addf %add3A_2, %get3A_1 : vector<10000x1xf32>
    %get3A_4 = arith.constant 0 : index
    %get3A_5 = arith.constant 0 : index
    %get3A_6 = vector.load %arg3[%get3A_4, %get3A_5] : memref<10000x1xf32, #tpu.memory_space<vmem>>, vector<10000x1xf32>
    %add3A_7 = arith.addf %add3A_3, %get3A_6 : vector<10000x1xf32>
    %rsqrt3A = math.rsqrt %add3A_7 : vector<10000x1xf32>
    %get3A_8 = arith.constant 0 : index
    %get3A_9 = arith.constant 0 : index
    %get3A_10 = vector.load %arg0[%get3A_8, %get3A_9] : memref<10000x128xf32, #tpu.memory_space<vmem>>, vector<10000x128xf32>
    %get3A_11 = arith.constant 0 : index
    %get3A_12 = arith.constant 0 : index
    %get3A_13 = vector.load %arg1[%get3A_11, %get3A_12] : memref<128x128xf32, #tpu.memory_space<vmem>>, vector<128x128xf32>
    %dot_general3A = arith.constant dense<0.000000e+00> : vector<10000x128xf32>
    %dot_general3A_14 = tpu.matmul %get3A_10, %get3A_13, %dot_general3A {dimension_numbers = #tpu.dot_dimension_numbers<[1], [0], [0], [1], [0, 0, 1, 1], [], []>, transpose_lhs_hint = false} : vector<10000x128xf32>, vector<128x128xf32>, vector<10000x128xf32> -> vector<10000x128xf32>
    %mul3A = vector.broadcast %rsqrt3A : vector<10000x1xf32> to vector<10000x128xf32>
    %mul3A_15 = arith.mulf %mul3A, %dot_general3A_14 : vector<10000x128xf32>
    %swap3A = arith.constant 0 : index
    %swap3A_16 = arith.constant 0 : index
    %swap3A_17 = vector.load %arg4[%swap3A, %swap3A_16] : memref<10000x128xf32, #tpu.memory_space<vmem>>, vector<10000x128xf32>
    tpu.vector_store %arg4[%swap3A, %swap3A_16], %mul3A_15 {strides = array<i32>} : memref<10000x128xf32, #tpu.memory_space<vmem>>, vector<10000x128xf32>,
    %swap3A_18 = arith.constant 0 : index
    %swap3A_19 = arith.constant 0 : index
    %swap3A_20 = vector.load %arg5[%swap3A_18, %swap3A_19] : memref<10000x1xf32, #tpu.memory_space<vmem>>, vector<10000x1xf32>
    tpu.vector_store %arg5[%swap3A_18, %swap3A_19], %rsqrt3A {strides = array<i32>} : memref<10000x1xf32, #tpu.memory_space<vmem>>, vector<10000x1xf32>,
    return
  }
}

module attributes {stable_mosaic.version = 14 : i64} {
  func.func @t2_body(%arg0: memref<2x10240x128xf32, #tpu.memory_space<vmem>>, %arg1: memref<10000x128xf32, #tpu.memory_space<vmem>>, %arg2: memref<10000x1xf32, #tpu.memory_space<vmem>>, %arg3: memref<1x128xf32, #tpu.memory_space<vmem>>, %arg4: memref<128x128xf32, #tpu.memory_space<vmem>>, %arg5: memref<10000x128xf32, #tpu.memory_space<vmem>>) attributes {dimension_semantics = [], scalar_prefetch = 0 : i64, scratch_operands = 0 : i64, tpu.core_type = #tpu.core_type<tc>} {
    %get3A = arith.constant 0 : index
    %get3A_0 = arith.constant 0 : index
    %get3A_1 = vector.load %arg2[%get3A, %get3A_0] : memref<10000x1xf32, #tpu.memory_space<vmem>>, vector<10000x1xf32>
    %get3A_2 = arith.constant 0 : index
    %get3A_3 = arith.constant 0 : index
    %get3A_4 = arith.constant 0 : index
    %get3A_5 = vector.load %arg0[%get3A_2, %get3A_3, %get3A_4] : memref<2x10240x128xf32, #tpu.memory_space<vmem>>, vector<1x10000x128xf32>
    %get3A_6 = vector.shape_cast %get3A_5 : vector<1x10000x128xf32> to vector<10000x128xf32>
    %get3A_7 = arith.constant 1 : index
    %get3A_8 = arith.constant 0 : index
    %get3A_9 = arith.constant 0 : index
    %get3A_10 = vector.load %arg0[%get3A_7, %get3A_8, %get3A_9] : memref<2x10240x128xf32, #tpu.memory_space<vmem>>, vector<1x10000x128xf32>
    %get3A_11 = vector.shape_cast %get3A_10 : vector<1x10000x128xf32> to vector<10000x128xf32>
    %add3A = arith.addf %get3A_6, %get3A_11 : vector<10000x128xf32>
    %get3A_12 = arith.constant 0 : index
    %get3A_13 = arith.constant 0 : index
    %get3A_14 = vector.load %arg1[%get3A_12, %get3A_13] : memref<10000x128xf32, #tpu.memory_space<vmem>>, vector<10000x128xf32>
    %add3A_15 = arith.addf %add3A, %get3A_14 : vector<10000x128xf32>
    %mul3A = vector.broadcast %get3A_1 : vector<10000x1xf32> to vector<10000x128xf32>
    %mul3A_16 = arith.mulf %mul3A, %add3A_15 : vector<10000x128xf32>
    %get3A_17 = arith.constant 0 : index
    %get3A_18 = arith.constant 0 : index
    %get3A_19 = vector.load %arg3[%get3A_17, %get3A_18] : memref<1x128xf32, #tpu.memory_space<vmem>>, vector<1x128xf32>
    %add3A_20 = vector.broadcast %get3A_19 : vector<1x128xf32> to vector<10000x128xf32>
    %add3A_21 = arith.addf %mul3A_16, %add3A_20 : vector<10000x128xf32>
    %max3A = arith.constant 0.000000e+00 : f32
    %max3A_22 = vector.broadcast %max3A : f32 to vector<10000x128xf32>
    %max3A_23 = arith.maximumf %add3A_21, %max3A_22 : vector<10000x128xf32>
    %get3A_24 = arith.constant 0 : index
    %get3A_25 = arith.constant 0 : index
    %get3A_26 = vector.load %arg4[%get3A_24, %get3A_25] : memref<128x128xf32, #tpu.memory_space<vmem>>, vector<128x128xf32>
    %dot_general3A = arith.constant dense<0.000000e+00> : vector<10000x128xf32>
    %dot_general3A_27 = tpu.matmul %max3A_23, %get3A_26, %dot_general3A {dimension_numbers = #tpu.dot_dimension_numbers<[1], [0], [0], [1], [0, 0, 1, 1], [], []>, transpose_lhs_hint = false} : vector<10000x128xf32>, vector<128x128xf32>, vector<10000x128xf32> -> vector<10000x128xf32>
    %mul3A_28 = vector.broadcast %get3A_1 : vector<10000x1xf32> to vector<10000x128xf32>
    %mul3A_29 = arith.mulf %mul3A_28, %dot_general3A_27 : vector<10000x128xf32>
    %swap3A = arith.constant 0 : index
    %swap3A_30 = arith.constant 0 : index
    %swap3A_31 = vector.load %arg5[%swap3A, %swap3A_30] : memref<10000x128xf32, #tpu.memory_space<vmem>>, vector<10000x128xf32>
    tpu.vector_store %arg5[%swap3A, %swap3A_30], %mul3A_29 {strides = array<i32>} : memref<10000x128xf32, #tpu.memory_space<vmem>>, vector<10000x128xf32>,
    return
  }
}

module attributes {stable_mosaic.version = 14 : i64} {
  func.func @t3_body(%arg0: memref<2x10240x128xf32, #tpu.memory_space<vmem>>, %arg1: memref<10000x128xf32, #tpu.memory_space<vmem>>, %arg2: memref<10000x1xf32, #tpu.memory_space<vmem>>, %arg3: memref<1x128xf32, #tpu.memory_space<vmem>>, %arg4: memref<1x10000xi32, #tpu.memory_space<vmem>>, %arg5: memref<128x64xf32, #tpu.memory_space<vmem>>, %arg6: memref<1x64xf32, #tpu.memory_space<vmem>>, %arg7: memref<64x1xf32, #tpu.memory_space<vmem>>, %arg8: memref<1x1xf32, #tpu.memory_space<vmem>>, %arg9: memref<64x1xf32, #tpu.memory_space<vmem>>) attributes {dimension_semantics = [], scalar_prefetch = 0 : i64, scratch_operands = 0 : i64, tpu.core_type = #tpu.core_type<tc>} {
    %get3A = arith.constant 0 : index
    %get3A_0 = arith.constant 0 : index
    %get3A_1 = vector.load %arg2[%get3A, %get3A_0] : memref<10000x1xf32, #tpu.memory_space<vmem>>, vector<10000x1xf32>
    %get3A_2 = arith.constant 0 : index
    %get3A_3 = arith.constant 0 : index
    %get3A_4 = arith.constant 0 : index
    %get3A_5 = vector.load %arg0[%get3A_2, %get3A_3, %get3A_4] : memref<2x10240x128xf32, #tpu.memory_space<vmem>>, vector<1x10000x128xf32>
    %get3A_6 = vector.shape_cast %get3A_5 : vector<1x10000x128xf32> to vector<10000x128xf32>
    %get3A_7 = arith.constant 1 : index
    %get3A_8 = arith.constant 0 : index
    %get3A_9 = arith.constant 0 : index
    %get3A_10 = vector.load %arg0[%get3A_7, %get3A_8, %get3A_9] : memref<2x10240x128xf32, #tpu.memory_space<vmem>>, vector<1x10000x128xf32>
    %get3A_11 = vector.shape_cast %get3A_10 : vector<1x10000x128xf32> to vector<10000x128xf32>
    %add3A = arith.addf %get3A_6, %get3A_11 : vector<10000x128xf32>
    %get3A_12 = arith.constant 0 : index
    %get3A_13 = arith.constant 0 : index
    %get3A_14 = vector.load %arg1[%get3A_12, %get3A_13] : memref<10000x128xf32, #tpu.memory_space<vmem>>, vector<10000x128xf32>
    %add3A_15 = arith.addf %add3A, %get3A_14 : vector<10000x128xf32>
    %mul3A = vector.broadcast %get3A_1 : vector<10000x1xf32> to vector<10000x128xf32>
    %mul3A_16 = arith.mulf %mul3A, %add3A_15 : vector<10000x128xf32>
    %get3A_17 = arith.constant 0 : index
    %get3A_18 = arith.constant 0 : index
    %get3A_19 = vector.load %arg3[%get3A_17, %get3A_18] : memref<1x128xf32, #tpu.memory_space<vmem>>, vector<1x128xf32>
    %add3A_20 = vector.broadcast %get3A_19 : vector<1x128xf32> to vector<10000x128xf32>
    %add3A_21 = arith.addf %mul3A_16, %add3A_20 : vector<10000x128xf32>
    %iota3A = tpu.iota {dimensions = array<i32: 0>} : vector<64x10000xi32>
    %get3A_22 = arith.constant 0 : index
    %get3A_23 = arith.constant 0 : index
    %get3A_24 = vector.load %arg4[%get3A_22, %get3A_23] : memref<1x10000xi32, #tpu.memory_space<vmem>>, vector<1x10000xi32>
    %eq3A = vector.broadcast %get3A_24 : vector<1x10000xi32> to vector<64x10000xi32>
    %eq3A_25 = arith.cmpi eq, %eq3A, %iota3A : vector<64x10000xi32>
    %convert_element_type3A = arith.extui %eq3A_25 : vector<64x10000xi1> to vector<64x10000xi32>
    %convert_element_type3A_26 = arith.sitofp %convert_element_type3A : vector<64x10000xi32> to vector<64x10000xf32>
    %convert_element_type3A_27 = arith.truncf %add3A_21 : vector<10000x128xf32> to vector<10000x128xbf16>
    %convert_element_type3A_28 = arith.extf %convert_element_type3A_27 : vector<10000x128xbf16> to vector<10000x128xf32>
    %dot_general3A = arith.constant dense<0.000000e+00> : vector<64x128xf32>
    %dot_general3A_29 = tpu.matmul %convert_element_type3A_26, %convert_element_type3A_28, %dot_general3A {dimension_numbers = #tpu.dot_dimension_numbers<[1], [0], [0], [1], [0, 0, 1, 1], [], []>, transpose_lhs_hint = false} : vector<64x10000xf32>, vector<10000x128xf32>, vector<64x128xf32> -> vector<64x128xf32>
    %sub3A = arith.subf %add3A_21, %convert_element_type3A_28 : vector<10000x128xf32>
    %dot_general3A_30 = arith.constant dense<0.000000e+00> : vector<64x128xf32>
    %dot_general3A_31 = tpu.matmul %convert_element_type3A_26, %sub3A, %dot_general3A_30 {dimension_numbers = #tpu.dot_dimension_numbers<[1], [0], [0], [1], [0, 0, 1, 1], [], []>, transpose_lhs_hint = false} : vector<64x10000xf32>, vector<10000x128xf32>, vector<64x128xf32> -> vector<64x128xf32>
    %add3A_32 = arith.addf %dot_general3A_29, %dot_general3A_31 : vector<64x128xf32>
    %reduce_sum3A = arith.constant dense<0.000000e+00> : vector<64xf32>
    %reduce_sum3A_33 = vector.multi_reduction <add>, %convert_element_type3A_26, %reduce_sum3A [1] : vector<64x10000xf32> to vector<64xf32>
    %broadcast_in_dim3A = vector.shape_cast %reduce_sum3A_33 : vector<64xf32> to vector<64x1xf32>
    %max3A = arith.constant 1.000000e+00 : f32
    %max3A_34 = vector.broadcast %max3A : f32 to vector<64x1xf32>
    %max3A_35 = arith.maximumf %broadcast_in_dim3A, %max3A_34 : vector<64x1xf32>
    %div3A = vector.broadcast %max3A_35 : vector<64x1xf32> to vector<64x128xf32>
    %div3A_36 = arith.divf %add3A_32, %div3A : vector<64x128xf32>
    %get3A_37 = arith.constant 0 : index
    %get3A_38 = arith.constant 0 : index
    %get3A_39 = vector.load %arg5[%get3A_37, %get3A_38] : memref<128x64xf32, #tpu.memory_space<vmem>>, vector<128x64xf32>
    %dot_general3A_40 = arith.constant dense<0.000000e+00> : vector<64x64xf32>
    %dot_general3A_41 = tpu.matmul %div3A_36, %get3A_39, %dot_general3A_40 {dimension_numbers = #tpu.dot_dimension_numbers<[1], [0], [0], [1], [0, 0, 1, 1], [], []>, transpose_lhs_hint = false} : vector<64x128xf32>, vector<128x64xf32>, vector<64x64xf32> -> vector<64x64xf32>
    %get3A_42 = arith.constant 0 : index
    %get3A_43 = arith.constant 0 : index
    %get3A_44 = vector.load %arg6[%get3A_42, %get3A_43] : memref<1x64xf32, #tpu.memory_space<vmem>>, vector<1x64xf32>
    %add3A_45 = vector.broadcast %get3A_44 : vector<1x64xf32> to vector<64x64xf32>
    %add3A_46 = arith.addf %dot_general3A_41, %add3A_45 : vector<64x64xf32>
    %max3A_47 = arith.constant 0.000000e+00 : f32
    %max3A_48 = vector.broadcast %max3A_47 : f32 to vector<64x64xf32>
    %max3A_49 = arith.maximumf %add3A_46, %max3A_48 : vector<64x64xf32>
    %get3A_50 = arith.constant 0 : index
    %get3A_51 = arith.constant 0 : index
    %get3A_52 = vector.load %arg7[%get3A_50, %get3A_51] : memref<64x1xf32, #tpu.memory_space<vmem>>, vector<64x1xf32>
    %dot_general3A_53 = arith.constant dense<0.000000e+00> : vector<64x1xf32>
    %dot_general3A_54 = tpu.matmul %max3A_49, %get3A_52, %dot_general3A_53 {dimension_numbers = #tpu.dot_dimension_numbers<[1], [0], [0], [1], [0, 0, 1, 1], [], []>, transpose_lhs_hint = false} : vector<64x64xf32>, vector<64x1xf32>, vector<64x1xf32> -> vector<64x1xf32>
    %get3A_55 = arith.constant 0 : index
    %get3A_56 = arith.constant 0 : index
    %get3A_57 = vector.load %arg8[%get3A_55, %get3A_56] : memref<1x1xf32, #tpu.memory_space<vmem>>, vector<1x1xf32>
    %add3A_58 = vector.broadcast %get3A_57 : vector<1x1xf32> to vector<64x1xf32>
    %add3A_59 = arith.addf %dot_general3A_54, %add3A_58 : vector<64x1xf32>
    %swap3A = arith.constant 0 : index
    %swap3A_60 = arith.constant 0 : index
    %swap3A_61 = vector.load %arg9[%swap3A, %swap3A_60] : memref<64x1xf32, #tpu.memory_space<vmem>>, vector<64x1xf32>
    tpu.vector_store %arg9[%swap3A, %swap3A_60], %add3A_59 {strides = array<i32>} : memref<64x1xf32, #tpu.memory_space<vmem>>, vector<64x1xf32>,
    return
  }
}

</mosaic_0001>

<sc_bundles>
// kernel: kernel.10.cloned.1.call-start
scs
__scs_entry_jumppad:
0x0: {  	(pc) =	sbr.rel $0x88, $3  }
0x1: {  	(tag) =	ssettag $0x0;
	lr =	simm.s32 $0x1  }
0x2: {  	[smem:$0x3F94] =	sst lr;
	_ =	strace $0xD0000000  }
0x3: {  	_ = 	snop  }
0x4: {  	_ = 	snop  }
0x5: {  	_ = 	snop  }
0x6: {  	_ = 	snop  }
0x7: {  	_ = 	snop  }
__scs_overlays_trampoline_lowered:
0x8: {  	[smem:$0x3FA3] =	sst s0  }
0x9: {  	[smem:$0x3FA4] =	sst s1  }
0xa: {  	[smem:$0x3FA5] =	sst s2  }
0xb: {  	[smem:$0x3FA6] =	sst s3  }
0xc: {  	[smem:$0x3FA7] =	sst s4  }
0xd: {  	[smem:$0x3FA8] =	sst s5  }
0xe: {  	[smem:$0x3FA9] =	sst s6  }
0xf: {  	[smem:$0x3FAA] =	sst s7  }
0x10: {  	[smem:$0x3FAB] =	sst s8  }
0x11: {  	[smem:$0x3FAC] =	sst s9;
	s0 =	simm.s32 @!p0 $0x0  }
0x12: {  	s1 =	sld [smem:$0x3F92];
	s0 =	simm.s32 @p0 $0x1  }
0x13: {  	[smem:$0x3FAD] =	sst s0;
	s0 =	simm.s32 @!p1 $0x0  }
0x14: {  	s2 =	sld [smem:$0x3F91];
	s0 =	simm.s32 @p1 $0x1  }
0x15: {  	[smem:$0x3FAE] =	sst s0;
	s0 =	simm.s32 @!p2 $0x0  }
0x16: {  	s3 =	sld [smem:$0x3FDB];
	s0 =	simm.s32 @p2 $0x1  }
0x17: {  	s4 =	simm.s32 $0x1BF5;
	[smem:$0x3FB0] =	sst s0  }
0x18: {  	s0 =	sld [smem:$0x3F93];
	_ =	swait.ge [sflag:s4], $0x0  }
0x19: {  	s7 =	sld [smem:$0x3F94]  }
0x1a: {  	s8 =	sadd.s32 $0xFFFFE003, lr  }
0x1b: {  	s9 =	sadd.s32 $0xFFFFFEF7, lr;
	s5 =	simm.s32 $0xFFFFFFFF;
	p2 =	slt.u32 s8, $0xFFFFF086  }
0x1c: {  	p1 =	slt.u32 s9, $0xF7A;
	s5 =	simm.s32 @!p2 $0x0  }
0x1d: {  	s5 =	simm.s32 @p1 $0x1;
	p0 =	seq.s32 s7, s2  }
0x1e: {  	s7 =	smul.u32 @!p0 $0xF7A, s2;
	p2 =	seq.s32 @!p0 s5, $0x0  }
0x1f: {  	s9 =	smul.u32 $0xF7A, s1;
	s8 =	simm.s32 @!p0 $0x1BF5;
	p2 =	por !p2, p0  }
0x20: {  	[sflag:s8] =	ssyncset.s32 @!p0 $0xFFFFF086;
	s6 =	sadd.s32 @!p0 s3, s7;
	s7 =	simm.s32 @!p0 $0x108  }
0x21: {  	s3 =	sadd.s32 s3, s9;
	s6 =	sadd.s32 @!p0 $0x88, s6;
	s7 =	simm.s32 @p2 $0x1082  }
0x22: {  	[simem:s7], [sflag:s8] =	dma.local @!p0 [hbm:s6], $0xF7A  }
0x23: {  	s9 =	sor.u32 $0xD0000000, s2;
	s6 =	simm.s32 $0x108;
	_ =	swait.ge @!p0 [sflag:s8], $0x0  }
0x24: {  	s3 =	sadd.s32 $0x88, s3;
	s6 =	simm.s32 @!p1 $0x1082;
	[sflag:s4] =	ssyncset.s32 $0xFFFFF086  }
0x25: {  	[simem:s6], [sflag:s4] =	dma.local [hbm:s3], $0xF7A  }
0x26: {  	[smem:$0x3F94] =	sst s1;
	(tag) =	ssettag s2;
	_ =	strace s9  }
0x27: {  	s1 =	sld [smem:$0x3FA4]  }
0x28: {  	s2 =	sld [smem:$0x3FA5]  }
0x29: {  	s4 =	sld [smem:$0x3FA7]  }
0x2a: {  	p0 =	seq.s32 s5, $0x0;
	s5 =	sld [smem:$0x3FA8]  }
0x2b: {  	s6 =	sld [smem:$0x3FA9]  }
0x2c: {  	s7 =	sld [smem:$0x3FAA]  }
0x2d: {  	s3 =	simm.s32 $0x108;
	s8 =	sld [smem:$0x3FAB]  }
0x2e: {  	s3 =	simm.s32 @!p0 $0x1082;
	s9 =	sld [smem:$0x3FAC]  }
0x2f: {  	lr =	sadd.s32 s0, s3;
	s0 =	sld [smem:$0x3FA3]  }
0x30: {  	s3 =	sld [smem:$0x3FA6]  }
0x31: {  	[smem:$0x3FAF] =	sst s10  }
0x32: {  	s10 =	sld [smem:$0x3FAD];
	_ =	sdelay $0x3  }
0x33: {  	p0 =	seq.s32 s10, $0x1;
	s10 =	sld [smem:$0x3FAF];
	_ =	sdelay $0x3  }
0x34: {  	[smem:$0x3FAF] =	sst s10  }
0x35: {  	s10 =	sld [smem:$0x3FAE];
	_ =	sdelay $0x3  }
0x36: {  	p1 =	seq.s32 s10, $0x1;
	s10 =	sld [smem:$0x3FAF];
	_ =	sdelay $0x3  }
0x37: {  	[smem:$0x3FAF] =	sst s10  }
0x38: {  	s10 =	sld [smem:$0x3FB0]  }
0x39: {  	_ = 	snop;
	(pc) =	sbr.ind lr, $3  }
0x3a: {  	_ = 	snop  }
0x3b: {  	_ = 	snop  }
0x3c: {  	p2 =	seq.s32 s10, $0x1;
	s10 =	sld [smem:$0x3FAF]  }
0x3d: {  	_ =	shalt  }
0x3e: {  	_ =	shalt  }
0x3f: {  	_ =	shalt  }
0x40: {  	_ =	shalt  }
0x41: {  	_ =	shalt  }
0x42: {  	_ =	shalt  }
0x43: {  	_ =	shalt  }
0x44: {  	_ =	shalt  }
0x45: {  	_ =	shalt  }
0x46: {  	_ =	shalt  }
0x47: {  	_ =	shalt  }
0x48: {  	_ =	shalt  }
0x49: {  	_ =	shalt  }
0x4a: {  	_ =	shalt  }
0x4b: {  	_ =	shalt  }
0x4c: {  	_ =	shalt  }
0x4d: {  	_ =	shalt  }
0x4e: {  	_ =	shalt  }
0x4f: {  	_ =	shalt  }
0x50: {  	_ =	shalt  }
0x51: {  	_ =	shalt  }
0x52: {  	_ =	shalt  }
0x53: {  	_ =	shalt  }
0x54: {  	_ =	shalt  }
0x55: {  	_ =	shalt  }
0x56: {  	_ =	shalt  }
0x57: {  	_ =	shalt  }
0x58: {  	_ =	shalt  }
0x59: {  	_ =	shalt  }
0x5a: {  	_ =	shalt  }
0x5b: {  	_ =	shalt  }
0x5c: {  	_ =	shalt  }
0x5d: {  	_ =	shalt  }
0x5e: {  	_ =	shalt  }
0x5f: {  	_ =	shalt  }
0x60: {  	_ =	shalt  }
0x61: {  	_ =	shalt  }
0x62: {  	_ =	shalt  }
0x63: {  	_ =	shalt  }
0x64: {  	_ =	shalt  }
0x65: {  	_ =	shalt  }
0x66: {  	_ =	shalt  }
0x67: {  	_ =	shalt  }
0x68: {  	_ =	shalt  }
0x69: {  	_ =	shalt  }
0x6a: {  	_ =	shalt  }
0x6b: {  	_ =	shalt  }
0x6c: {  	_ =	shalt  }
0x6d: {  	_ =	shalt  }
0x6e: {  	_ =	shalt  }
0x6f: {  	_ =	shalt  }
0x70: {  	_ =	shalt  }
0x71: {  	_ =	shalt  }
0x72: {  	_ =	shalt  }
0x73: {  	_ =	shalt  }
0x74: {  	_ =	shalt  }
0x75: {  	_ =	shalt  }
0x76: {  	_ =	shalt  }
0x77: {  	_ =	shalt  }
0x78: {  	_ =	shalt  }
0x79: {  	_ =	shalt  }
0x7a: {  	_ =	shalt  }
0x7b: {  	_ =	shalt  }
0x7c: {  	_ =	shalt  }
0x7d: {  	_ =	shalt  }
0x7e: {  	_ =	shalt  }
0x7f: {  	_ =	shalt  }
0x80: {  	_ =	shalt  }
0x81: {  	_ =	shalt  }
0x82: {  	_ =	shalt  }
0x83: {  	_ =	shalt  }
0x84: {  	_ =	shalt  }
0x85: {  	_ =	shalt  }
0x86: {  	_ =	shalt  }
0x87: {  	_ =	shalt  }
.Lfunc_end0:
.L_simem_size_0:
called_computation_lowered:
.L_overlay_start_0:
0x88: {  	s2 =	sld [smem:$0x3FD9]  }
0x89: {  	s3 =	sld [smem:$0x3FFE];
	_ =	sdelay $0x1  }
0x8a: {  	s1 =	srdreg.scid  }
0x8b: {  	s0 =	sand.u32 $0x1, s1  }
0x8c: {  	s17 =	sshll.u32 s0, $0xA;
	s2 =	sadd.s32 s3, s2  }
0x8d: {  	s2 =	sadd.s32 s2, s17  }
0x8e: {  	[smem:$0x3FBB] =	sst s2  }
0x8f: {  	_ = 	snop  }
0x90: {  	s2 =	sld [smem:$0x3FD0];
	(tm) =	ssettm $0x1  }
0x91: {  	s18 =	sld [smem:$0x3FFB];
	_ =	sdelay $0x3  }
0x92: {  	_ =	strace s18  }
0x93: {  	s3 =	sld [smem:$0x3FFC];
	_ =	sdelay $0x3  }
0x94: {  	_ =	strace s3  }
0x95: {  	s3 =	sld [smem:$0x3FFD];
	_ =	sdelay $0x3  }
0x96: {  	_ =	strace s3  }
0x97: {  	_ =	strace $0x8FFFFFFF  }
0x98: {  	s19 =	sld [smem:$0x3FDB];
	_ =	sdelay $0x1  }
0x99: {  	s4 =	simm.s32 $_scs_section_size  }
0x9a: {  	s5 =	simm.s32 $_size__tile_overlayer_lowered;
	s6 =	simm.s32 $_tile_overlayer_lowered  }
0x9b: {  	s22 =	simm.s32 $0x1BFF;
	s21 =	sshll.u32 s6, $0x1;
	s3 =	sadd.s32 s4, s19  }
0x9c: {  	s7 =	simm.s32 $0x0;
	s20 =	sshll.u32 s5, $0x1;
	s5 =	sadd.s32 s21, s3  }
0x9d: {  	[timem:s7], [sflag:s22] =	dma.local [hbm:s5], s20  }
0x9e: {  	_ =	swait.ge [sflag:s22], s20  }
0x9f: {  	s4 =	ssub.s32 $0x0, s20;
	[sflag:s22] =	ssyncset.done $0x0  }
0xa0: {  	[sflag:s22] =	ssyncadd.s32 s4;
	_ =	sdelay $0x1  }
0xa1: {  	s23 =	simm.s32 $0x1B8B  }
0xa2: {  	_ =	swait.ge [sflag:s23], $0x1  }
0xa3: {  	[sflag:s23] =	ssyncset.done $0x0  }
0xa4: {  	s25 =	simm.s32 $0x1B8E;
	s24 =	sld [smem:$0x3FFE];
	[sflag:s23] =	ssyncadd.s32 $0xFFFFFFFF  }
0xa5: {  	s26 =	simm.s32 $execute0_lowered;
	[smem:$0x3FD2] =	sst s25  }
0xa6: {  	s5 =	sshll.u32 s26, $0x1;
	_ =	strace $0x80000046;
	[dreg:$0x1] =	wrdreg $0xFFFFFFFF  }
0xa7: {  	s28 =	simm.s32 $_size_execute0_lowered;
	s3 =	sadd.s32 s3, s5;
	[dreg:$0x0] =	wrdreg $0x0  }
0xa8: {  	s5 =	sshll.u32 s28, $0x1;
	[dreg:$0x2] =	wrdreg s3  }
0xa9: {  	[dreg:$0x3] =	wrdreg s5  }
0xaa: {  	[dreg:$0x4] =	wrdreg $0xC0  }
0xab: {  	_ =	task [dreg:s7], $0x5FFFF  }
0xac: {  	[dreg:$0x1] =	wrdreg $0xFFFFFFFF  }
0xad: {  	[dreg:$0x0] =	wrdreg $0x60  }
0xae: {  	[dreg:$0x2] =	wrdreg s24  }
0xaf: {  	[dreg:$0x3] =	wrdreg s2  }
0xb0: {  	[dreg:$0x4] =	wrdreg $0x28800  }
0xb1: {  	[dreg:$0x5] =	wrdreg $0x9  }
0xb2: {  	_ =	task.clear_ibuf [dreg:s7], $0x6FFFF;
	_ =	strace $0x90000046  }
0xb3: {  	s29 =	simm.s32 $0x9;
	_ =	strace $0x80000048  }
0xb4: {  	_ =	swait.ge [sflag:s29], $0x1  }
0xb5: {  	[sflag:s29] =	ssyncadd.s32 $0xFFFFFFFF  }
0xb6: {  	_ =	strace $0x90000048  }
0xb7: {  	_ =	sfence  }
0xb8: {  	s30 =	sld [smem:$0x0];
	_ =	sdelay $0x2  }
0xb9: {  	s31 =	sshll.u32 s1, $0xD;
	s1 =	sshrl.u32 s1, $0x2  }
0xba: {  	s3 =	sand.u32 $0x4000, s31;
	s1 =	sadd.s32 s1, s30  }
0xbb: {  	s0 =	sor.u32 s3, s0;
	s1 =	sshll.u32 s1, $0x11  }
0xbc: {  	s0 =	sor.u32 s1, s0  }
0xbd: {  	s0 =	sadd.s32 $0x8F2B, s0  }
0xbe: {  	[sflag:s0] =	ssyncadd.remote.s32 $0x1  }
0xbf: {  	_ =	sfence.sel $0xFFFF  }
0xc0: {  	[dreg:$0x0] =	wrdreg $0xFFFFFFFF;
	(pc) =	sbr.abs _section_cstart, $3  }
0xc1: {  	[dreg:$0x1] =	wrdreg $0xFFFFFFFF  }
0xc2: {  	_ =	task.clear_ibuf [dreg:s7], $0x2FFFF;
	_ =	strace $0x9FFFFFFF  }
0xc3: {  	(tm) =	ssettm $0x7FFFFFFF  }
tec
execute0_lowered:
.L_overlay_start_1:
0x0: {  	(tag) =	ssettag $0x1  }
0x1: {  	s6 =	rddreg [dreg:$0x0]  }
0x2: {  	s0 =	srdreg.scid;
	s2 =	rddreg [dreg:$0x1]  }
0x3: {  	s3 =	rddreg [dreg:$0x2];
	s4 =	simm.s32 $0x0;
	s12 =	simm.s32 $0x2800  }
0x4: {  	s13 =	simm.s32 $0x1;
	s5 =	sand.u32 $0x1, s0;
	s0 =	stileid.u32  }
0x5: {  	s14 =	simm.s32 $0x80;
	s16 =	simm.s32 $0x0;
	s8 =	smul.u32 $0x280, s0  }
0x6: {  	[smem:$0x7FF] =	sst s4;
	s1 =	sshll.u32 s5, $0x4;
	s9 =	smul.u32 $0x2800, s5  }
0x7: {  	s10 =	ssub.s32 $0x2, s5;
	s5 =	sadd.s32 $0x17E00, s6;
	s1 =	sor.u32 s0, s1  }
0x8: {  	s15 =	sshll.u32 s0, $0x6;
	s11 =	sshrl.u32 s10, $0x1;
	s7 =	smul.u32 $0x500, s1  }
0x9: {  	s1 =	rddreg [dreg:$0x3];
	_ =	strace $0x80000047;
	s9 =	sadd.s32 s8, s9  }
0xa: {  	s10 =	ssub.s32 s10, s11;
	s31 =	sadd.s32 s8, s3;
	s9 =	sshrl.u32 s9, $0x3  }
0xb: {  	s11 =	simm.s32 $0x2;
	s7 =	sadd.s32 s7, s6;
	s9 =	sadd.s32 s9, s6  }
0xc: {  	s6 =	sor.u32 $0x1C01, s15;
	s15 =	sor.u32 $0x1C02, s15;
	s7 =	sadd.s32 $0x3E00, s7  }
0xd: {  	s8 =	sadd.s32 $0x18000, s9;
	s9 =	smax.u32 s10, $0x1;
	s10 =	sshrl.u32 s31, $0x3  }
.LBB2_1:
0xe: {  	[spmem:s10], [sflag:s6] =	dma.local [hbm:s5], $0x50  }
0xf: {  	[tilespmem:s4], [sflag:$0x2] =	stream.linear.gather [hbm4b:s7+s4], $0x2800, $0x38;
	[tilespmem:$0x2B00] =	vst v63  }
0x10: {  	_ =	swait.ge [sflag:s11], $0x2800  }
0x11: {  	[sflag:s11] =	ssyncset.done $0x0  }
0x12: {  	[sflag:s11] =	ssyncadd.s32 $0xFFFFD800  }
0x13: {  	[tilespmem:s12], [sflag:$0x2] =	stream.linear.gather [hbm4b:s2+s4], $0x80, $0x38;
	[tilespmem:$0x2B00] =	vst v63  }
0x14: {  	_ =	swait.ge [sflag:s11], $0x80  }
0x15: {  	[sflag:s11] =	ssyncset.done $0x0  }
0x16: {  	[sflag:s11] =	ssyncadd.s32 $0xFFFFFF80  }
0x17: {  	_ =	swait.ge [sflag:s13], $0x50  }
0x18: {  	[sflag:s13] =	ssyncset.done $0x0  }
0x19: {  	[sflag:s13] =	ssyncadd.s32 $0xFFFFFFB0  }
0x1a: {  	s17 =	simm.s32 $0x0;
	[bflag:$0x0] =	sbarrier.arrive $0xFFFF  }
0x1b: {  	[spmem:s3] =	stream.indirect.scatter.add.f32 [tilespmem:s12], [sflag:$0x2], $0x1, s17, s14, $0xb8;
	[tilespmem:$0x2B00] =	vst v63  }
0x1c: {  	_ =	swait.ge [sflag:s11], $0x80  }
0x1d: {  	s17 =	simm.s32 $0x200;
	[sflag:s11] =	ssyncset.done $0x0  }
.LBB2_2:
0x1e: {  	s18 =	sshra.s32 s17, $0x2;
	[sflag:s11] =	ssyncadd.s32 $0xFFFFFF80;
	p0 =	sne.s32 s17, $0x9E00  }
0x1f: {  	[spmem:s3] =	stream.indirect.scatter.add.f32 [tilespmem:s12], [sflag:$0x2], $0x1, s18, s14, $0xb8;
	[tilespmem:$0x2B00] =	vst v63  }
.Ltmp0:
0x20: {  	_ = 	snop;
	(pc) =	sbr.rel @p0 .LBB2_2-.Ltmp0, $4  }
0x21: {  	_ = 	snop  }
0x22: {  	s17 =	sadd.s32 $0x200, s17  }
0x23: {  	_ =	swait.ge [sflag:s11], $0x80  }
0x24: {  	[sflag:s11] =	ssyncset.done $0x0  }
0x25: {  	s16 =	sadd.s32 $0x1, s16  }
0x26: {  	[sflag:s11] =	ssyncadd.s32 $0xFFFFFF80;
	p0 =	sne.s32 s16, s9  }
.Ltmp1:
0x27: {  	[bflag:$0x0] =	sbarrier.arrive $0xFFFF;
	(pc) =	sbr.rel @p0 .LBB2_1-.Ltmp1, $4  }
0x28: {  	[hbm:s8], [sflag:s15] =	dma.local [spmem:s10], $0x50  }
0x29: {  	_ =	swait.ge [sflag:s11], $0x50  }
0x2a: {  	[sflag:s11] =	ssyncset.done $0x0  }
0x2b: {  	[sflag:s11] =	ssyncadd.s32 $0xFFFFFFB0  }
0x2c: {  	_ =	sfence.sel $0x180000  }
0x2d: {  	[bflag:$0x0] =	sbarrier.arrive $0xFFFF  }
0x2e: {  	p0 =	sne.s32 s0, $0x0;
	_ =	strace $0x90000047  }
0x2f: {  	s0 =	sadd.s32 @!p0 $0x100000, s1;
	[bflag:$0x2] =	sbarrier.arrive $0xFFFF  }
0x30: {  	[sflag:s0] =	ssyncadd.tile.s32 @!p0 $0x1;
	_ =	shalt  }
.Lfunc_end2:
_tile_overlayer_lowered:
.L_overlay_start_2:
0x31: {  	(tag) =	ssettag $0x2  }
0x32: {  	s0 =	rddreg [dreg:$0x0];
	s2 =	stileid.u32  }
0x33: {  	s1 =	rddreg [dreg:$0x1];
	p0 =	sne.s32 s2, $0x0  }
0x34: {  	s3 =	rddreg [dreg:$0x2];
	[bflag:$0x3] =	sbarrier.arrive $0xFFFF;
	s2 =	simm.s32 @!p0 $0x1C02  }
0x35: {  	[timem:s3], [sflag:s2] =	dma.local @!p0 [hbm:s0], s1  }
0x36: {  	s0 =	simm.s32 @!p0 $0x2  }
0x37: {  	_ =	swait.ge @!p0 [sflag:s0], s1  }
0x38: {  	s1 =	ssub.s32 @!p0 $0x0, s1;
	[sflag:s0] =	ssyncset.done @!p0 $0x0  }
0x39: {  	[sflag:s0] =	ssyncadd.s32 @!p0 s1  }
0x3a: {  	[bflag:$0x3] =	sbarrier.arrive $0xFFFF  }
0x3b: {  	_ =	shalt  }

// kernel: kernel.13.cloned.1.call-start
scs
__scs_entry_jumppad:
0x0: {  	(pc) =	sbr.rel $0x88, $3  }
0x1: {  	(tag) =	ssettag $0x0;
	lr =	simm.s32 $0x1  }
0x2: {  	[smem:$0x3F94] =	sst lr;
	_ =	strace $0xD0000000  }
0x3: {  	_ = 	snop  }
0x4: {  	_ = 	snop  }
0x5: {  	_ = 	snop  }
0x6: {  	_ = 	snop  }
0x7: {  	_ = 	snop  }
__scs_overlays_trampoline_lowered:
0x8: {  	[smem:$0x3FA3] =	sst s0  }
0x9: {  	[smem:$0x3FA4] =	sst s1  }
0xa: {  	[smem:$0x3FA5] =	sst s2  }
0xb: {  	[smem:$0x3FA6] =	sst s3  }
0xc: {  	[smem:$0x3FA7] =	sst s4  }
0xd: {  	[smem:$0x3FA8] =	sst s5  }
0xe: {  	[smem:$0x3FA9] =	sst s6  }
0xf: {  	[smem:$0x3FAA] =	sst s7  }
0x10: {  	[smem:$0x3FAB] =	sst s8  }
0x11: {  	[smem:$0x3FAC] =	sst s9;
	s0 =	simm.s32 @!p0 $0x0  }
0x12: {  	s1 =	sld [smem:$0x3F92];
	s0 =	simm.s32 @p0 $0x1  }
0x13: {  	[smem:$0x3FAD] =	sst s0;
	s0 =	simm.s32 @!p1 $0x0  }
0x14: {  	s2 =	sld [smem:$0x3F91];
	s0 =	simm.s32 @p1 $0x1  }
0x15: {  	[smem:$0x3FAE] =	sst s0;
	s0 =	simm.s32 @!p2 $0x0  }
0x16: {  	s3 =	sld [smem:$0x3FDB];
	s0 =	simm.s32 @p2 $0x1  }
0x17: {  	s4 =	simm.s32 $0x1BF5;
	[smem:$0x3FB0] =	sst s0  }
0x18: {  	s0 =	sld [smem:$0x3F93];
	_ =	swait.ge [sflag:s4], $0x0  }
0x19: {  	s7 =	sld [smem:$0x3F94]  }
0x1a: {  	s8 =	sadd.s32 $0xFFFFE003, lr  }
0x1b: {  	s9 =	sadd.s32 $0xFFFFFEF7, lr;
	s5 =	simm.s32 $0xFFFFFFFF;
	p2 =	slt.u32 s8, $0xFFFFF086  }
0x1c: {  	p1 =	slt.u32 s9, $0xF7A;
	s5 =	simm.s32 @!p2 $0x0  }
0x1d: {  	s5 =	simm.s32 @p1 $0x1;
	p0 =	seq.s32 s7, s2  }
0x1e: {  	s7 =	smul.u32 @!p0 $0xF7A, s2;
	p2 =	seq.s32 @!p0 s5, $0x0  }
0x1f: {  	s9 =	smul.u32 $0xF7A, s1;
	s8 =	simm.s32 @!p0 $0x1BF5;
	p2 =	por !p2, p0  }
0x20: {  	[sflag:s8] =	ssyncset.s32 @!p0 $0xFFFFF086;
	s6 =	sadd.s32 @!p0 s3, s7;
	s7 =	simm.s32 @!p0 $0x108  }
0x21: {  	s3 =	sadd.s32 s3, s9;
	s6 =	sadd.s32 @!p0 $0x88, s6;
	s7 =	simm.s32 @p2 $0x1082  }
0x22: {  	[simem:s7], [sflag:s8] =	dma.local @!p0 [hbm:s6], $0xF7A  }
0x23: {  	s9 =	sor.u32 $0xD0000000, s2;
	s6 =	simm.s32 $0x108;
	_ =	swait.ge @!p0 [sflag:s8], $0x0  }
0x24: {  	s3 =	sadd.s32 $0x88, s3;
	s6 =	simm.s32 @!p1 $0x1082;
	[sflag:s4] =	ssyncset.s32 $0xFFFFF086  }
0x25: {  	[simem:s6], [sflag:s4] =	dma.local [hbm:s3], $0xF7A  }
0x26: {  	[smem:$0x3F94] =	sst s1;
	(tag) =	ssettag s2;
	_ =	strace s9  }
0x27: {  	s1 =	sld [smem:$0x3FA4]  }
0x28: {  	s2 =	sld [smem:$0x3FA5]  }
0x29: {  	s4 =	sld [smem:$0x3FA7]  }
0x2a: {  	p0 =	seq.s32 s5, $0x0;
	s5 =	sld [smem:$0x3FA8]  }
0x2b: {  	s6 =	sld [smem:$0x3FA9]  }
0x2c: {  	s7 =	sld [smem:$0x3FAA]  }
0x2d: {  	s3 =	simm.s32 $0x108;
	s8 =	sld [smem:$0x3FAB]  }
0x2e: {  	s3 =	simm.s32 @!p0 $0x1082;
	s9 =	sld [smem:$0x3FAC]  }
0x2f: {  	lr =	sadd.s32 s0, s3;
	s0 =	sld [smem:$0x3FA3]  }
0x30: {  	s3 =	sld [smem:$0x3FA6]  }
0x31: {  	[smem:$0x3FAF] =	sst s10  }
0x32: {  	s10 =	sld [smem:$0x3FAD];
	_ =	sdelay $0x3  }
0x33: {  	p0 =	seq.s32 s10, $0x1;
	s10 =	sld [smem:$0x3FAF];
	_ =	sdelay $0x3  }
0x34: {  	[smem:$0x3FAF] =	sst s10  }
0x35: {  	s10 =	sld [smem:$0x3FAE];
	_ =	sdelay $0x3  }
0x36: {  	p1 =	seq.s32 s10, $0x1;
	s10 =	sld [smem:$0x3FAF];
	_ =	sdelay $0x3  }
0x37: {  	[smem:$0x3FAF] =	sst s10  }
0x38: {  	s10 =	sld [smem:$0x3FB0]  }
0x39: {  	_ = 	snop;
	(pc) =	sbr.ind lr, $3  }
0x3a: {  	_ = 	snop  }
0x3b: {  	_ = 	snop  }
0x3c: {  	p2 =	seq.s32 s10, $0x1;
	s10 =	sld [smem:$0x3FAF]  }
0x3d: {  	_ =	shalt  }
0x3e: {  	_ =	shalt  }
0x3f: {  	_ =	shalt  }
0x40: {  	_ =	shalt  }
0x41: {  	_ =	shalt  }
0x42: {  	_ =	shalt  }
0x43: {  	_ =	shalt  }
0x44: {  	_ =	shalt  }
0x45: {  	_ =	shalt  }
0x46: {  	_ =	shalt  }
0x47: {  	_ =	shalt  }
0x48: {  	_ =	shalt  }
0x49: {  	_ =	shalt  }
0x4a: {  	_ =	shalt  }
0x4b: {  	_ =	shalt  }
0x4c: {  	_ =	shalt  }
0x4d: {  	_ =	shalt  }
0x4e: {  	_ =	shalt  }
0x4f: {  	_ =	shalt  }
0x50: {  	_ =	shalt  }
0x51: {  	_ =	shalt  }
0x52: {  	_ =	shalt  }
0x53: {  	_ =	shalt  }
0x54: {  	_ =	shalt  }
0x55: {  	_ =	shalt  }
0x56: {  	_ =	shalt  }
0x57: {  	_ =	shalt  }
0x58: {  	_ =	shalt  }
0x59: {  	_ =	shalt  }
0x5a: {  	_ =	shalt  }
0x5b: {  	_ =	shalt  }
0x5c: {  	_ =	shalt  }
0x5d: {  	_ =	shalt  }
0x5e: {  	_ =	shalt  }
0x5f: {  	_ =	shalt  }
0x60: {  	_ =	shalt  }
0x61: {  	_ =	shalt  }
0x62: {  	_ =	shalt  }
0x63: {  	_ =	shalt  }
0x64: {  	_ =	shalt  }
0x65: {  	_ =	shalt  }
0x66: {  	_ =	shalt  }
0x67: {  	_ =	shalt  }
0x68: {  	_ =	shalt  }
0x69: {  	_ =	shalt  }
0x6a: {  	_ =	shalt  }
0x6b: {  	_ =	shalt  }
0x6c: {  	_ =	shalt  }
0x6d: {  	_ =	shalt  }
0x6e: {  	_ =	shalt  }
0x6f: {  	_ =	shalt  }
0x70: {  	_ =	shalt  }
0x71: {  	_ =	shalt  }
0x72: {  	_ =	shalt  }
0x73: {  	_ =	shalt  }
0x74: {  	_ =	shalt  }
0x75: {  	_ =	shalt  }
0x76: {  	_ =	shalt  }
0x77: {  	_ =	shalt  }
0x78: {  	_ =	shalt  }
0x79: {  	_ =	shalt  }
0x7a: {  	_ =	shalt  }
0x7b: {  	_ =	shalt  }
0x7c: {  	_ =	shalt  }
0x7d: {  	_ =	shalt  }
0x7e: {  	_ =	shalt  }
0x7f: {  	_ =	shalt  }
0x80: {  	_ =	shalt  }
0x81: {  	_ =	shalt  }
0x82: {  	_ =	shalt  }
0x83: {  	_ =	shalt  }
0x84: {  	_ =	shalt  }
0x85: {  	_ =	shalt  }
0x86: {  	_ =	shalt  }
0x87: {  	_ =	shalt  }
.Lfunc_end0:
.L_simem_size_0:
called_computation.1_lowered:
.L_overlay_start_0:
0x88: {  	s2 =	sld [smem:$0x3FD9]  }
0x89: {  	s3 =	sld [smem:$0x3FFE];
	_ =	sdelay $0x1  }
0x8a: {  	s1 =	srdreg.scid  }
0x8b: {  	s0 =	sand.u32 $0x1, s1  }
0x8c: {  	s16 =	sshll.u32 s0, $0xA;
	s2 =	sadd.s32 s3, s2  }
0x8d: {  	s2 =	sadd.s32 s2, s16  }
0x8e: {  	[smem:$0x3FBB] =	sst s2  }
0x8f: {  	_ = 	snop  }
0x90: {  	(tm) =	ssettm $0x1  }
0x91: {  	s17 =	sld [smem:$0x3FFB];
	_ =	sdelay $0x3  }
0x92: {  	_ =	strace s17  }
0x93: {  	s2 =	sld [smem:$0x3FFC];
	_ =	sdelay $0x3  }
0x94: {  	_ =	strace s2  }
0x95: {  	s2 =	sld [smem:$0x3FFD];
	_ =	sdelay $0x3  }
0x96: {  	_ =	strace s2  }
0x97: {  	_ =	strace $0x8FFFFFFF  }
0x98: {  	s18 =	sld [smem:$0x3FDB];
	_ =	sdelay $0x1  }
0x99: {  	s19 =	simm.s32 $_scs_section_size  }
0x9a: {  	s4 =	simm.s32 $_size__tile_overlayer_lowered;
	s5 =	simm.s32 $_tile_overlayer_lowered  }
0x9b: {  	s22 =	simm.s32 $0x1BFF;
	s21 =	sshll.u32 s5, $0x1;
	s2 =	sadd.s32 s19, s18  }
0x9c: {  	s6 =	simm.s32 $0x0;
	s20 =	sshll.u32 s4, $0x1;
	s4 =	sadd.s32 s21, s2  }
0x9d: {  	[timem:s6], [sflag:s22] =	dma.local [hbm:s4], s20  }
0x9e: {  	_ =	swait.ge [sflag:s22], s20  }
0x9f: {  	s3 =	ssub.s32 $0x0, s20;
	[sflag:s22] =	ssyncset.done $0x0  }
0xa0: {  	[sflag:s22] =	ssyncadd.s32 s3;
	_ =	sdelay $0x1  }
0xa1: {  	s23 =	simm.s32 $0x1B8B  }
0xa2: {  	_ =	swait.ge [sflag:s23], $0x1  }
0xa3: {  	[sflag:s23] =	ssyncset.done $0x0  }
0xa4: {  	s25 =	simm.s32 $0x1B8E;
	s24 =	sld [smem:$0x3FFE];
	[sflag:s23] =	ssyncadd.s32 $0xFFFFFFFF  }
0xa5: {  	s26 =	simm.s32 $execute0_lowered;
	[smem:$0x3FD2] =	sst s25  }
0xa6: {  	s4 =	sshll.u32 s26, $0x1;
	_ =	strace $0x80000049;
	[dreg:$0x1] =	wrdreg $0xFFFFFFFF  }
0xa7: {  	s28 =	simm.s32 $_size_execute0_lowered;
	s2 =	sadd.s32 s2, s4;
	[dreg:$0x0] =	wrdreg $0x0  }
0xa8: {  	s4 =	sshll.u32 s28, $0x1;
	[dreg:$0x2] =	wrdreg s2  }
0xa9: {  	[dreg:$0x3] =	wrdreg s4  }
0xaa: {  	[dreg:$0x4] =	wrdreg $0xC0  }
0xab: {  	_ =	task [dreg:s6], $0x5FFFF  }
0xac: {  	[dreg:$0x1] =	wrdreg $0xFFFFFFFF  }
0xad: {  	[dreg:$0x0] =	wrdreg $0x60  }
0xae: {  	[dreg:$0x2] =	wrdreg s24  }
0xaf: {  	[dreg:$0x3] =	wrdreg $0xA8000  }
0xb0: {  	[dreg:$0x4] =	wrdreg $0x9  }
0xb1: {  	_ =	task.clear_ibuf [dreg:s6], $0x5FFFF;
	_ =	strace $0x90000049  }
0xb2: {  	s29 =	simm.s32 $0x9;
	_ =	strace $0x8000004B  }
0xb3: {  	_ =	swait.ge [sflag:s29], $0x1  }
0xb4: {  	[sflag:s29] =	ssyncadd.s32 $0xFFFFFFFF  }
0xb5: {  	_ =	strace $0x9000004B  }
0xb6: {  	_ =	sfence  }
0xb7: {  	s30 =	sld [smem:$0x0];
	_ =	sdelay $0x2  }
0xb8: {  	s31 =	sshll.u32 s1, $0xD;
	s1 =	sshrl.u32 s1, $0x2  }
0xb9: {  	s3 =	sand.u32 $0x4000, s31;
	s1 =	sadd.s32 s1, s30  }
0xba: {  	s0 =	sor.u32 s3, s0;
	s1 =	sshll.u32 s1, $0x11  }
0xbb: {  	s0 =	sor.u32 s1, s0  }
0xbc: {  	s0 =	sadd.s32 $0x8F2B, s0  }
0xbd: {  	[sflag:s0] =	ssyncadd.remote.s32 $0x1  }
0xbe: {  	_ =	sfence.sel $0xFFFF  }
0xbf: {  	[dreg:$0x0] =	wrdreg $0xFFFFFFFF;
	(pc) =	sbr.abs _section_cstart, $3  }
0xc0: {  	[dreg:$0x1] =	wrdreg $0xFFFFFFFF  }
0xc1: {  	_ =	task.clear_ibuf [dreg:s6], $0x2FFFF;
	_ =	strace $0x9FFFFFFF  }
0xc2: {  	(tm) =	ssettm $0x7FFFFFFF  }
0xc3: {  	_ =	shalt  }
tec
execute0_lowered:
.L_overlay_start_1:
0x0: {  	(tag) =	ssettag $0x1  }
0x1: {  	s6 =	rddreg [dreg:$0x0]  }
0x2: {  	s1 =	rddreg [dreg:$0x1]  }
0x3: {  	s0 =	rddreg [dreg:$0x2];
	s3 =	simm.s32 $0x0;
	s2 =	srdreg.scid  }
0x4: {  	s16 =	simm.s32 $0x1400;
	s17 =	simm.s32 $0x2;
	s18 =	simm.s32 $0x80  }
0x5: {  	s19 =	simm.s32 $0x2800;
	s20 =	simm.s32 $0x6800;
	s21 =	simm.s32 $0x1  }
0x6: {  	s22 =	simm.s32 $0x1380;
	s23 =	simm.s32 $0x2700;
	s24 =	simm.s32 $0x2780  }
0x7: {  	s25 =	simm.s32 $0x0;
	[smem:$0x7FF] =	sst s3;
	s7 =	sand.u32 $0x1, s2  }
0x8: {  	s2 =	stileid.u32;
	s4 =	sadd.s32 $0x17E00, s6;
	s10 =	sadd.s32 $0xDE00, s6  }
0x9: {  	s11 =	sadd.s32 $0x3E00, s6;
	s5 =	sadd.s32 $0x3F000, s6;
	s8 =	smul.u32 $0x140000, s7  }
0xa: {  	s9 =	smul.u32 $0x14000, s2;
	s26 =	sshll.u32 s7, $0x4;
	s7 =	ssub.s32 $0x2, s7  }
0xb: {  	_ =	strace $0x8000004A;
	s12 =	smul.u32 $0x50000, s2;
	s13 =	sshrl.u32 s7, $0x1  }
0xc: {  	s8 =	sadd.s32 s9, s8;
	s9 =	sor.u32 s2, s26;
	s13 =	ssub.s32 s7, s13  }
0xd: {  	s28 =	sshrl.u32 s12, $0x2;
	s8 =	sshrl.u32 s8, $0x3;
	s14 =	smul.u32 $0x2800, s9  }
0xe: {  	s9 =	smul.u32 $0x500, s9;
	s30 =	sadd.s32 s28, s1;
	s13 =	smax.u32 s13, $0x1  }
0xf: {  	s15 =	sadd.s32 s8, s6;
	s6 =	sshll.u32 s2, $0x6;
	s29 =	sshrl.u32 s14, $0x3  }
0x10: {  	s7 =	sor.u32 $0x1C02, s6;
	s8 =	sadd.s32 s10, s9;
	s9 =	sadd.s32 s11, s9  }
0x11: {  	s12 =	sadd.s32 $0x41800, s15;
	s14 =	sshrl.u32 s30, $0x3;
	s31 =	sadd.s32 $0x280, s29  }
0x12: {  	s15 =	simm.s32 $0x3;
	s10 =	sadd.s32 s10, s31;
	s11 =	sadd.s32 s11, s31  }
.LBB2_1:
0x13: {  	[spmem:s14], [sflag:s7] =	dma.local [hbm:s5], $0x2800  }
0x14: {  	[tilespmem:s3], [sflag:$0x3] =	stream.linear.gather [hbm4b:s8+s3], $0x1400, $0x38;
	[tilespmem:$0x1E800] =	vst v63  }
0x15: {  	_ =	swait.ge [sflag:s15], $0x1400  }
0x16: {  	[sflag:s15] =	ssyncset.done $0x0  }
0x17: {  	[sflag:s15] =	ssyncadd.s32 $0xFFFFEC00  }
0x18: {  	[tilespmem:s16], [sflag:$0x3] =	stream.linear.gather [hbm4b:s9+s3], $0x1400, $0x38;
	[tilespmem:$0x1E800] =	vst v63  }
0x19: {  	_ =	swait.ge [sflag:s15], $0x1400  }
0x1a: {  	[sflag:s15] =	ssyncset.done $0x0  }
0x1b: {  	[sflag:s15] =	ssyncadd.s32 $0xFFFFEC00  }
0x1c: {  	_ =	swait.ge [sflag:s17], $0x2800  }
0x1d: {  	[sflag:s17] =	ssyncset.done $0x0  }
0x1e: {  	[sflag:s17] =	ssyncadd.s32 $0xFFFFD800  }
0x1f: {  	[bflag:$0x0] =	sbarrier.arrive $0xFFFF  }
0x20: {  	[tilespmem:s19], [sflag:$0x1] =	stream.indirect.gather [hbm4b:s4+s18], $0x80, s3, s18, $0xb8;
	[tilespmem:$0x1E800] =	vst v63  }
0x21: {  	s26 =	simm.s32 $0x80  }
0x22: {  	[tilespmem:s20], [sflag:$0x2] =	stream.indirect.gather [hbm4b:s4+s18], $0x80, s26, s18, $0xb8;
	[tilespmem:$0x1E800] =	vst v63  }
0x23: {  	_ =	swait.ge [sflag:s21], $0x4000  }
0x24: {  	[sflag:s21] =	ssyncset.done $0x0  }
0x25: {  	s29 =	simm.s32 $0x1400;
	[sflag:s21] =	ssyncadd.s32 $0xFFFFC000  }
0x26: {  	[spmem:s1] =	stream.indirect.scatter.add.f32 [tilespmem:s19], [sflag:$0x3], $0x80, s29, s18, $0xb8;
	[tilespmem:$0x1E800] =	vst v63  }
0x27: {  	_ =	swait.ge [sflag:s15], $0x4000  }
0x28: {  	[sflag:s15] =	ssyncset.done $0x0  }
0x29: {  	s30 =	simm.s32 $0x100;
	[sflag:s15] =	ssyncadd.s32 $0xFFFFC000  }
0x2a: {  	[tilespmem:s19], [sflag:$0x1] =	stream.indirect.gather [hbm4b:s4+s18], $0x80, s30, s18, $0xb8;
	[tilespmem:$0x1E800] =	vst v63  }
0x2b: {  	_ =	swait.ge [sflag:s17], $0x4000  }
0x2c: {  	[sflag:s17] =	ssyncset.done $0x0  }
0x2d: {  	s31 =	simm.s32 $0x1480;
	[sflag:s17] =	ssyncadd.s32 $0xFFFFC000  }
0x2e: {  	[spmem:s1] =	stream.indirect.scatter.add.f32 [tilespmem:s20], [sflag:$0x3], $0x80, s31, s18, $0xb8;
	[tilespmem:$0x1E800] =	vst v63  }
0x2f: {  	_ =	swait.ge [sflag:s15], $0x4000  }
0x30: {  	s28 =	simm.s32 $0x800;
	s26 =	simm.s32 $0x100;
	[sflag:s15] =	ssyncset.done $0x0  }
.LBB2_2:
0x31: {  	s29 =	sadd.s32 $0x80, s26  }
0x32: {  	[sflag:s15] =	ssyncadd.s32 $0xFFFFC000;
	s30 =	smov.u32 s28;
	s31 =	sadd.s32 $0x400, s28  }
0x33: {  	[tilespmem:s20], [sflag:$0x2] =	stream.indirect.gather [hbm4b:s4+s18], $0x80, s29, s18, $0xb8;
	[tilespmem:$0x1E800] =	vst v63  }
0x34: {  	p0 =	sne.s32 s28, $0x4800;
	_ =	swait.ge [sflag:s21], $0x4000  }
0x35: {  	[sflag:s21] =	ssyncset.done $0x0  }
0x36: {  	s28 =	sadd.s32 $0x1400, s26;
	[sflag:s21] =	ssyncadd.s32 $0xFFFFC000  }
0x37: {  	[spmem:s1] =	stream.indirect.scatter.add.f32 [tilespmem:s19], [sflag:$0x3], $0x80, s28, s18, $0xb8;
	[tilespmem:$0x1E800] =	vst v63  }
0x38: {  	_ =	swait.ge [sflag:s15], $0x4000  }
0x39: {  	[sflag:s15] =	ssyncset.done $0x0  }
0x3a: {  	s28 =	sadd.s32 $0x100, s26;
	[sflag:s15] =	ssyncadd.s32 $0xFFFFC000  }
0x3b: {  	[tilespmem:s19], [sflag:$0x1] =	stream.indirect.gather [hbm4b:s4+s18], $0x80, s28, s18, $0xb8;
	[tilespmem:$0x1E800] =	vst v63  }
0x3c: {  	_ =	swait.ge [sflag:s17], $0x4000  }
.Ltmp0:
0x3d: {  	[sflag:s17] =	ssyncset.done $0x0;
	(pc) =	sbr.rel @p0 .LBB2_2-.Ltmp0, $4  }
0x3e: {  	s26 =	sadd.s32 $0x1480, s26;
	[sflag:s17] =	ssyncadd.s32 $0xFFFFC000  }
0x3f: {  	[spmem:s1] =	stream.indirect.scatter.add.f32 [tilespmem:s20], [sflag:$0x3], $0x80, s26, s18, $0xb8;
	[tilespmem:$0x1E800] =	vst v63  }
0x40: {  	_ =	swait.ge [sflag:s15], $0x4000  }
0x41: {  	s28 =	smov.u32 s31;
	s26 =	sshra.s32 s30, $0x2;
	[sflag:s15] =	ssyncset.done $0x0  }
0x42: {  	s28 =	sadd.s32 $0x80, s26;
	[sflag:s15] =	ssyncadd.s32 $0xFFFFC000  }
0x43: {  	[tilespmem:s20], [sflag:$0x2] =	stream.indirect.gather [hbm4b:s4+s18], $0x80, s28, s18, $0xb8;
	[tilespmem:$0x1E800] =	vst v63  }
0x44: {  	_ =	swait.ge [sflag:s21], $0x4000  }
0x45: {  	[sflag:s21] =	ssyncset.done $0x0  }
0x46: {  	s28 =	sadd.s32 $0x1400, s26;
	[sflag:s21] =	ssyncadd.s32 $0xFFFFC000  }
0x47: {  	[spmem:s1] =	stream.indirect.scatter.add.f32 [tilespmem:s19], [sflag:$0x3], $0x80, s28, s18, $0xb8;
	[tilespmem:$0x1E800] =	vst v63  }
0x48: {  	_ =	swait.ge [sflag:s15], $0x4000  }
0x49: {  	[sflag:s15] =	ssyncset.done $0x0  }
0x4a: {  	s28 =	sadd.s32 $0x100, s26;
	[sflag:s15] =	ssyncadd.s32 $0xFFFFC000  }
0x4b: {  	[tilespmem:s19], [sflag:$0x1] =	stream.indirect.gather [hbm4b:s4+s18], $0x80, s28, s18, $0xb8;
	[tilespmem:$0x1E800] =	vst v63  }
0x4c: {  	_ =	swait.ge [sflag:s17], $0x4000  }
0x4d: {  	[sflag:s17] =	ssyncset.done $0x0  }
0x4e: {  	s29 =	sadd.s32 $0x1480, s26;
	[sflag:s17] =	ssyncadd.s32 $0xFFFFC000  }
0x4f: {  	[spmem:s1] =	stream.indirect.scatter.add.f32 [tilespmem:s20], [sflag:$0x3], $0x80, s29, s18, $0xb8;
	[tilespmem:$0x1E800] =	vst v63  }
0x50: {  	_ =	swait.ge [sflag:s15], $0x4000  }
0x51: {  	[sflag:s15] =	ssyncset.done $0x0  }
0x52: {  	[sflag:s15] =	ssyncadd.s32 $0xFFFFC000  }
0x53: {  	[tilespmem:s20], [sflag:$0x2] =	stream.indirect.gather [hbm4b:s4+s18], $0x80, s22, s18, $0xb8;
	[tilespmem:$0x1E800] =	vst v63  }
0x54: {  	_ =	swait.ge [sflag:s21], $0x4000  }
0x55: {  	[sflag:s21] =	ssyncset.done $0x0  }
0x56: {  	[sflag:s21] =	ssyncadd.s32 $0xFFFFC000  }
0x57: {  	[spmem:s1] =	stream.indirect.scatter.add.f32 [tilespmem:s19], [sflag:$0x3], $0x80, s23, s18, $0xb8;
	[tilespmem:$0x1E800] =	vst v63  }
0x58: {  	_ =	swait.ge [sflag:s15], $0x4000  }
0x59: {  	[sflag:s15] =	ssyncset.done $0x0  }
0x5a: {  	[sflag:s15] =	ssyncadd.s32 $0xFFFFC000  }
0x5b: {  	_ =	swait.ge [sflag:s17], $0x4000  }
0x5c: {  	[sflag:s17] =	ssyncset.done $0x0  }
0x5d: {  	[sflag:s17] =	ssyncadd.s32 $0xFFFFC000  }
0x5e: {  	[spmem:s1] =	stream.indirect.scatter.add.f32 [tilespmem:s20], [sflag:$0x3], $0x80, s24, s18, $0xb8;
	[tilespmem:$0x1E800] =	vst v63  }
0x5f: {  	_ =	swait.ge [sflag:s15], $0x4000  }
0x60: {  	[sflag:s15] =	ssyncset.done $0x0  }
0x61: {  	s30 =	simm.s32 $0x0;
	[sflag:s15] =	ssyncadd.s32 $0xFFFFC000  }
0x62: {  	[tilespmem:s30], [sflag:$0x3] =	stream.linear.gather [hbm4b:s10+s30], $0x1400, $0x38;
	[tilespmem:$0x1E800] =	vst v63  }
0x63: {  	_ =	swait.ge [sflag:s15], $0x1400  }
0x64: {  	[sflag:s15] =	ssyncset.done $0x0  }
0x65: {  	[sflag:s15] =	ssyncadd.s32 $0xFFFFEC00  }
0x66: {  	[tilespmem:s16], [sflag:$0x3] =	stream.linear.gather [hbm4b:s11+s30], $0x1400, $0x38;
	[tilespmem:$0x1E800] =	vst v63  }
0x67: {  	_ =	swait.ge [sflag:s15], $0x1400  }
0x68: {  	[sflag:s15] =	ssyncset.done $0x0  }
0x69: {  	[sflag:s15] =	ssyncadd.s32 $0xFFFFEC00  }
0x6a: {  	[tilespmem:s19], [sflag:$0x1] =	stream.indirect.gather [hbm4b:s4+s18], $0x80, s30, s18, $0xb8;
	[tilespmem:$0x1E800] =	vst v63  }
0x6b: {  	s31 =	simm.s32 $0x80  }
0x6c: {  	[tilespmem:s20], [sflag:$0x2] =	stream.indirect.gather [hbm4b:s4+s18], $0x80, s31, s18, $0xb8;
	[tilespmem:$0x1E800] =	vst v63  }
0x6d: {  	_ =	swait.ge [sflag:s21], $0x4000  }
0x6e: {  	[sflag:s21] =	ssyncset.done $0x0  }
0x6f: {  	s29 =	simm.s32 $0x1400;
	[sflag:s21] =	ssyncadd.s32 $0xFFFFC000  }
0x70: {  	[spmem:s1] =	stream.indirect.scatter.add.f32 [tilespmem:s19], [sflag:$0x3], $0x80, s29, s18, $0xb8;
	[tilespmem:$0x1E800] =	vst v63  }
0x71: {  	_ =	swait.ge [sflag:s15], $0x4000  }
0x72: {  	[sflag:s15] =	ssyncset.done $0x0  }
0x73: {  	s30 =	simm.s32 $0x100;
	[sflag:s15] =	ssyncadd.s32 $0xFFFFC000  }
0x74: {  	[tilespmem:s19], [sflag:$0x1] =	stream.indirect.gather [hbm4b:s4+s18], $0x80, s30, s18, $0xb8;
	[tilespmem:$0x1E800] =	vst v63  }
0x75: {  	_ =	swait.ge [sflag:s17], $0x4000  }
0x76: {  	[sflag:s17] =	ssyncset.done $0x0  }
0x77: {  	s31 =	simm.s32 $0x1480;
	[sflag:s17] =	ssyncadd.s32 $0xFFFFC000  }
0x78: {  	[spmem:s1] =	stream.indirect.scatter.add.f32 [tilespmem:s20], [sflag:$0x3], $0x80, s31, s18, $0xb8;
	[tilespmem:$0x1E800] =	vst v63  }
0x79: {  	_ =	swait.ge [sflag:s15], $0x4000  }
0x7a: {  	s26 =	simm.s32 $0x100;
	s28 =	simm.s32 $0x800;
	[sflag:s15] =	ssyncset.done $0x0  }
.LBB2_4:
0x7b: {  	s29 =	sadd.s32 $0x80, s26  }
0x7c: {  	[sflag:s15] =	ssyncadd.s32 $0xFFFFC000;
	s30 =	smov.u32 s28;
	s31 =	sadd.s32 $0x400, s28  }
0x7d: {  	[tilespmem:s20], [sflag:$0x2] =	stream.indirect.gather [hbm4b:s4+s18], $0x80, s29, s18, $0xb8;
	[tilespmem:$0x1E800] =	vst v63  }
0x7e: {  	p0 =	sne.s32 s28, $0x4800;
	_ =	swait.ge [sflag:s21], $0x4000  }
0x7f: {  	[sflag:s21] =	ssyncset.done $0x0  }
0x80: {  	s28 =	sadd.s32 $0x1400, s26;
	[sflag:s21] =	ssyncadd.s32 $0xFFFFC000  }
0x81: {  	[spmem:s1] =	stream.indirect.scatter.add.f32 [tilespmem:s19], [sflag:$0x3], $0x80, s28, s18, $0xb8;
	[tilespmem:$0x1E800] =	vst v63  }
0x82: {  	_ =	swait.ge [sflag:s15], $0x4000  }
0x83: {  	[sflag:s15] =	ssyncset.done $0x0  }
0x84: {  	s28 =	sadd.s32 $0x100, s26;
	[sflag:s15] =	ssyncadd.s32 $0xFFFFC000  }
0x85: {  	[tilespmem:s19], [sflag:$0x1] =	stream.indirect.gather [hbm4b:s4+s18], $0x80, s28, s18, $0xb8;
	[tilespmem:$0x1E800] =	vst v63  }
0x86: {  	_ =	swait.ge [sflag:s17], $0x4000  }
.Ltmp1:
0x87: {  	[sflag:s17] =	ssyncset.done $0x0;
	(pc) =	sbr.rel @p0 .LBB2_4-.Ltmp1, $4  }
0x88: {  	s26 =	sadd.s32 $0x1480, s26;
	[sflag:s17] =	ssyncadd.s32 $0xFFFFC000  }
0x89: {  	[spmem:s1] =	stream.indirect.scatter.add.f32 [tilespmem:s20], [sflag:$0x3], $0x80, s26, s18, $0xb8;
	[tilespmem:$0x1E800] =	vst v63  }
0x8a: {  	_ =	swait.ge [sflag:s15], $0x4000  }
0x8b: {  	s28 =	smov.u32 s31;
	s26 =	sshra.s32 s30, $0x2;
	[sflag:s15] =	ssyncset.done $0x0  }
0x8c: {  	s28 =	sadd.s32 $0x80, s26;
	[sflag:s15] =	ssyncadd.s32 $0xFFFFC000  }
0x8d: {  	[tilespmem:s20], [sflag:$0x2] =	stream.indirect.gather [hbm4b:s4+s18], $0x80, s28, s18, $0xb8;
	[tilespmem:$0x1E800] =	vst v63  }
0x8e: {  	_ =	swait.ge [sflag:s21], $0x4000  }
0x8f: {  	[sflag:s21] =	ssyncset.done $0x0  }
0x90: {  	s31 =	sadd.s32 $0x1400, s26;
	[sflag:s21] =	ssyncadd.s32 $0xFFFFC000  }
0x91: {  	[spmem:s1] =	stream.indirect.scatter.add.f32 [tilespmem:s19], [sflag:$0x3], $0x80, s31, s18, $0xb8;
	[tilespmem:$0x1E800] =	vst v63  }
0x92: {  	_ =	swait.ge [sflag:s15], $0x4000  }
0x93: {  	[sflag:s15] =	ssyncset.done $0x0  }
0x94: {  	s29 =	sadd.s32 $0x100, s26;
	[sflag:s15] =	ssyncadd.s32 $0xFFFFC000  }
0x95: {  	[tilespmem:s19], [sflag:$0x1] =	stream.indirect.gather [hbm4b:s4+s18], $0x80, s29, s18, $0xb8;
	[tilespmem:$0x1E800] =	vst v63  }
0x96: {  	_ =	swait.ge [sflag:s17], $0x4000  }
0x97: {  	[sflag:s17] =	ssyncset.done $0x0  }
0x98: {  	s30 =	sadd.s32 $0x1480, s26;
	[sflag:s17] =	ssyncadd.s32 $0xFFFFC000  }
0x99: {  	[spmem:s1] =	stream.indirect.scatter.add.f32 [tilespmem:s20], [sflag:$0x3], $0x80, s30, s18, $0xb8;
	[tilespmem:$0x1E800] =	vst v63  }
0x9a: {  	_ =	swait.ge [sflag:s15], $0x4000  }
0x9b: {  	[sflag:s15] =	ssyncset.done $0x0  }
0x9c: {  	[sflag:s15] =	ssyncadd.s32 $0xFFFFC000  }
0x9d: {  	[tilespmem:s20], [sflag:$0x2] =	stream.indirect.gather [hbm4b:s4+s18], $0x80, s22, s18, $0xb8;
	[tilespmem:$0x1E800] =	vst v63  }
0x9e: {  	_ =	swait.ge [sflag:s21], $0x4000  }
0x9f: {  	[sflag:s21] =	ssyncset.done $0x0  }
0xa0: {  	[sflag:s21] =	ssyncadd.s32 $0xFFFFC000  }
0xa1: {  	[spmem:s1] =	stream.indirect.scatter.add.f32 [tilespmem:s19], [sflag:$0x3], $0x80, s23, s18, $0xb8;
	[tilespmem:$0x1E800] =	vst v63  }
0xa2: {  	_ =	swait.ge [sflag:s15], $0x4000  }
0xa3: {  	[sflag:s15] =	ssyncset.done $0x0  }
0xa4: {  	[sflag:s15] =	ssyncadd.s32 $0xFFFFC000  }
0xa5: {  	_ =	swait.ge [sflag:s17], $0x4000  }
0xa6: {  	[sflag:s17] =	ssyncset.done $0x0  }
0xa7: {  	[sflag:s17] =	ssyncadd.s32 $0xFFFFC000  }
0xa8: {  	[spmem:s1] =	stream.indirect.scatter.add.f32 [tilespmem:s20], [sflag:$0x3], $0x80, s24, s18, $0xb8;
	[tilespmem:$0x1E800] =	vst v63  }
0xa9: {  	_ =	swait.ge [sflag:s15], $0x4000  }
0xaa: {  	s25 =	sadd.s32 $0x1, s25;
	[sflag:s15] =	ssyncset.done $0x0  }
0xab: {  	p0 =	sne.s32 s25, s13;
	[sflag:s15] =	ssyncadd.s32 $0xFFFFC000  }
.Ltmp2:
0xac: {  	s31 =	sor.u32 $0x1C03, s6;
	[bflag:$0x0] =	sbarrier.arrive $0xFFFF;
	(pc) =	sbr.rel @p0 .LBB2_1-.Ltmp2, $4  }
0xad: {  	[hbm:s12], [sflag:s31] =	dma.local [spmem:s14], $0x2800  }
0xae: {  	_ =	swait.ge [sflag:s15], $0x2800  }
0xaf: {  	[sflag:s15] =	ssyncset.done $0x0  }
0xb0: {  	[sflag:s15] =	ssyncadd.s32 $0xFFFFD800  }
0xb1: {  	_ =	sfence.sel $0x180000  }
0xb2: {  	[bflag:$0x0] =	sbarrier.arrive $0xFFFF  }
0xb3: {  	p0 =	sne.s32 s2, $0x0;
	_ =	strace $0x9000004A  }
0xb4: {  	s0 =	sadd.s32 @!p0 $0x100000, s0;
	[bflag:$0x2] =	sbarrier.arrive $0xFFFF  }
0xb5: {  	[sflag:s0] =	ssyncadd.tile.s32 @!p0 $0x1;
	_ =	shalt  }
.Lfunc_end2:
_tile_overlayer_lowered:
.L_overlay_start_2:
0xb6: {  	(tag) =	ssettag $0x2  }
0xb7: {  	s0 =	rddreg [dreg:$0x0];
	s2 =	stileid.u32  }
0xb8: {  	s1 =	rddreg [dreg:$0x1];
	p0 =	sne.s32 s2, $0x0  }
0xb9: {  	s3 =	rddreg [dreg:$0x2];
	[bflag:$0x3] =	sbarrier.arrive $0xFFFF;
	s2 =	simm.s32 @!p0 $0x1C03  }
0xba: {  	[timem:s3], [sflag:s2] =	dma.local @!p0 [hbm:s0], s1  }
0xbb: {  	s0 =	simm.s32 @!p0 $0x3  }
0xbc: {  	_ =	swait.ge @!p0 [sflag:s0], s1  }
0xbd: {  	s1 =	ssub.s32 @!p0 $0x0, s1;
	[sflag:s0] =	ssyncset.done @!p0 $0x0  }
0xbe: {  	[sflag:s0] =	ssyncadd.s32 @!p0 s1  }
0xbf: {  	[bflag:$0x3] =	sbarrier.arrive $0xFFFF  }
0xc0: {  	_ =	shalt  }

// kernel: kernel.16.cloned.1.call-start
scs
__scs_entry_jumppad:
0x0: {  	(pc) =	sbr.rel $0x88, $3  }
0x1: {  	(tag) =	ssettag $0x0;
	lr =	simm.s32 $0x1  }
0x2: {  	[smem:$0x3F94] =	sst lr;
	_ =	strace $0xD0000000  }
0x3: {  	_ = 	snop  }
0x4: {  	_ = 	snop  }
0x5: {  	_ = 	snop  }
0x6: {  	_ = 	snop  }
0x7: {  	_ = 	snop  }
__scs_overlays_trampoline_lowered:
0x8: {  	[smem:$0x3FA3] =	sst s0  }
0x9: {  	[smem:$0x3FA4] =	sst s1  }
0xa: {  	[smem:$0x3FA5] =	sst s2  }
0xb: {  	[smem:$0x3FA6] =	sst s3  }
0xc: {  	[smem:$0x3FA7] =	sst s4  }
0xd: {  	[smem:$0x3FA8] =	sst s5  }
0xe: {  	[smem:$0x3FA9] =	sst s6  }
0xf: {  	[smem:$0x3FAA] =	sst s7  }
0x10: {  	[smem:$0x3FAB] =	sst s8  }
0x11: {  	[smem:$0x3FAC] =	sst s9;
	s0 =	simm.s32 @!p0 $0x0  }
0x12: {  	s1 =	sld [smem:$0x3F92];
	s0 =	simm.s32 @p0 $0x1  }
0x13: {  	[smem:$0x3FAD] =	sst s0;
	s0 =	simm.s32 @!p1 $0x0  }
0x14: {  	s2 =	sld [smem:$0x3F91];
	s0 =	simm.s32 @p1 $0x1  }
0x15: {  	[smem:$0x3FAE] =	sst s0;
	s0 =	simm.s32 @!p2 $0x0  }
0x16: {  	s3 =	sld [smem:$0x3FDB];
	s0 =	simm.s32 @p2 $0x1  }
0x17: {  	s4 =	simm.s32 $0x1BF5;
	[smem:$0x3FB0] =	sst s0  }
0x18: {  	s0 =	sld [smem:$0x3F93];
	_ =	swait.ge [sflag:s4], $0x0  }
0x19: {  	s7 =	sld [smem:$0x3F94]  }
0x1a: {  	s8 =	sadd.s32 $0xFFFFE003, lr  }
0x1b: {  	s9 =	sadd.s32 $0xFFFFFEF7, lr;
	s5 =	simm.s32 $0xFFFFFFFF;
	p2 =	slt.u32 s8, $0xFFFFF086  }
0x1c: {  	p1 =	slt.u32 s9, $0xF7A;
	s5 =	simm.s32 @!p2 $0x0  }
0x1d: {  	s5 =	simm.s32 @p1 $0x1;
	p0 =	seq.s32 s7, s2  }
0x1e: {  	s7 =	smul.u32 @!p0 $0xF7A, s2;
	p2 =	seq.s32 @!p0 s5, $0x0  }
0x1f: {  	s9 =	smul.u32 $0xF7A, s1;
	s8 =	simm.s32 @!p0 $0x1BF5;
	p2 =	por !p2, p0  }
0x20: {  	[sflag:s8] =	ssyncset.s32 @!p0 $0xFFFFF086;
	s6 =	sadd.s32 @!p0 s3, s7;
	s7 =	simm.s32 @!p0 $0x108  }
0x21: {  	s3 =	sadd.s32 s3, s9;
	s6 =	sadd.s32 @!p0 $0x88, s6;
	s7 =	simm.s32 @p2 $0x1082  }
0x22: {  	[simem:s7], [sflag:s8] =	dma.local @!p0 [hbm:s6], $0xF7A  }
0x23: {  	s9 =	sor.u32 $0xD0000000, s2;
	s6 =	simm.s32 $0x108;
	_ =	swait.ge @!p0 [sflag:s8], $0x0  }
0x24: {  	s3 =	sadd.s32 $0x88, s3;
	s6 =	simm.s32 @!p1 $0x1082;
	[sflag:s4] =	ssyncset.s32 $0xFFFFF086  }
0x25: {  	[simem:s6], [sflag:s4] =	dma.local [hbm:s3], $0xF7A  }
0x26: {  	[smem:$0x3F94] =	sst s1;
	(tag) =	ssettag s2;
	_ =	strace s9  }
0x27: {  	s1 =	sld [smem:$0x3FA4]  }
0x28: {  	s2 =	sld [smem:$0x3FA5]  }
0x29: {  	s4 =	sld [smem:$0x3FA7]  }
0x2a: {  	p0 =	seq.s32 s5, $0x0;
	s5 =	sld [smem:$0x3FA8]  }
0x2b: {  	s6 =	sld [smem:$0x3FA9]  }
0x2c: {  	s7 =	sld [smem:$0x3FAA]  }
0x2d: {  	s3 =	simm.s32 $0x108;
	s8 =	sld [smem:$0x3FAB]  }
0x2e: {  	s3 =	simm.s32 @!p0 $0x1082;
	s9 =	sld [smem:$0x3FAC]  }
0x2f: {  	lr =	sadd.s32 s0, s3;
	s0 =	sld [smem:$0x3FA3]  }
0x30: {  	s3 =	sld [smem:$0x3FA6]  }
0x31: {  	[smem:$0x3FAF] =	sst s10  }
0x32: {  	s10 =	sld [smem:$0x3FAD];
	_ =	sdelay $0x3  }
0x33: {  	p0 =	seq.s32 s10, $0x1;
	s10 =	sld [smem:$0x3FAF];
	_ =	sdelay $0x3  }
0x34: {  	[smem:$0x3FAF] =	sst s10  }
0x35: {  	s10 =	sld [smem:$0x3FAE];
	_ =	sdelay $0x3  }
0x36: {  	p1 =	seq.s32 s10, $0x1;
	s10 =	sld [smem:$0x3FAF];
	_ =	sdelay $0x3  }
0x37: {  	[smem:$0x3FAF] =	sst s10  }
0x38: {  	s10 =	sld [smem:$0x3FB0]  }
0x39: {  	_ = 	snop;
	(pc) =	sbr.ind lr, $3  }
0x3a: {  	_ = 	snop  }
0x3b: {  	_ = 	snop  }
0x3c: {  	p2 =	seq.s32 s10, $0x1;
	s10 =	sld [smem:$0x3FAF]  }
0x3d: {  	_ =	shalt  }
0x3e: {  	_ =	shalt  }
0x3f: {  	_ =	shalt  }
0x40: {  	_ =	shalt  }
0x41: {  	_ =	shalt  }
0x42: {  	_ =	shalt  }
0x43: {  	_ =	shalt  }
0x44: {  	_ =	shalt  }
0x45: {  	_ =	shalt  }
0x46: {  	_ =	shalt  }
0x47: {  	_ =	shalt  }
0x48: {  	_ =	shalt  }
0x49: {  	_ =	shalt  }
0x4a: {  	_ =	shalt  }
0x4b: {  	_ =	shalt  }
0x4c: {  	_ =	shalt  }
0x4d: {  	_ =	shalt  }
0x4e: {  	_ =	shalt  }
0x4f: {  	_ =	shalt  }
0x50: {  	_ =	shalt  }
0x51: {  	_ =	shalt  }
0x52: {  	_ =	shalt  }
0x53: {  	_ =	shalt  }
0x54: {  	_ =	shalt  }
0x55: {  	_ =	shalt  }
0x56: {  	_ =	shalt  }
0x57: {  	_ =	shalt  }
0x58: {  	_ =	shalt  }
0x59: {  	_ =	shalt  }
0x5a: {  	_ =	shalt  }
0x5b: {  	_ =	shalt  }
0x5c: {  	_ =	shalt  }
0x5d: {  	_ =	shalt  }
0x5e: {  	_ =	shalt  }
0x5f: {  	_ =	shalt  }
0x60: {  	_ =	shalt  }
0x61: {  	_ =	shalt  }
0x62: {  	_ =	shalt  }
0x63: {  	_ =	shalt  }
0x64: {  	_ =	shalt  }
0x65: {  	_ =	shalt  }
0x66: {  	_ =	shalt  }
0x67: {  	_ =	shalt  }
0x68: {  	_ =	shalt  }
0x69: {  	_ =	shalt  }
0x6a: {  	_ =	shalt  }
0x6b: {  	_ =	shalt  }
0x6c: {  	_ =	shalt  }
0x6d: {  	_ =	shalt  }
0x6e: {  	_ =	shalt  }
0x6f: {  	_ =	shalt  }
0x70: {  	_ =	shalt  }
0x71: {  	_ =	shalt  }
0x72: {  	_ =	shalt  }
0x73: {  	_ =	shalt  }
0x74: {  	_ =	shalt  }
0x75: {  	_ =	shalt  }
0x76: {  	_ =	shalt  }
0x77: {  	_ =	shalt  }
0x78: {  	_ =	shalt  }
0x79: {  	_ =	shalt  }
0x7a: {  	_ =	shalt  }
0x7b: {  	_ =	shalt  }
0x7c: {  	_ =	shalt  }
0x7d: {  	_ =	shalt  }
0x7e: {  	_ =	shalt  }
0x7f: {  	_ =	shalt  }
0x80: {  	_ =	shalt  }
0x81: {  	_ =	shalt  }
0x82: {  	_ =	shalt  }
0x83: {  	_ =	shalt  }
0x84: {  	_ =	shalt  }
0x85: {  	_ =	shalt  }
0x86: {  	_ =	shalt  }
0x87: {  	_ =	shalt  }
.Lfunc_end0:
.L_simem_size_0:
called_computation.2_lowered:
.L_overlay_start_0:
0x88: {  	s2 =	sld [smem:$0x3FD9]  }
0x89: {  	s3 =	sld [smem:$0x3FFE];
	_ =	sdelay $0x1  }
0x8a: {  	s1 =	srdreg.scid  }
0x8b: {  	s0 =	sand.u32 $0x1, s1  }
0x8c: {  	s16 =	sshll.u32 s0, $0xA;
	s2 =	sadd.s32 s3, s2  }
0x8d: {  	s2 =	sadd.s32 s2, s16  }
0x8e: {  	[smem:$0x3FBB] =	sst s2  }
0x8f: {  	_ = 	snop  }
0x90: {  	(tm) =	ssettm $0x1  }
0x91: {  	s17 =	sld [smem:$0x3FFB];
	_ =	sdelay $0x3  }
0x92: {  	_ =	strace s17  }
0x93: {  	s2 =	sld [smem:$0x3FFC];
	_ =	sdelay $0x3  }
0x94: {  	_ =	strace s2  }
0x95: {  	s2 =	sld [smem:$0x3FFD];
	_ =	sdelay $0x3  }
0x96: {  	_ =	strace s2  }
0x97: {  	_ =	strace $0x8FFFFFFF  }
0x98: {  	s18 =	sld [smem:$0x3FDB];
	_ =	sdelay $0x1  }
0x99: {  	s19 =	simm.s32 $_scs_section_size  }
0x9a: {  	s4 =	simm.s32 $_size__tile_overlayer_lowered;
	s5 =	simm.s32 $_tile_overlayer_lowered  }
0x9b: {  	s22 =	simm.s32 $0x1BFF;
	s21 =	sshll.u32 s5, $0x1;
	s2 =	sadd.s32 s19, s18  }
0x9c: {  	s6 =	simm.s32 $0x0;
	s20 =	sshll.u32 s4, $0x1;
	s4 =	sadd.s32 s21, s2  }
0x9d: {  	[timem:s6], [sflag:s22] =	dma.local [hbm:s4], s20  }
0x9e: {  	_ =	swait.ge [sflag:s22], s20  }
0x9f: {  	s3 =	ssub.s32 $0x0, s20;
	[sflag:s22] =	ssyncset.done $0x0  }
0xa0: {  	[sflag:s22] =	ssyncadd.s32 s3;
	_ =	sdelay $0x1  }
0xa1: {  	s23 =	simm.s32 $0x1B8B  }
0xa2: {  	_ =	swait.ge [sflag:s23], $0x1  }
0xa3: {  	[sflag:s23] =	ssyncset.done $0x0  }
0xa4: {  	s25 =	simm.s32 $0x1B8E;
	s24 =	sld [smem:$0x3FFE];
	[sflag:s23] =	ssyncadd.s32 $0xFFFFFFFF  }
0xa5: {  	s26 =	simm.s32 $execute0_lowered;
	[smem:$0x3FD2] =	sst s25  }
0xa6: {  	s4 =	sshll.u32 s26, $0x1;
	_ =	strace $0x8000004C;
	[dreg:$0x1] =	wrdreg $0xFFFFFFFF  }
0xa7: {  	s28 =	simm.s32 $_size_execute0_lowered;
	s2 =	sadd.s32 s2, s4;
	[dreg:$0x0] =	wrdreg $0x0  }
0xa8: {  	s4 =	sshll.u32 s28, $0x1;
	[dreg:$0x2] =	wrdreg s2  }
0xa9: {  	[dreg:$0x3] =	wrdreg s4  }
0xaa: {  	[dreg:$0x4] =	wrdreg $0xC0  }
0xab: {  	_ =	task [dreg:s6], $0x5FFFF  }
0xac: {  	[dreg:$0x1] =	wrdreg $0xFFFFFFFF  }
0xad: {  	[dreg:$0x0] =	wrdreg $0x60  }
0xae: {  	[dreg:$0x2] =	wrdreg s24  }
0xaf: {  	[dreg:$0x3] =	wrdreg $0xA8000  }
0xb0: {  	[dreg:$0x4] =	wrdreg $0x9  }
0xb1: {  	_ =	task.clear_ibuf [dreg:s6], $0x5FFFF;
	_ =	strace $0x9000004C  }
0xb2: {  	s29 =	simm.s32 $0x9;
	_ =	strace $0x8000004E  }
0xb3: {  	_ =	swait.ge [sflag:s29], $0x1  }
0xb4: {  	[sflag:s29] =	ssyncadd.s32 $0xFFFFFFFF  }
0xb5: {  	_ =	strace $0x9000004E  }
0xb6: {  	_ =	sfence  }
0xb7: {  	s30 =	sld [smem:$0x0];
	_ =	sdelay $0x2  }
0xb8: {  	s31 =	sshll.u32 s1, $0xD;
	s1 =	sshrl.u32 s1, $0x2  }
0xb9: {  	s3 =	sand.u32 $0x4000, s31;
	s1 =	sadd.s32 s1, s30  }
0xba: {  	s0 =	sor.u32 s3, s0;
	s1 =	sshll.u32 s1, $0x11  }
0xbb: {  	s0 =	sor.u32 s1, s0  }
0xbc: {  	s0 =	sadd.s32 $0x8F2B, s0  }
0xbd: {  	[sflag:s0] =	ssyncadd.remote.s32 $0x1  }
0xbe: {  	_ =	sfence.sel $0xFFFF  }
0xbf: {  	[dreg:$0x0] =	wrdreg $0xFFFFFFFF;
	(pc) =	sbr.abs _section_cstart, $3  }
0xc0: {  	[dreg:$0x1] =	wrdreg $0xFFFFFFFF  }
0xc1: {  	_ =	task.clear_ibuf [dreg:s6], $0x2FFFF;
	_ =	strace $0x9FFFFFFF  }
0xc2: {  	(tm) =	ssettm $0x7FFFFFFF  }
0xc3: {  	_ =	shalt  }
tec
execute0_lowered:
.L_overlay_start_1:
0x0: {  	(tag) =	ssettag $0x1  }
0x1: {  	s6 =	rddreg [dreg:$0x0]  }
0x2: {  	s1 =	rddreg [dreg:$0x1]  }
0x3: {  	s0 =	rddreg [dreg:$0x2];
	s3 =	simm.s32 $0x0;
	s2 =	srdreg.scid  }
0x4: {  	s16 =	simm.s32 $0x1400;
	s17 =	simm.s32 $0x2;
	s18 =	simm.s32 $0x80  }
0x5: {  	s19 =	simm.s32 $0x2800;
	s20 =	simm.s32 $0x6800;
	s21 =	simm.s32 $0x1  }
0x6: {  	s22 =	simm.s32 $0x1380;
	s23 =	simm.s32 $0x2700;
	s24 =	simm.s32 $0x2780  }
0x7: {  	s25 =	simm.s32 $0x0;
	[smem:$0x7FF] =	sst s3;
	s7 =	sand.u32 $0x1, s2  }
0x8: {  	s2 =	stileid.u32;
	s4 =	sadd.s32 $0x17E00, s6;
	s10 =	sadd.s32 $0xDE00, s6  }
0x9: {  	s11 =	sadd.s32 $0x3E00, s6;
	s5 =	sadd.s32 $0x3F000, s6;
	s8 =	smul.u32 $0x140000, s7  }
0xa: {  	s9 =	smul.u32 $0x14000, s2;
	s26 =	sshll.u32 s7, $0x4;
	s7 =	ssub.s32 $0x2, s7  }
0xb: {  	_ =	strace $0x8000004D;
	s12 =	smul.u32 $0x50000, s2;
	s13 =	sshrl.u32 s7, $0x1  }
0xc: {  	s8 =	sadd.s32 s9, s8;
	s9 =	sor.u32 s2, s26;
	s13 =	ssub.s32 s7, s13  }
0xd: {  	s28 =	sshrl.u32 s12, $0x2;
	s8 =	sshrl.u32 s8, $0x3;
	s14 =	smul.u32 $0x2800, s9  }
0xe: {  	s9 =	smul.u32 $0x500, s9;
	s30 =	sadd.s32 s28, s1;
	s13 =	smax.u32 s13, $0x1  }
0xf: {  	s15 =	sadd.s32 s8, s6;
	s6 =	sshll.u32 s2, $0x6;
	s29 =	sshrl.u32 s14, $0x3  }
0x10: {  	s7 =	sor.u32 $0x1C02, s6;
	s8 =	sadd.s32 s10, s9;
	s9 =	sadd.s32 s11, s9  }
0x11: {  	s12 =	sadd.s32 $0x41800, s15;
	s14 =	sshrl.u32 s30, $0x3;
	s31 =	sadd.s32 $0x280, s29  }
0x12: {  	s15 =	simm.s32 $0x3;
	s10 =	sadd.s32 s10, s31;
	s11 =	sadd.s32 s11, s31  }
.LBB2_1:
0x13: {  	[spmem:s14], [sflag:s7] =	dma.local [hbm:s5], $0x2800  }
0x14: {  	[tilespmem:s3], [sflag:$0x3] =	stream.linear.gather [hbm4b:s8+s3], $0x1400, $0x38;
	[tilespmem:$0x1E800] =	vst v63  }
0x15: {  	_ =	swait.ge [sflag:s15], $0x1400  }
0x16: {  	[sflag:s15] =	ssyncset.done $0x0  }
0x17: {  	[sflag:s15] =	ssyncadd.s32 $0xFFFFEC00  }
0x18: {  	[tilespmem:s16], [sflag:$0x3] =	stream.linear.gather [hbm4b:s9+s3], $0x1400, $0x38;
	[tilespmem:$0x1E800] =	vst v63  }
0x19: {  	_ =	swait.ge [sflag:s15], $0x1400  }
0x1a: {  	[sflag:s15] =	ssyncset.done $0x0  }
0x1b: {  	[sflag:s15] =	ssyncadd.s32 $0xFFFFEC00  }
0x1c: {  	_ =	swait.ge [sflag:s17], $0x2800  }
0x1d: {  	[sflag:s17] =	ssyncset.done $0x0  }
0x1e: {  	[sflag:s17] =	ssyncadd.s32 $0xFFFFD800  }
0x1f: {  	[bflag:$0x0] =	sbarrier.arrive $0xFFFF  }
0x20: {  	[tilespmem:s19], [sflag:$0x1] =	stream.indirect.gather [hbm4b:s4+s18], $0x80, s3, s18, $0xb8;
	[tilespmem:$0x1E800] =	vst v63  }
0x21: {  	s26 =	simm.s32 $0x80  }
0x22: {  	[tilespmem:s20], [sflag:$0x2] =	stream.indirect.gather [hbm4b:s4+s18], $0x80, s26, s18, $0xb8;
	[tilespmem:$0x1E800] =	vst v63  }
0x23: {  	_ =	swait.ge [sflag:s21], $0x4000  }
0x24: {  	[sflag:s21] =	ssyncset.done $0x0  }
0x25: {  	s29 =	simm.s32 $0x1400;
	[sflag:s21] =	ssyncadd.s32 $0xFFFFC000  }
0x26: {  	[spmem:s1] =	stream.indirect.scatter.add.f32 [tilespmem:s19], [sflag:$0x3], $0x80, s29, s18, $0xb8;
	[tilespmem:$0x1E800] =	vst v63  }
0x27: {  	_ =	swait.ge [sflag:s15], $0x4000  }
0x28: {  	[sflag:s15] =	ssyncset.done $0x0  }
0x29: {  	s30 =	simm.s32 $0x100;
	[sflag:s15] =	ssyncadd.s32 $0xFFFFC000  }
0x2a: {  	[tilespmem:s19], [sflag:$0x1] =	stream.indirect.gather [hbm4b:s4+s18], $0x80, s30, s18, $0xb8;
	[tilespmem:$0x1E800] =	vst v63  }
0x2b: {  	_ =	swait.ge [sflag:s17], $0x4000  }
0x2c: {  	[sflag:s17] =	ssyncset.done $0x0  }
0x2d: {  	s31 =	simm.s32 $0x1480;
	[sflag:s17] =	ssyncadd.s32 $0xFFFFC000  }
0x2e: {  	[spmem:s1] =	stream.indirect.scatter.add.f32 [tilespmem:s20], [sflag:$0x3], $0x80, s31, s18, $0xb8;
	[tilespmem:$0x1E800] =	vst v63  }
0x2f: {  	_ =	swait.ge [sflag:s15], $0x4000  }
0x30: {  	s28 =	simm.s32 $0x800;
	s26 =	simm.s32 $0x100;
	[sflag:s15] =	ssyncset.done $0x0  }
.LBB2_2:
0x31: {  	s29 =	sadd.s32 $0x80, s26  }
0x32: {  	[sflag:s15] =	ssyncadd.s32 $0xFFFFC000;
	s30 =	smov.u32 s28;
	s31 =	sadd.s32 $0x400, s28  }
0x33: {  	[tilespmem:s20], [sflag:$0x2] =	stream.indirect.gather [hbm4b:s4+s18], $0x80, s29, s18, $0xb8;
	[tilespmem:$0x1E800] =	vst v63  }
0x34: {  	p0 =	sne.s32 s28, $0x4800;
	_ =	swait.ge [sflag:s21], $0x4000  }
0x35: {  	[sflag:s21] =	ssyncset.done $0x0  }
0x36: {  	s28 =	sadd.s32 $0x1400, s26;
	[sflag:s21] =	ssyncadd.s32 $0xFFFFC000  }
0x37: {  	[spmem:s1] =	stream.indirect.scatter.add.f32 [tilespmem:s19], [sflag:$0x3], $0x80, s28, s18, $0xb8;
	[tilespmem:$0x1E800] =	vst v63  }
0x38: {  	_ =	swait.ge [sflag:s15], $0x4000  }
0x39: {  	[sflag:s15] =	ssyncset.done $0x0  }
0x3a: {  	s28 =	sadd.s32 $0x100, s26;
	[sflag:s15] =	ssyncadd.s32 $0xFFFFC000  }
0x3b: {  	[tilespmem:s19], [sflag:$0x1] =	stream.indirect.gather [hbm4b:s4+s18], $0x80, s28, s18, $0xb8;
	[tilespmem:$0x1E800] =	vst v63  }
0x3c: {  	_ =	swait.ge [sflag:s17], $0x4000  }
.Ltmp0:
0x3d: {  	[sflag:s17] =	ssyncset.done $0x0;
	(pc) =	sbr.rel @p0 .LBB2_2-.Ltmp0, $4  }
0x3e: {  	s26 =	sadd.s32 $0x1480, s26;
	[sflag:s17] =	ssyncadd.s32 $0xFFFFC000  }
0x3f: {  	[spmem:s1] =	stream.indirect.scatter.add.f32 [tilespmem:s20], [sflag:$0x3], $0x80, s26, s18, $0xb8;
	[tilespmem:$0x1E800] =	vst v63  }
0x40: {  	_ =	swait.ge [sflag:s15], $0x4000  }
0x41: {  	s28 =	smov.u32 s31;
	s26 =	sshra.s32 s30, $0x2;
	[sflag:s15] =	ssyncset.done $0x0  }
0x42: {  	s28 =	sadd.s32 $0x80, s26;
	[sflag:s15] =	ssyncadd.s32 $0xFFFFC000  }
0x43: {  	[tilespmem:s20], [sflag:$0x2] =	stream.indirect.gather [hbm4b:s4+s18], $0x80, s28, s18, $0xb8;
	[tilespmem:$0x1E800] =	vst v63  }
0x44: {  	_ =	swait.ge [sflag:s21], $0x4000  }
0x45: {  	[sflag:s21] =	ssyncset.done $0x0  }
0x46: {  	s28 =	sadd.s32 $0x1400, s26;
	[sflag:s21] =	ssyncadd.s32 $0xFFFFC000  }
0x47: {  	[spmem:s1] =	stream.indirect.scatter.add.f32 [tilespmem:s19], [sflag:$0x3], $0x80, s28, s18, $0xb8;
	[tilespmem:$0x1E800] =	vst v63  }
0x48: {  	_ =	swait.ge [sflag:s15], $0x4000  }
0x49: {  	[sflag:s15] =	ssyncset.done $0x0  }
0x4a: {  	s28 =	sadd.s32 $0x100, s26;
	[sflag:s15] =	ssyncadd.s32 $0xFFFFC000  }
0x4b: {  	[tilespmem:s19], [sflag:$0x1] =	stream.indirect.gather [hbm4b:s4+s18], $0x80, s28, s18, $0xb8;
	[tilespmem:$0x1E800] =	vst v63  }
0x4c: {  	_ =	swait.ge [sflag:s17], $0x4000  }
0x4d: {  	[sflag:s17] =	ssyncset.done $0x0  }
0x4e: {  	s29 =	sadd.s32 $0x1480, s26;
	[sflag:s17] =	ssyncadd.s32 $0xFFFFC000  }
0x4f: {  	[spmem:s1] =	stream.indirect.scatter.add.f32 [tilespmem:s20], [sflag:$0x3], $0x80, s29, s18, $0xb8;
	[tilespmem:$0x1E800] =	vst v63  }
0x50: {  	_ =	swait.ge [sflag:s15], $0x4000  }
0x51: {  	[sflag:s15] =	ssyncset.done $0x0  }
0x52: {  	[sflag:s15] =	ssyncadd.s32 $0xFFFFC000  }
0x53: {  	[tilespmem:s20], [sflag:$0x2] =	stream.indirect.gather [hbm4b:s4+s18], $0x80, s22, s18, $0xb8;
	[tilespmem:$0x1E800] =	vst v63  }
0x54: {  	_ =	swait.ge [sflag:s21], $0x4000  }
0x55: {  	[sflag:s21] =	ssyncset.done $0x0  }
0x56: {  	[sflag:s21] =	ssyncadd.s32 $0xFFFFC000  }
0x57: {  	[spmem:s1] =	stream.indirect.scatter.add.f32 [tilespmem:s19], [sflag:$0x3], $0x80, s23, s18, $0xb8;
	[tilespmem:$0x1E800] =	vst v63  }
0x58: {  	_ =	swait.ge [sflag:s15], $0x4000  }
0x59: {  	[sflag:s15] =	ssyncset.done $0x0  }
0x5a: {  	[sflag:s15] =	ssyncadd.s32 $0xFFFFC000  }
0x5b: {  	_ =	swait.ge [sflag:s17], $0x4000  }
0x5c: {  	[sflag:s17] =	ssyncset.done $0x0  }
0x5d: {  	[sflag:s17] =	ssyncadd.s32 $0xFFFFC000  }
0x5e: {  	[spmem:s1] =	stream.indirect.scatter.add.f32 [tilespmem:s20], [sflag:$0x3], $0x80, s24, s18, $0xb8;
	[tilespmem:$0x1E800] =	vst v63  }
0x5f: {  	_ =	swait.ge [sflag:s15], $0x4000  }
0x60: {  	[sflag:s15] =	ssyncset.done $0x0  }
0x61: {  	s30 =	simm.s32 $0x0;
	[sflag:s15] =	ssyncadd.s32 $0xFFFFC000  }
0x62: {  	[tilespmem:s30], [sflag:$0x3] =	stream.linear.gather [hbm4b:s10+s30], $0x1400, $0x38;
	[tilespmem:$0x1E800] =	vst v63  }
0x63: {  	_ =	swait.ge [sflag:s15], $0x1400  }
0x64: {  	[sflag:s15] =	ssyncset.done $0x0  }
0x65: {  	[sflag:s15] =	ssyncadd.s32 $0xFFFFEC00  }
0x66: {  	[tilespmem:s16], [sflag:$0x3] =	stream.linear.gather [hbm4b:s11+s30], $0x1400, $0x38;
	[tilespmem:$0x1E800] =	vst v63  }
0x67: {  	_ =	swait.ge [sflag:s15], $0x1400  }
0x68: {  	[sflag:s15] =	ssyncset.done $0x0  }
0x69: {  	[sflag:s15] =	ssyncadd.s32 $0xFFFFEC00  }
0x6a: {  	[tilespmem:s19], [sflag:$0x1] =	stream.indirect.gather [hbm4b:s4+s18], $0x80, s30, s18, $0xb8;
	[tilespmem:$0x1E800] =	vst v63  }
0x6b: {  	s31 =	simm.s32 $0x80  }
0x6c: {  	[tilespmem:s20], [sflag:$0x2] =	stream.indirect.gather [hbm4b:s4+s18], $0x80, s31, s18, $0xb8;
	[tilespmem:$0x1E800] =	vst v63  }
0x6d: {  	_ =	swait.ge [sflag:s21], $0x4000  }
0x6e: {  	[sflag:s21] =	ssyncset.done $0x0  }
0x6f: {  	s29 =	simm.s32 $0x1400;
	[sflag:s21] =	ssyncadd.s32 $0xFFFFC000  }
0x70: {  	[spmem:s1] =	stream.indirect.scatter.add.f32 [tilespmem:s19], [sflag:$0x3], $0x80, s29, s18, $0xb8;
	[tilespmem:$0x1E800] =	vst v63  }
0x71: {  	_ =	swait.ge [sflag:s15], $0x4000  }
0x72: {  	[sflag:s15] =	ssyncset.done $0x0  }
0x73: {  	s30 =	simm.s32 $0x100;
	[sflag:s15] =	ssyncadd.s32 $0xFFFFC000  }
0x74: {  	[tilespmem:s19], [sflag:$0x1] =	stream.indirect.gather [hbm4b:s4+s18], $0x80, s30, s18, $0xb8;
	[tilespmem:$0x1E800] =	vst v63  }
0x75: {  	_ =	swait.ge [sflag:s17], $0x4000  }
0x76: {  	[sflag:s17] =	ssyncset.done $0x0  }
0x77: {  	s31 =	simm.s32 $0x1480;
	[sflag:s17] =	ssyncadd.s32 $0xFFFFC000  }
0x78: {  	[spmem:s1] =	stream.indirect.scatter.add.f32 [tilespmem:s20], [sflag:$0x3], $0x80, s31, s18, $0xb8;
	[tilespmem:$0x1E800] =	vst v63  }
0x79: {  	_ =	swait.ge [sflag:s15], $0x4000  }
0x7a: {  	s26 =	simm.s32 $0x100;
	s28 =	simm.s32 $0x800;
	[sflag:s15] =	ssyncset.done $0x0  }
.LBB2_4:
0x7b: {  	s29 =	sadd.s32 $0x80, s26  }
0x7c: {  	[sflag:s15] =	ssyncadd.s32 $0xFFFFC000;
	s30 =	smov.u32 s28;
	s31 =	sadd.s32 $0x400, s28  }
0x7d: {  	[tilespmem:s20], [sflag:$0x2] =	stream.indirect.gather [hbm4b:s4+s18], $0x80, s29, s18, $0xb8;
	[tilespmem:$0x1E800] =	vst v63  }
0x7e: {  	p0 =	sne.s32 s28, $0x4800;
	_ =	swait.ge [sflag:s21], $0x4000  }
0x7f: {  	[sflag:s21] =	ssyncset.done $0x0  }
0x80: {  	s28 =	sadd.s32 $0x1400, s26;
	[sflag:s21] =	ssyncadd.s32 $0xFFFFC000  }
0x81: {  	[spmem:s1] =	stream.indirect.scatter.add.f32 [tilespmem:s19], [sflag:$0x3], $0x80, s28, s18, $0xb8;
	[tilespmem:$0x1E800] =	vst v63  }
0x82: {  	_ =	swait.ge [sflag:s15], $0x4000  }
0x83: {  	[sflag:s15] =	ssyncset.done $0x0  }
0x84: {  	s28 =	sadd.s32 $0x100, s26;
	[sflag:s15] =	ssyncadd.s32 $0xFFFFC000  }
0x85: {  	[tilespmem:s19], [sflag:$0x1] =	stream.indirect.gather [hbm4b:s4+s18], $0x80, s28, s18, $0xb8;
	[tilespmem:$0x1E800] =	vst v63  }
0x86: {  	_ =	swait.ge [sflag:s17], $0x4000  }
.Ltmp1:
0x87: {  	[sflag:s17] =	ssyncset.done $0x0;
	(pc) =	sbr.rel @p0 .LBB2_4-.Ltmp1, $4  }
0x88: {  	s26 =	sadd.s32 $0x1480, s26;
	[sflag:s17] =	ssyncadd.s32 $0xFFFFC000  }
0x89: {  	[spmem:s1] =	stream.indirect.scatter.add.f32 [tilespmem:s20], [sflag:$0x3], $0x80, s26, s18, $0xb8;
	[tilespmem:$0x1E800] =	vst v63  }
0x8a: {  	_ =	swait.ge [sflag:s15], $0x4000  }
0x8b: {  	s28 =	smov.u32 s31;
	s26 =	sshra.s32 s30, $0x2;
	[sflag:s15] =	ssyncset.done $0x0  }
0x8c: {  	s28 =	sadd.s32 $0x80, s26;
	[sflag:s15] =	ssyncadd.s32 $0xFFFFC000  }
0x8d: {  	[tilespmem:s20], [sflag:$0x2] =	stream.indirect.gather [hbm4b:s4+s18], $0x80, s28, s18, $0xb8;
	[tilespmem:$0x1E800] =	vst v63  }
0x8e: {  	_ =	swait.ge [sflag:s21], $0x4000  }
0x8f: {  	[sflag:s21] =	ssyncset.done $0x0  }
0x90: {  	s31 =	sadd.s32 $0x1400, s26;
	[sflag:s21] =	ssyncadd.s32 $0xFFFFC000  }
0x91: {  	[spmem:s1] =	stream.indirect.scatter.add.f32 [tilespmem:s19], [sflag:$0x3], $0x80, s31, s18, $0xb8;
	[tilespmem:$0x1E800] =	vst v63  }
0x92: {  	_ =	swait.ge [sflag:s15], $0x4000  }
0x93: {  	[sflag:s15] =	ssyncset.done $0x0  }
0x94: {  	s29 =	sadd.s32 $0x100, s26;
	[sflag:s15] =	ssyncadd.s32 $0xFFFFC000  }
0x95: {  	[tilespmem:s19], [sflag:$0x1] =	stream.indirect.gather [hbm4b:s4+s18], $0x80, s29, s18, $0xb8;
	[tilespmem:$0x1E800] =	vst v63  }
0x96: {  	_ =	swait.ge [sflag:s17], $0x4000  }
0x97: {  	[sflag:s17] =	ssyncset.done $0x0  }
0x98: {  	s30 =	sadd.s32 $0x1480, s26;
	[sflag:s17] =	ssyncadd.s32 $0xFFFFC000  }
0x99: {  	[spmem:s1] =	stream.indirect.scatter.add.f32 [tilespmem:s20], [sflag:$0x3], $0x80, s30, s18, $0xb8;
	[tilespmem:$0x1E800] =	vst v63  }
0x9a: {  	_ =	swait.ge [sflag:s15], $0x4000  }
0x9b: {  	[sflag:s15] =	ssyncset.done $0x0  }
0x9c: {  	[sflag:s15] =	ssyncadd.s32 $0xFFFFC000  }
0x9d: {  	[tilespmem:s20], [sflag:$0x2] =	stream.indirect.gather [hbm4b:s4+s18], $0x80, s22, s18, $0xb8;
	[tilespmem:$0x1E800] =	vst v63  }
0x9e: {  	_ =	swait.ge [sflag:s21], $0x4000  }
0x9f: {  	[sflag:s21] =	ssyncset.done $0x0  }
0xa0: {  	[sflag:s21] =	ssyncadd.s32 $0xFFFFC000  }
0xa1: {  	[spmem:s1] =	stream.indirect.scatter.add.f32 [tilespmem:s19], [sflag:$0x3], $0x80, s23, s18, $0xb8;
	[tilespmem:$0x1E800] =	vst v63  }
0xa2: {  	_ =	swait.ge [sflag:s15], $0x4000  }
0xa3: {  	[sflag:s15] =	ssyncset.done $0x0  }
0xa4: {  	[sflag:s15] =	ssyncadd.s32 $0xFFFFC000  }
0xa5: {  	_ =	swait.ge [sflag:s17], $0x4000  }
0xa6: {  	[sflag:s17] =	ssyncset.done $0x0  }
0xa7: {  	[sflag:s17] =	ssyncadd.s32 $0xFFFFC000  }
0xa8: {  	[spmem:s1] =	stream.indirect.scatter.add.f32 [tilespmem:s20], [sflag:$0x3], $0x80, s24, s18, $0xb8;
	[tilespmem:$0x1E800] =	vst v63  }
0xa9: {  	_ =	swait.ge [sflag:s15], $0x4000  }
0xaa: {  	s25 =	sadd.s32 $0x1, s25;
	[sflag:s15] =	ssyncset.done $0x0  }
0xab: {  	p0 =	sne.s32 s25, s13;
	[sflag:s15] =	ssyncadd.s32 $0xFFFFC000  }
.Ltmp2:
0xac: {  	s31 =	sor.u32 $0x1C03, s6;
	[bflag:$0x0] =	sbarrier.arrive $0xFFFF;
	(pc) =	sbr.rel @p0 .LBB2_1-.Ltmp2, $4  }
0xad: {  	[hbm:s12], [sflag:s31] =	dma.local [spmem:s14], $0x2800  }
0xae: {  	_ =	swait.ge [sflag:s15], $0x2800  }
0xaf: {  	[sflag:s15] =	ssyncset.done $0x0  }
0xb0: {  	[sflag:s15] =	ssyncadd.s32 $0xFFFFD800  }
0xb1: {  	_ =	sfence.sel $0x180000  }
0xb2: {  	[bflag:$0x0] =	sbarrier.arrive $0xFFFF  }
0xb3: {  	p0 =	sne.s32 s2, $0x0;
	_ =	strace $0x9000004D  }
0xb4: {  	s0 =	sadd.s32 @!p0 $0x100000, s0;
	[bflag:$0x2] =	sbarrier.arrive $0xFFFF  }
0xb5: {  	[sflag:s0] =	ssyncadd.tile.s32 @!p0 $0x1;
	_ =	shalt  }
.Lfunc_end2:
_tile_overlayer_lowered:
.L_overlay_start_2:
0xb6: {  	(tag) =	ssettag $0x2  }
0xb7: {  	s0 =	rddreg [dreg:$0x0];
	s2 =	stileid.u32  }
0xb8: {  	s1 =	rddreg [dreg:$0x1];
	p0 =	sne.s32 s2, $0x0  }
0xb9: {  	s3 =	rddreg [dreg:$0x2];
	[bflag:$0x3] =	sbarrier.arrive $0xFFFF;
	s2 =	simm.s32 @!p0 $0x1C03  }
0xba: {  	[timem:s3], [sflag:s2] =	dma.local @!p0 [hbm:s0], s1  }
0xbb: {  	s0 =	simm.s32 @!p0 $0x3  }
0xbc: {  	_ =	swait.ge @!p0 [sflag:s0], s1  }
0xbd: {  	s1 =	ssub.s32 @!p0 $0x0, s1;
	[sflag:s0] =	ssyncset.done @!p0 $0x0  }
0xbe: {  	[sflag:s0] =	ssyncadd.s32 @!p0 s1  }
0xbf: {  	[bflag:$0x3] =	sbarrier.arrive $0xFFFF  }
0xc0: {  	_ =	shalt  }

// kernel: kernel.19.cloned.1.call-start
scs
__scs_entry_jumppad:
0x0: {  	(pc) =	sbr.rel $0x88, $3  }
0x1: {  	(tag) =	ssettag $0x0;
	lr =	simm.s32 $0x1  }
0x2: {  	[smem:$0x3F94] =	sst lr;
	_ =	strace $0xD0000000  }
0x3: {  	_ = 	snop  }
0x4: {  	_ = 	snop  }
0x5: {  	_ = 	snop  }
0x6: {  	_ = 	snop  }
0x7: {  	_ = 	snop  }
__scs_overlays_trampoline_lowered:
0x8: {  	[smem:$0x3FA3] =	sst s0  }
0x9: {  	[smem:$0x3FA4] =	sst s1  }
0xa: {  	[smem:$0x3FA5] =	sst s2  }
0xb: {  	[smem:$0x3FA6] =	sst s3  }
0xc: {  	[smem:$0x3FA7] =	sst s4  }
0xd: {  	[smem:$0x3FA8] =	sst s5  }
0xe: {  	[smem:$0x3FA9] =	sst s6  }
0xf: {  	[smem:$0x3FAA] =	sst s7  }
0x10: {  	[smem:$0x3FAB] =	sst s8  }
0x11: {  	[smem:$0x3FAC] =	sst s9;
	s0 =	simm.s32 @!p0 $0x0  }
0x12: {  	s1 =	sld [smem:$0x3F92];
	s0 =	simm.s32 @p0 $0x1  }
0x13: {  	[smem:$0x3FAD] =	sst s0;
	s0 =	simm.s32 @!p1 $0x0  }
0x14: {  	s2 =	sld [smem:$0x3F91];
	s0 =	simm.s32 @p1 $0x1  }
0x15: {  	[smem:$0x3FAE] =	sst s0;
	s0 =	simm.s32 @!p2 $0x0  }
0x16: {  	s3 =	sld [smem:$0x3FDB];
	s0 =	simm.s32 @p2 $0x1  }
0x17: {  	s4 =	simm.s32 $0x1BF5;
	[smem:$0x3FB0] =	sst s0  }
0x18: {  	s0 =	sld [smem:$0x3F93];
	_ =	swait.ge [sflag:s4], $0x0  }
0x19: {  	s7 =	sld [smem:$0x3F94]  }
0x1a: {  	s8 =	sadd.s32 $0xFFFFE003, lr  }
0x1b: {  	s9 =	sadd.s32 $0xFFFFFEF7, lr;
	s5 =	simm.s32 $0xFFFFFFFF;
	p2 =	slt.u32 s8, $0xFFFFF086  }
0x1c: {  	p1 =	slt.u32 s9, $0xF7A;
	s5 =	simm.s32 @!p2 $0x0  }
0x1d: {  	s5 =	simm.s32 @p1 $0x1;
	p0 =	seq.s32 s7, s2  }
0x1e: {  	s7 =	smul.u32 @!p0 $0xF7A, s2;
	p2 =	seq.s32 @!p0 s5, $0x0  }
0x1f: {  	s9 =	smul.u32 $0xF7A, s1;
	s8 =	simm.s32 @!p0 $0x1BF5;
	p2 =	por !p2, p0  }
0x20: {  	[sflag:s8] =	ssyncset.s32 @!p0 $0xFFFFF086;
	s6 =	sadd.s32 @!p0 s3, s7;
	s7 =	simm.s32 @!p0 $0x108  }
0x21: {  	s3 =	sadd.s32 s3, s9;
	s6 =	sadd.s32 @!p0 $0x88, s6;
	s7 =	simm.s32 @p2 $0x1082  }
0x22: {  	[simem:s7], [sflag:s8] =	dma.local @!p0 [hbm:s6], $0xF7A  }
0x23: {  	s9 =	sor.u32 $0xD0000000, s2;
	s6 =	simm.s32 $0x108;
	_ =	swait.ge @!p0 [sflag:s8], $0x0  }
0x24: {  	s3 =	sadd.s32 $0x88, s3;
	s6 =	simm.s32 @!p1 $0x1082;
	[sflag:s4] =	ssyncset.s32 $0xFFFFF086  }
0x25: {  	[simem:s6], [sflag:s4] =	dma.local [hbm:s3], $0xF7A  }
0x26: {  	[smem:$0x3F94] =	sst s1;
	(tag) =	ssettag s2;
	_ =	strace s9  }
0x27: {  	s1 =	sld [smem:$0x3FA4]  }
0x28: {  	s2 =	sld [smem:$0x3FA5]  }
0x29: {  	s4 =	sld [smem:$0x3FA7]  }
0x2a: {  	p0 =	seq.s32 s5, $0x0;
	s5 =	sld [smem:$0x3FA8]  }
0x2b: {  	s6 =	sld [smem:$0x3FA9]  }
0x2c: {  	s7 =	sld [smem:$0x3FAA]  }
0x2d: {  	s3 =	simm.s32 $0x108;
	s8 =	sld [smem:$0x3FAB]  }
0x2e: {  	s3 =	simm.s32 @!p0 $0x1082;
	s9 =	sld [smem:$0x3FAC]  }
0x2f: {  	lr =	sadd.s32 s0, s3;
	s0 =	sld [smem:$0x3FA3]  }
0x30: {  	s3 =	sld [smem:$0x3FA6]  }
0x31: {  	[smem:$0x3FAF] =	sst s10  }
0x32: {  	s10 =	sld [smem:$0x3FAD];
	_ =	sdelay $0x3  }
0x33: {  	p0 =	seq.s32 s10, $0x1;
	s10 =	sld [smem:$0x3FAF];
	_ =	sdelay $0x3  }
0x34: {  	[smem:$0x3FAF] =	sst s10  }
0x35: {  	s10 =	sld [smem:$0x3FAE];
	_ =	sdelay $0x3  }
0x36: {  	p1 =	seq.s32 s10, $0x1;
	s10 =	sld [smem:$0x3FAF];
	_ =	sdelay $0x3  }
0x37: {  	[smem:$0x3FAF] =	sst s10  }
0x38: {  	s10 =	sld [smem:$0x3FB0]  }
0x39: {  	_ = 	snop;
	(pc) =	sbr.ind lr, $3  }
0x3a: {  	_ = 	snop  }
0x3b: {  	_ = 	snop  }
0x3c: {  	p2 =	seq.s32 s10, $0x1;
	s10 =	sld [smem:$0x3FAF]  }
0x3d: {  	_ =	shalt  }
0x3e: {  	_ =	shalt  }
0x3f: {  	_ =	shalt  }
0x40: {  	_ =	shalt  }
0x41: {  	_ =	shalt  }
0x42: {  	_ =	shalt  }
0x43: {  	_ =	shalt  }
0x44: {  	_ =	shalt  }
0x45: {  	_ =	shalt  }
0x46: {  	_ =	shalt  }
0x47: {  	_ =	shalt  }
0x48: {  	_ =	shalt  }
0x49: {  	_ =	shalt  }
0x4a: {  	_ =	shalt  }
0x4b: {  	_ =	shalt  }
0x4c: {  	_ =	shalt  }
0x4d: {  	_ =	shalt  }
0x4e: {  	_ =	shalt  }
0x4f: {  	_ =	shalt  }
0x50: {  	_ =	shalt  }
0x51: {  	_ =	shalt  }
0x52: {  	_ =	shalt  }
0x53: {  	_ =	shalt  }
0x54: {  	_ =	shalt  }
0x55: {  	_ =	shalt  }
0x56: {  	_ =	shalt  }
0x57: {  	_ =	shalt  }
0x58: {  	_ =	shalt  }
0x59: {  	_ =	shalt  }
0x5a: {  	_ =	shalt  }
0x5b: {  	_ =	shalt  }
0x5c: {  	_ =	shalt  }
0x5d: {  	_ =	shalt  }
0x5e: {  	_ =	shalt  }
0x5f: {  	_ =	shalt  }
0x60: {  	_ =	shalt  }
0x61: {  	_ =	shalt  }
0x62: {  	_ =	shalt  }
0x63: {  	_ =	shalt  }
0x64: {  	_ =	shalt  }
0x65: {  	_ =	shalt  }
0x66: {  	_ =	shalt  }
0x67: {  	_ =	shalt  }
0x68: {  	_ =	shalt  }
0x69: {  	_ =	shalt  }
0x6a: {  	_ =	shalt  }
0x6b: {  	_ =	shalt  }
0x6c: {  	_ =	shalt  }
0x6d: {  	_ =	shalt  }
0x6e: {  	_ =	shalt  }
0x6f: {  	_ =	shalt  }
0x70: {  	_ =	shalt  }
0x71: {  	_ =	shalt  }
0x72: {  	_ =	shalt  }
0x73: {  	_ =	shalt  }
0x74: {  	_ =	shalt  }
0x75: {  	_ =	shalt  }
0x76: {  	_ =	shalt  }
0x77: {  	_ =	shalt  }
0x78: {  	_ =	shalt  }
0x79: {  	_ =	shalt  }
0x7a: {  	_ =	shalt  }
0x7b: {  	_ =	shalt  }
0x7c: {  	_ =	shalt  }
0x7d: {  	_ =	shalt  }
0x7e: {  	_ =	shalt  }
0x7f: {  	_ =	shalt  }
0x80: {  	_ =	shalt  }
0x81: {  	_ =	shalt  }
0x82: {  	_ =	shalt  }
0x83: {  	_ =	shalt  }
0x84: {  	_ =	shalt  }
0x85: {  	_ =	shalt  }
0x86: {  	_ =	shalt  }
0x87: {  	_ =	shalt  }
.Lfunc_end0:
.L_simem_size_0:
called_computation.3_lowered:
.L_overlay_start_0:
0x88: {  	s2 =	sld [smem:$0x3FD9]  }
0x89: {  	s3 =	sld [smem:$0x3FFE];
	_ =	sdelay $0x1  }
0x8a: {  	s1 =	srdreg.scid  }
0x8b: {  	s0 =	sand.u32 $0x1, s1  }
0x8c: {  	s16 =	sshll.u32 s0, $0xA;
	s2 =	sadd.s32 s3, s2  }
0x8d: {  	s2 =	sadd.s32 s2, s16  }
0x8e: {  	[smem:$0x3FBB] =	sst s2  }
0x8f: {  	_ = 	snop  }
0x90: {  	(tm) =	ssettm $0x1  }
0x91: {  	s17 =	sld [smem:$0x3FFB];
	_ =	sdelay $0x3  }
0x92: {  	_ =	strace s17  }
0x93: {  	s2 =	sld [smem:$0x3FFC];
	_ =	sdelay $0x3  }
0x94: {  	_ =	strace s2  }
0x95: {  	s2 =	sld [smem:$0x3FFD];
	_ =	sdelay $0x3  }
0x96: {  	_ =	strace s2  }
0x97: {  	_ =	strace $0x8FFFFFFF  }
0x98: {  	s18 =	sld [smem:$0x3FDB];
	_ =	sdelay $0x1  }
0x99: {  	s19 =	simm.s32 $_scs_section_size  }
0x9a: {  	s4 =	simm.s32 $_size__tile_overlayer_lowered;
	s5 =	simm.s32 $_tile_overlayer_lowered  }
0x9b: {  	s22 =	simm.s32 $0x1BFF;
	s21 =	sshll.u32 s5, $0x1;
	s2 =	sadd.s32 s19, s18  }
0x9c: {  	s6 =	simm.s32 $0x0;
	s20 =	sshll.u32 s4, $0x1;
	s4 =	sadd.s32 s21, s2  }
0x9d: {  	[timem:s6], [sflag:s22] =	dma.local [hbm:s4], s20  }
0x9e: {  	_ =	swait.ge [sflag:s22], s20  }
0x9f: {  	s3 =	ssub.s32 $0x0, s20;
	[sflag:s22] =	ssyncset.done $0x0  }
0xa0: {  	[sflag:s22] =	ssyncadd.s32 s3;
	_ =	sdelay $0x1  }
0xa1: {  	s23 =	simm.s32 $0x1B8B  }
0xa2: {  	_ =	swait.ge [sflag:s23], $0x1  }
0xa3: {  	[sflag:s23] =	ssyncset.done $0x0  }
0xa4: {  	s25 =	simm.s32 $0x1B8E;
	s24 =	sld [smem:$0x3FFE];
	[sflag:s23] =	ssyncadd.s32 $0xFFFFFFFF  }
0xa5: {  	s26 =	simm.s32 $execute0_lowered;
	[smem:$0x3FD2] =	sst s25  }
0xa6: {  	s4 =	sshll.u32 s26, $0x1;
	_ =	strace $0x8000004F;
	[dreg:$0x1] =	wrdreg $0xFFFFFFFF  }
0xa7: {  	s28 =	simm.s32 $_size_execute0_lowered;
	s2 =	sadd.s32 s2, s4;
	[dreg:$0x0] =	wrdreg $0x0  }
0xa8: {  	s4 =	sshll.u32 s28, $0x1;
	[dreg:$0x2] =	wrdreg s2  }
0xa9: {  	[dreg:$0x3] =	wrdreg s4  }
0xaa: {  	[dreg:$0x4] =	wrdreg $0xC0  }
0xab: {  	_ =	task [dreg:s6], $0x5FFFF  }
0xac: {  	[dreg:$0x1] =	wrdreg $0xFFFFFFFF  }
0xad: {  	[dreg:$0x0] =	wrdreg $0x60  }
0xae: {  	[dreg:$0x2] =	wrdreg s24  }
0xaf: {  	[dreg:$0x3] =	wrdreg $0xA8000  }
0xb0: {  	[dreg:$0x4] =	wrdreg $0x9  }
0xb1: {  	_ =	task.clear_ibuf [dreg:s6], $0x5FFFF;
	_ =	strace $0x9000004F  }
0xb2: {  	s29 =	simm.s32 $0x9;
	_ =	strace $0x80000051  }
0xb3: {  	_ =	swait.ge [sflag:s29], $0x1  }
0xb4: {  	[sflag:s29] =	ssyncadd.s32 $0xFFFFFFFF  }
0xb5: {  	_ =	strace $0x90000051  }
0xb6: {  	_ =	sfence  }
0xb7: {  	s30 =	sld [smem:$0x0];
	_ =	sdelay $0x2  }
0xb8: {  	s31 =	sshll.u32 s1, $0xD;
	s1 =	sshrl.u32 s1, $0x2  }
0xb9: {  	s3 =	sand.u32 $0x4000, s31;
	s1 =	sadd.s32 s1, s30  }
0xba: {  	s0 =	sor.u32 s3, s0;
	s1 =	sshll.u32 s1, $0x11  }
0xbb: {  	s0 =	sor.u32 s1, s0  }
0xbc: {  	s0 =	sadd.s32 $0x8F2B, s0  }
0xbd: {  	[sflag:s0] =	ssyncadd.remote.s32 $0x1  }
0xbe: {  	_ =	sfence.sel $0xFFFF  }
0xbf: {  	[dreg:$0x0] =	wrdreg $0xFFFFFFFF;
	(pc) =	sbr.abs _section_cstart, $3  }
0xc0: {  	[dreg:$0x1] =	wrdreg $0xFFFFFFFF  }
0xc1: {  	_ =	task.clear_ibuf [dreg:s6], $0x2FFFF;
	_ =	strace $0x9FFFFFFF  }
0xc2: {  	(tm) =	ssettm $0x7FFFFFFF  }
0xc3: {  	_ =	shalt  }
tec
execute0_lowered:
.L_overlay_start_1:
0x0: {  	(tag) =	ssettag $0x1  }
0x1: {  	s6 =	rddreg [dreg:$0x0]  }
0x2: {  	s1 =	rddreg [dreg:$0x1]  }
0x3: {  	s0 =	rddreg [dreg:$0x2];
	s3 =	simm.s32 $0x0;
	s2 =	srdreg.scid  }
0x4: {  	s16 =	simm.s32 $0x1400;
	s17 =	simm.s32 $0x2;
	s18 =	simm.s32 $0x80  }
0x5: {  	s19 =	simm.s32 $0x2800;
	s20 =	simm.s32 $0x6800;
	s21 =	simm.s32 $0x1  }
0x6: {  	s22 =	simm.s32 $0x1380;
	s23 =	simm.s32 $0x2700;
	s24 =	simm.s32 $0x2780  }
0x7: {  	s25 =	simm.s32 $0x0;
	[smem:$0x7FF] =	sst s3;
	s7 =	sand.u32 $0x1, s2  }
0x8: {  	s2 =	stileid.u32;
	s4 =	sadd.s32 $0x17E00, s6;
	s10 =	sadd.s32 $0xDE00, s6  }
0x9: {  	s11 =	sadd.s32 $0x3E00, s6;
	s5 =	sadd.s32 $0x3F000, s6;
	s8 =	smul.u32 $0x140000, s7  }
0xa: {  	s9 =	smul.u32 $0x14000, s2;
	s26 =	sshll.u32 s7, $0x4;
	s7 =	ssub.s32 $0x2, s7  }
0xb: {  	_ =	strace $0x80000050;
	s12 =	smul.u32 $0x50000, s2;
	s13 =	sshrl.u32 s7, $0x1  }
0xc: {  	s8 =	sadd.s32 s9, s8;
	s9 =	sor.u32 s2, s26;
	s13 =	ssub.s32 s7, s13  }
0xd: {  	s28 =	sshrl.u32 s12, $0x2;
	s8 =	sshrl.u32 s8, $0x3;
	s14 =	smul.u32 $0x2800, s9  }
0xe: {  	s9 =	smul.u32 $0x500, s9;
	s30 =	sadd.s32 s28, s1;
	s13 =	smax.u32 s13, $0x1  }
0xf: {  	s15 =	sadd.s32 s8, s6;
	s6 =	sshll.u32 s2, $0x6;
	s29 =	sshrl.u32 s14, $0x3  }
0x10: {  	s7 =	sor.u32 $0x1C02, s6;
	s8 =	sadd.s32 s10, s9;
	s9 =	sadd.s32 s11, s9  }
0x11: {  	s12 =	sadd.s32 $0x41800, s15;
	s14 =	sshrl.u32 s30, $0x3;
	s31 =	sadd.s32 $0x280, s29  }
0x12: {  	s15 =	simm.s32 $0x3;
	s10 =	sadd.s32 s10, s31;
	s11 =	sadd.s32 s11, s31  }
.LBB2_1:
0x13: {  	[spmem:s14], [sflag:s7] =	dma.local [hbm:s5], $0x2800  }
0x14: {  	[tilespmem:s3], [sflag:$0x3] =	stream.linear.gather [hbm4b:s8+s3], $0x1400, $0x38;
	[tilespmem:$0x1E800] =	vst v63  }
0x15: {  	_ =	swait.ge [sflag:s15], $0x1400  }
0x16: {  	[sflag:s15] =	ssyncset.done $0x0  }
0x17: {  	[sflag:s15] =	ssyncadd.s32 $0xFFFFEC00  }
0x18: {  	[tilespmem:s16], [sflag:$0x3] =	stream.linear.gather [hbm4b:s9+s3], $0x1400, $0x38;
	[tilespmem:$0x1E800] =	vst v63  }
0x19: {  	_ =	swait.ge [sflag:s15], $0x1400  }
0x1a: {  	[sflag:s15] =	ssyncset.done $0x0  }
0x1b: {  	[sflag:s15] =	ssyncadd.s32 $0xFFFFEC00  }
0x1c: {  	_ =	swait.ge [sflag:s17], $0x2800  }
0x1d: {  	[sflag:s17] =	ssyncset.done $0x0  }
0x1e: {  	[sflag:s17] =	ssyncadd.s32 $0xFFFFD800  }
0x1f: {  	[bflag:$0x0] =	sbarrier.arrive $0xFFFF  }
0x20: {  	[tilespmem:s19], [sflag:$0x1] =	stream.indirect.gather [hbm4b:s4+s18], $0x80, s3, s18, $0xb8;
	[tilespmem:$0x1E800] =	vst v63  }
0x21: {  	s26 =	simm.s32 $0x80  }
0x22: {  	[tilespmem:s20], [sflag:$0x2] =	stream.indirect.gather [hbm4b:s4+s18], $0x80, s26, s18, $0xb8;
	[tilespmem:$0x1E800] =	vst v63  }
0x23: {  	_ =	swait.ge [sflag:s21], $0x4000  }
0x24: {  	[sflag:s21] =	ssyncset.done $0x0  }
0x25: {  	s29 =	simm.s32 $0x1400;
	[sflag:s21] =	ssyncadd.s32 $0xFFFFC000  }
0x26: {  	[spmem:s1] =	stream.indirect.scatter.add.f32 [tilespmem:s19], [sflag:$0x3], $0x80, s29, s18, $0xb8;
	[tilespmem:$0x1E800] =	vst v63  }
0x27: {  	_ =	swait.ge [sflag:s15], $0x4000  }
0x28: {  	[sflag:s15] =	ssyncset.done $0x0  }
0x29: {  	s30 =	simm.s32 $0x100;
	[sflag:s15] =	ssyncadd.s32 $0xFFFFC000  }
0x2a: {  	[tilespmem:s19], [sflag:$0x1] =	stream.indirect.gather [hbm4b:s4+s18], $0x80, s30, s18, $0xb8;
	[tilespmem:$0x1E800] =	vst v63  }
0x2b: {  	_ =	swait.ge [sflag:s17], $0x4000  }
0x2c: {  	[sflag:s17] =	ssyncset.done $0x0  }
0x2d: {  	s31 =	simm.s32 $0x1480;
	[sflag:s17] =	ssyncadd.s32 $0xFFFFC000  }
0x2e: {  	[spmem:s1] =	stream.indirect.scatter.add.f32 [tilespmem:s20], [sflag:$0x3], $0x80, s31, s18, $0xb8;
	[tilespmem:$0x1E800] =	vst v63  }
0x2f: {  	_ =	swait.ge [sflag:s15], $0x4000  }
0x30: {  	s28 =	simm.s32 $0x800;
	s26 =	simm.s32 $0x100;
	[sflag:s15] =	ssyncset.done $0x0  }
.LBB2_2:
0x31: {  	s29 =	sadd.s32 $0x80, s26  }
0x32: {  	[sflag:s15] =	ssyncadd.s32 $0xFFFFC000;
	s30 =	smov.u32 s28;
	s31 =	sadd.s32 $0x400, s28  }
0x33: {  	[tilespmem:s20], [sflag:$0x2] =	stream.indirect.gather [hbm4b:s4+s18], $0x80, s29, s18, $0xb8;
	[tilespmem:$0x1E800] =	vst v63  }
0x34: {  	p0 =	sne.s32 s28, $0x4800;
	_ =	swait.ge [sflag:s21], $0x4000  }
0x35: {  	[sflag:s21] =	ssyncset.done $0x0  }
0x36: {  	s28 =	sadd.s32 $0x1400, s26;
	[sflag:s21] =	ssyncadd.s32 $0xFFFFC000  }
0x37: {  	[spmem:s1] =	stream.indirect.scatter.add.f32 [tilespmem:s19], [sflag:$0x3], $0x80, s28, s18, $0xb8;
	[tilespmem:$0x1E800] =	vst v63  }
0x38: {  	_ =	swait.ge [sflag:s15], $0x4000  }
0x39: {  	[sflag:s15] =	ssyncset.done $0x0  }
0x3a: {  	s28 =	sadd.s32 $0x100, s26;
	[sflag:s15] =	ssyncadd.s32 $0xFFFFC000  }
0x3b: {  	[tilespmem:s19], [sflag:$0x1] =	stream.indirect.gather [hbm4b:s4+s18], $0x80, s28, s18, $0xb8;
	[tilespmem:$0x1E800] =	vst v63  }
0x3c: {  	_ =	swait.ge [sflag:s17], $0x4000  }
.Ltmp0:
0x3d: {  	[sflag:s17] =	ssyncset.done $0x0;
	(pc) =	sbr.rel @p0 .LBB2_2-.Ltmp0, $4  }
0x3e: {  	s26 =	sadd.s32 $0x1480, s26;
	[sflag:s17] =	ssyncadd.s32 $0xFFFFC000  }
0x3f: {  	[spmem:s1] =	stream.indirect.scatter.add.f32 [tilespmem:s20], [sflag:$0x3], $0x80, s26, s18, $0xb8;
	[tilespmem:$0x1E800] =	vst v63  }
0x40: {  	_ =	swait.ge [sflag:s15], $0x4000  }
0x41: {  	s28 =	smov.u32 s31;
	s26 =	sshra.s32 s30, $0x2;
	[sflag:s15] =	ssyncset.done $0x0  }
0x42: {  	s28 =	sadd.s32 $0x80, s26;
	[sflag:s15] =	ssyncadd.s32 $0xFFFFC000  }
0x43: {  	[tilespmem:s20], [sflag:$0x2] =	stream.indirect.gather [hbm4b:s4+s18], $0x80, s28, s18, $0xb8;
	[tilespmem:$0x1E800] =	vst v63  }
0x44: {  	_ =	swait.ge [sflag:s21], $0x4000  }
0x45: {  	[sflag:s21] =	ssyncset.done $0x0  }
0x46: {  	s28 =	sadd.s32 $0x1400, s26;
	[sflag:s21] =	ssyncadd.s32 $0xFFFFC000  }
0x47: {  	[spmem:s1] =	stream.indirect.scatter.add.f32 [tilespmem:s19], [sflag:$0x3], $0x80, s28, s18, $0xb8;
	[tilespmem:$0x1E800] =	vst v63  }
0x48: {  	_ =	swait.ge [sflag:s15], $0x4000  }
0x49: {  	[sflag:s15] =	ssyncset.done $0x0  }
0x4a: {  	s28 =	sadd.s32 $0x100, s26;
	[sflag:s15] =	ssyncadd.s32 $0xFFFFC000  }
0x4b: {  	[tilespmem:s19], [sflag:$0x1] =	stream.indirect.gather [hbm4b:s4+s18], $0x80, s28, s18, $0xb8;
	[tilespmem:$0x1E800] =	vst v63  }
0x4c: {  	_ =	swait.ge [sflag:s17], $0x4000  }
0x4d: {  	[sflag:s17] =	ssyncset.done $0x0  }
0x4e: {  	s29 =	sadd.s32 $0x1480, s26;
	[sflag:s17] =	ssyncadd.s32 $0xFFFFC000  }
0x4f: {  	[spmem:s1] =	stream.indirect.scatter.add.f32 [tilespmem:s20], [sflag:$0x3], $0x80, s29, s18, $0xb8;
	[tilespmem:$0x1E800] =	vst v63  }
0x50: {  	_ =	swait.ge [sflag:s15], $0x4000  }
0x51: {  	[sflag:s15] =	ssyncset.done $0x0  }
0x52: {  	[sflag:s15] =	ssyncadd.s32 $0xFFFFC000  }
0x53: {  	[tilespmem:s20], [sflag:$0x2] =	stream.indirect.gather [hbm4b:s4+s18], $0x80, s22, s18, $0xb8;
	[tilespmem:$0x1E800] =	vst v63  }
0x54: {  	_ =	swait.ge [sflag:s21], $0x4000  }
0x55: {  	[sflag:s21] =	ssyncset.done $0x0  }
0x56: {  	[sflag:s21] =	ssyncadd.s32 $0xFFFFC000  }
0x57: {  	[spmem:s1] =	stream.indirect.scatter.add.f32 [tilespmem:s19], [sflag:$0x3], $0x80, s23, s18, $0xb8;
	[tilespmem:$0x1E800] =	vst v63  }
0x58: {  	_ =	swait.ge [sflag:s15], $0x4000  }
0x59: {  	[sflag:s15] =	ssyncset.done $0x0  }
0x5a: {  	[sflag:s15] =	ssyncadd.s32 $0xFFFFC000  }
0x5b: {  	_ =	swait.ge [sflag:s17], $0x4000  }
0x5c: {  	[sflag:s17] =	ssyncset.done $0x0  }
0x5d: {  	[sflag:s17] =	ssyncadd.s32 $0xFFFFC000  }
0x5e: {  	[spmem:s1] =	stream.indirect.scatter.add.f32 [tilespmem:s20], [sflag:$0x3], $0x80, s24, s18, $0xb8;
	[tilespmem:$0x1E800] =	vst v63  }
0x5f: {  	_ =	swait.ge [sflag:s15], $0x4000  }
0x60: {  	[sflag:s15] =	ssyncset.done $0x0  }
0x61: {  	s30 =	simm.s32 $0x0;
	[sflag:s15] =	ssyncadd.s32 $0xFFFFC000  }
0x62: {  	[tilespmem:s30], [sflag:$0x3] =	stream.linear.gather [hbm4b:s10+s30], $0x1400, $0x38;
	[tilespmem:$0x1E800] =	vst v63  }
0x63: {  	_ =	swait.ge [sflag:s15], $0x1400  }
0x64: {  	[sflag:s15] =	ssyncset.done $0x0  }
0x65: {  	[sflag:s15] =	ssyncadd.s32 $0xFFFFEC00  }
0x66: {  	[tilespmem:s16], [sflag:$0x3] =	stream.linear.gather [hbm4b:s11+s30], $0x1400, $0x38;
	[tilespmem:$0x1E800] =	vst v63  }
0x67: {  	_ =	swait.ge [sflag:s15], $0x1400  }
0x68: {  	[sflag:s15] =	ssyncset.done $0x0  }
0x69: {  	[sflag:s15] =	ssyncadd.s32 $0xFFFFEC00  }
0x6a: {  	[tilespmem:s19], [sflag:$0x1] =	stream.indirect.gather [hbm4b:s4+s18], $0x80, s30, s18, $0xb8;
	[tilespmem:$0x1E800] =	vst v63  }
0x6b: {  	s31 =	simm.s32 $0x80  }
0x6c: {  	[tilespmem:s20], [sflag:$0x2] =	stream.indirect.gather [hbm4b:s4+s18], $0x80, s31, s18, $0xb8;
	[tilespmem:$0x1E800] =	vst v63  }
0x6d: {  	_ =	swait.ge [sflag:s21], $0x4000  }
0x6e: {  	[sflag:s21] =	ssyncset.done $0x0  }
0x6f: {  	s29 =	simm.s32 $0x1400;
	[sflag:s21] =	ssyncadd.s32 $0xFFFFC000  }
0x70: {  	[spmem:s1] =	stream.indirect.scatter.add.f32 [tilespmem:s19], [sflag:$0x3], $0x80, s29, s18, $0xb8;
	[tilespmem:$0x1E800] =	vst v63  }
0x71: {  	_ =	swait.ge [sflag:s15], $0x4000  }
0x72: {  	[sflag:s15] =	ssyncset.done $0x0  }
0x73: {  	s30 =	simm.s32 $0x100;
	[sflag:s15] =	ssyncadd.s32 $0xFFFFC000  }
0x74: {  	[tilespmem:s19], [sflag:$0x1] =	stream.indirect.gather [hbm4b:s4+s18], $0x80, s30, s18, $0xb8;
	[tilespmem:$0x1E800] =	vst v63  }
0x75: {  	_ =	swait.ge [sflag:s17], $0x4000  }
0x76: {  	[sflag:s17] =	ssyncset.done $0x0  }
0x77: {  	s31 =	simm.s32 $0x1480;
	[sflag:s17] =	ssyncadd.s32 $0xFFFFC000  }
0x78: {  	[spmem:s1] =	stream.indirect.scatter.add.f32 [tilespmem:s20], [sflag:$0x3], $0x80, s31, s18, $0xb8;
	[tilespmem:$0x1E800] =	vst v63  }
0x79: {  	_ =	swait.ge [sflag:s15], $0x4000  }
0x7a: {  	s26 =	simm.s32 $0x100;
	s28 =	simm.s32 $0x800;
	[sflag:s15] =	ssyncset.done $0x0  }
.LBB2_4:
0x7b: {  	s29 =	sadd.s32 $0x80, s26  }
0x7c: {  	[sflag:s15] =	ssyncadd.s32 $0xFFFFC000;
	s30 =	smov.u32 s28;
	s31 =	sadd.s32 $0x400, s28  }
0x7d: {  	[tilespmem:s20], [sflag:$0x2] =	stream.indirect.gather [hbm4b:s4+s18], $0x80, s29, s18, $0xb8;
	[tilespmem:$0x1E800] =	vst v63  }
0x7e: {  	p0 =	sne.s32 s28, $0x4800;
	_ =	swait.ge [sflag:s21], $0x4000  }
0x7f: {  	[sflag:s21] =	ssyncset.done $0x0  }
0x80: {  	s28 =	sadd.s32 $0x1400, s26;
	[sflag:s21] =	ssyncadd.s32 $0xFFFFC000  }
0x81: {  	[spmem:s1] =	stream.indirect.scatter.add.f32 [tilespmem:s19], [sflag:$0x3], $0x80, s28, s18, $0xb8;
	[tilespmem:$0x1E800] =	vst v63  }
0x82: {  	_ =	swait.ge [sflag:s15], $0x4000  }
0x83: {  	[sflag:s15] =	ssyncset.done $0x0  }
0x84: {  	s28 =	sadd.s32 $0x100, s26;
	[sflag:s15] =	ssyncadd.s32 $0xFFFFC000  }
0x85: {  	[tilespmem:s19], [sflag:$0x1] =	stream.indirect.gather [hbm4b:s4+s18], $0x80, s28, s18, $0xb8;
	[tilespmem:$0x1E800] =	vst v63  }
0x86: {  	_ =	swait.ge [sflag:s17], $0x4000  }
.Ltmp1:
0x87: {  	[sflag:s17] =	ssyncset.done $0x0;
	(pc) =	sbr.rel @p0 .LBB2_4-.Ltmp1, $4  }
0x88: {  	s26 =	sadd.s32 $0x1480, s26;
	[sflag:s17] =	ssyncadd.s32 $0xFFFFC000  }
0x89: {  	[spmem:s1] =	stream.indirect.scatter.add.f32 [tilespmem:s20], [sflag:$0x3], $0x80, s26, s18, $0xb8;
	[tilespmem:$0x1E800] =	vst v63  }
0x8a: {  	_ =	swait.ge [sflag:s15], $0x4000  }
0x8b: {  	s28 =	smov.u32 s31;
	s26 =	sshra.s32 s30, $0x2;
	[sflag:s15] =	ssyncset.done $0x0  }
0x8c: {  	s28 =	sadd.s32 $0x80, s26;
	[sflag:s15] =	ssyncadd.s32 $0xFFFFC000  }
0x8d: {  	[tilespmem:s20], [sflag:$0x2] =	stream.indirect.gather [hbm4b:s4+s18], $0x80, s28, s18, $0xb8;
	[tilespmem:$0x1E800] =	vst v63  }
0x8e: {  	_ =	swait.ge [sflag:s21], $0x4000  }
0x8f: {  	[sflag:s21] =	ssyncset.done $0x0  }
0x90: {  	s31 =	sadd.s32 $0x1400, s26;
	[sflag:s21] =	ssyncadd.s32 $0xFFFFC000  }
0x91: {  	[spmem:s1] =	stream.indirect.scatter.add.f32 [tilespmem:s19], [sflag:$0x3], $0x80, s31, s18, $0xb8;
	[tilespmem:$0x1E800] =	vst v63  }
0x92: {  	_ =	swait.ge [sflag:s15], $0x4000  }
0x93: {  	[sflag:s15] =	ssyncset.done $0x0  }
0x94: {  	s29 =	sadd.s32 $0x100, s26;
	[sflag:s15] =	ssyncadd.s32 $0xFFFFC000  }
0x95: {  	[tilespmem:s19], [sflag:$0x1] =	stream.indirect.gather [hbm4b:s4+s18], $0x80, s29, s18, $0xb8;
	[tilespmem:$0x1E800] =	vst v63  }
0x96: {  	_ =	swait.ge [sflag:s17], $0x4000  }
0x97: {  	[sflag:s17] =	ssyncset.done $0x0  }
0x98: {  	s30 =	sadd.s32 $0x1480, s26;
	[sflag:s17] =	ssyncadd.s32 $0xFFFFC000  }
0x99: {  	[spmem:s1] =	stream.indirect.scatter.add.f32 [tilespmem:s20], [sflag:$0x3], $0x80, s30, s18, $0xb8;
	[tilespmem:$0x1E800] =	vst v63  }
0x9a: {  	_ =	swait.ge [sflag:s15], $0x4000  }
0x9b: {  	[sflag:s15] =	ssyncset.done $0x0  }
0x9c: {  	[sflag:s15] =	ssyncadd.s32 $0xFFFFC000  }
0x9d: {  	[tilespmem:s20], [sflag:$0x2] =	stream.indirect.gather [hbm4b:s4+s18], $0x80, s22, s18, $0xb8;
	[tilespmem:$0x1E800] =	vst v63  }
0x9e: {  	_ =	swait.ge [sflag:s21], $0x4000  }
0x9f: {  	[sflag:s21] =	ssyncset.done $0x0  }
0xa0: {  	[sflag:s21] =	ssyncadd.s32 $0xFFFFC000  }
0xa1: {  	[spmem:s1] =	stream.indirect.scatter.add.f32 [tilespmem:s19], [sflag:$0x3], $0x80, s23, s18, $0xb8;
	[tilespmem:$0x1E800] =	vst v63  }
0xa2: {  	_ =	swait.ge [sflag:s15], $0x4000  }
0xa3: {  	[sflag:s15] =	ssyncset.done $0x0  }
0xa4: {  	[sflag:s15] =	ssyncadd.s32 $0xFFFFC000  }
0xa5: {  	_ =	swait.ge [sflag:s17], $0x4000  }
0xa6: {  	[sflag:s17] =	ssyncset.done $0x0  }
0xa7: {  	[sflag:s17] =	ssyncadd.s32 $0xFFFFC000  }
0xa8: {  	[spmem:s1] =	stream.indirect.scatter.add.f32 [tilespmem:s20], [sflag:$0x3], $0x80, s24, s18, $0xb8;
	[tilespmem:$0x1E800] =	vst v63  }
0xa9: {  	_ =	swait.ge [sflag:s15], $0x4000  }
0xaa: {  	s25 =	sadd.s32 $0x1, s25;
	[sflag:s15] =	ssyncset.done $0x0  }
0xab: {  	p0 =	sne.s32 s25, s13;
	[sflag:s15] =	ssyncadd.s32 $0xFFFFC000  }
.Ltmp2:
0xac: {  	s31 =	sor.u32 $0x1C03, s6;
	[bflag:$0x0] =	sbarrier.arrive $0xFFFF;
	(pc) =	sbr.rel @p0 .LBB2_1-.Ltmp2, $4  }
0xad: {  	[hbm:s12], [sflag:s31] =	dma.local [spmem:s14], $0x2800  }
0xae: {  	_ =	swait.ge [sflag:s15], $0x2800  }
0xaf: {  	[sflag:s15] =	ssyncset.done $0x0  }
0xb0: {  	[sflag:s15] =	ssyncadd.s32 $0xFFFFD800  }
0xb1: {  	_ =	sfence.sel $0x180000  }
0xb2: {  	[bflag:$0x0] =	sbarrier.arrive $0xFFFF  }
0xb3: {  	p0 =	sne.s32 s2, $0x0;
	_ =	strace $0x90000050  }
0xb4: {  	s0 =	sadd.s32 @!p0 $0x100000, s0;
	[bflag:$0x2] =	sbarrier.arrive $0xFFFF  }
0xb5: {  	[sflag:s0] =	ssyncadd.tile.s32 @!p0 $0x1;
	_ =	shalt  }
.Lfunc_end2:
_tile_overlayer_lowered:
.L_overlay_start_2:
0xb6: {  	(tag) =	ssettag $0x2  }
0xb7: {  	s0 =	rddreg [dreg:$0x0];
	s2 =	stileid.u32  }
0xb8: {  	s1 =	rddreg [dreg:$0x1];
	p0 =	sne.s32 s2, $0x0  }
0xb9: {  	s3 =	rddreg [dreg:$0x2];
	[bflag:$0x3] =	sbarrier.arrive $0xFFFF;
	s2 =	simm.s32 @!p0 $0x1C03  }
0xba: {  	[timem:s3], [sflag:s2] =	dma.local @!p0 [hbm:s0], s1  }
0xbb: {  	s0 =	simm.s32 @!p0 $0x3  }
0xbc: {  	_ =	swait.ge @!p0 [sflag:s0], s1  }
0xbd: {  	s1 =	ssub.s32 @!p0 $0x0, s1;
	[sflag:s0] =	ssyncset.done @!p0 $0x0  }
0xbe: {  	[sflag:s0] =	ssyncadd.s32 @!p0 s1  }
0xbf: {  	[bflag:$0x3] =	sbarrier.arrive $0xFFFF  }
0xc0: {  	_ =	shalt  }

</sc_bundles>
